<compile_context>
chip_gen: v7x
topology: tpu7x:2x2x1
jax: 0.10.2.dev20260603
libtpu: 0.0.44.dev20260713+nightly
codegen_flags: <defaults>
</compile_context>

<pallas_src>
import functools

import jax
import jax.numpy as jnp
from jax import lax
from jax.experimental import pallas as pl
from jax.experimental.pallas import tpu as pltpu
from jax.experimental.pallas import tpu_sc as plsc

N_NODES = 10000
D = 128
N_EDGES = 320000

NC = 2
NS = 16
CHUNK = 128
SUB = 64
NCH = N_EDGES // CHUNK
NCH_PAD = 2560
N_PAD = N_NODES + 8
K1_CH = NCH_PAD // (NC * NS)
K3_CH = NCH_PAD // (NC * NS)

_mesh = plsc.VectorSubcoreMesh(core_axis_name="c", subcore_axis_name="s")


NH = 10240
HW = 2 * NH
HSLICE = HW // NS

@functools.partial(
    pl.kernel,
    out_type=jax.ShapeDtypeStruct((NC, HW), jnp.float32),
    mesh=_mesh,
    compiler_params=pltpu.CompilerParams(needs_layout_passes=False),
    scratch_types=[
        pltpu.VMEM((K1_CH, CHUNK), jnp.int32),
        pltpu.VMEM((K1_CH, CHUNK), jnp.int32),
        pltpu.VMEM((HW,), jnp.float32),
        pltpu.VMEM((HSLICE,), jnp.float32),
        pltpu.VMEM((HSLICE,), jnp.float32),
        pltpu.VMEM_SHARED((NS, HW), jnp.float32),
    ],
)
def _deg_kernel(src_hbm, dst_hbm, out_hbm,
                srcv, dstv, hist, acc, tmp, hists_sh):
    ci = lax.axis_index("c")
    si = lax.axis_index("s")
    start = (ci * NS + si) * K1_CH

    pltpu.sync_copy(src_hbm.at[pl.ds(start, K1_CH)], srcv)
    pltpu.sync_copy(dst_hbm.at[pl.ds(start, K1_CH)], dstv)

    zeros16 = jnp.zeros((16,), jnp.float32)

    def zbody(i, carry):
        hist[pl.ds(i * 16, 16)] = zeros16
        return carry

    lax.fori_loop(0, HW // 16, zbody, 0)

    def body(k, carry):
        for l in range(CHUNK // 16):
            s16 = srcv[k, pl.ds(l * 16, 16)] * 2
            cnt_s, last_s = plsc.scan_count(s16)
            plsc.addupdate_scatter(hist, [s16], cnt_s.astype(jnp.float32),
                                   mask=last_s)
            d16 = dstv[k, pl.ds(l * 16, 16)] * 2 + 1
            cnt_d, last_d = plsc.scan_count(d16)
            plsc.addupdate_scatter(hist, [d16], cnt_d.astype(jnp.float32),
                                   mask=last_d)
        return carry

    lax.fori_loop(0, K1_CH, body, 0)

    pltpu.sync_copy(hist, hists_sh.at[si])
    plsc.subcore_barrier()

    off = si * HSLICE
    pltpu.sync_copy(hists_sh.at[0].at[pl.ds(off, HSLICE)], acc)
    for t in range(1, NS):
        pltpu.sync_copy(hists_sh.at[t].at[pl.ds(off, HSLICE)], tmp)

        def rbody(i, carry):
            acc[pl.ds(i * 16, 16)] = (acc[pl.ds(i * 16, 16)]
                                      + tmp[pl.ds(i * 16, 16)])
            return carry

        lax.fori_loop(0, HSLICE // 16, rbody, 0)

    pltpu.sync_copy(acc, out_hbm.at[ci].at[pl.ds(off, HSLICE)])


def _norm_body(feat_ref, degp_ref, h_ref, nr_ref):
    degs = degp_ref[0] + degp_ref[1]
    norm = lax.rsqrt(jnp.maximum(degs, 1.0))
    h_ref[...] = feat_ref[...] * norm[:, 0:1]
    nr_ref[...] = norm[:, 1:2]


def _norm_kernel(feat, degp):
    br = 1000
    grid = (N_NODES // br,)
    return pl.pallas_call(
        _norm_body,
        grid=grid,
        in_specs=[
            pl.BlockSpec((br, D), lambda r: (r, 0)),
            pl.BlockSpec((NC, br, 2), lambda r: (0, r, 0)),
        ],
        out_specs=[
            pl.BlockSpec((br, D), lambda r: (r, 0)),
            pl.BlockSpec((br, 1), lambda r: (r, 0)),
        ],
        out_shape=[
            jax.ShapeDtypeStruct((N_NODES, D), jnp.float32),
            jax.ShapeDtypeStruct((N_NODES, 1), jnp.float32),
        ],
    )(feat, degp)


@functools.partial(
    pl.kernel,
    out_type=jax.ShapeDtypeStruct((NC, N_NODES, D), jnp.float32),
    mesh=_mesh,
    scratch_types=[
        pltpu.VMEM((K3_CH, CHUNK), jnp.int32),
        pltpu.VMEM((K3_CH, CHUNK), jnp.int32),
        pltpu.VMEM((3, SUB, D), jnp.float32),
        pltpu.VMEM_SHARED((N_PAD, D), jnp.float32),
    ] + [pltpu.SemaphoreType.DMA] * 3,
)
def _agg_kernel(h_hbm, src_hbm, dst_hbm, zeros_hbm, out_hbm,
                srcv, dstv, rows, agg_sh, *sems):
    ci = lax.axis_index("c")
    si = lax.axis_index("s")
    start = (ci * NS + si) * K3_CH

    zrows = 624
    zoff = si * zrows
    pltpu.sync_copy(zeros_hbm.at[pl.ds(zoff, zrows)],
                    agg_sh.at[pl.ds(zoff, zrows)])

    @pl.when(si == NS - 1)
    def _():
        ztail = N_PAD - NS * zrows
        pltpu.sync_copy(zeros_hbm.at[pl.ds(NS * zrows, ztail)],
                        agg_sh.at[pl.ds(NS * zrows, ztail)])

    pltpu.sync_copy(src_hbm.at[pl.ds(start, K3_CH)], srcv)
    pltpu.sync_copy(dst_hbm.at[pl.ds(start, K3_CH)], dstv)
    plsc.subcore_barrier()

    def _gidx(k, half):
        return srcv.at[k, pl.ds(half * SUB, SUB)]

    def _step(k, half, b):
        buf = rows.at[b]
        pltpu.make_async_copy(h_hbm.at[_gidx(k, half)], buf, sems[b]).wait()
        pltpu.sync_copy(
            buf, agg_sh.at[dstv.at[k, pl.ds(half * SUB, SUB)]], add=True)
        kn = k + 1 + half
        pltpu.async_copy(h_hbm.at[_gidx(kn, 1 - half)], buf, sems[b])

    for j in range(3):
        pltpu.async_copy(h_hbm.at[_gidx(j // 2, j % 2)],
                         rows.at[j], sems[j])

    def body(g, carry):
        for r in range(6):
            _step(3 * g + r // 2, r % 2, r % 3)
        return carry

    lax.fori_loop(0, (2 * K3_CH - 4) // 6, body, 0)

    kl = K3_CH - 2
    _step(kl, 0, 0)
    for j in range(157, 160):
        b = j % 3
        k, half = j // 2, j % 2
        buf = rows.at[b]
        pltpu.make_async_copy(h_hbm.at[_gidx(k, half)], buf, sems[b]).wait()
        pltpu.sync_copy(
            buf, agg_sh.at[dstv.at[k, pl.ds(half * SUB, SUB)]], add=True)
    plsc.subcore_barrier()

    rows_per = 624
    off = si * rows_per
    pltpu.sync_copy(agg_sh.at[pl.ds(off, rows_per)],
                    out_hbm.at[ci].at[pl.ds(off, rows_per)])

    @pl.when(si == NS - 1)
    def _():
        tail = N_NODES - NS * rows_per
        pltpu.sync_copy(agg_sh.at[pl.ds(NS * rows_per, tail)],
                        out_hbm.at[ci].at[pl.ds(NS * rows_per, tail)])


def _out_body(aggp_ref, nr_ref, w_ref, b_ref, o_ref):
    agg = (aggp_ref[0] + aggp_ref[1]) * nr_ref[...]
    o_ref[...] = (
        jnp.dot(agg, w_ref[...], preferred_element_type=jnp.float32)
        + b_ref[...]
    )


def _out_kernel(aggp, norm_r, W, b2d):
    br = 1000
    grid = (N_NODES // br,)
    return pl.pallas_call(
        _out_body,
        grid=grid,
        in_specs=[
            pl.BlockSpec((NC, br, D), lambda r: (0, r, 0)),
            pl.BlockSpec((br, 1), lambda r: (r, 0)),
            pl.BlockSpec((D, D), lambda r: (0, 0)),
            pl.BlockSpec((1, D), lambda r: (0, 0)),
        ],
        out_specs=pl.BlockSpec((br, D), lambda r: (r, 0)),
        out_shape=jax.ShapeDtypeStruct((N_NODES, D), jnp.float32),
    )(aggp, norm_r, W, b2d)


def kernel(feat, edge_index, num_bits, num_grad_bits, W, b):
    pad = ((0, NCH_PAD - NCH), (0, 0))
    src = jnp.pad(edge_index[0].reshape(NCH, CHUNK), pad)
    src_k1 = jnp.pad(edge_index[0].reshape(NCH, CHUNK), pad,
                     constant_values=N_NODES)
    dst = jnp.pad(edge_index[1].reshape(NCH, CHUNK), pad,
                  constant_values=N_NODES)

    degp = _deg_kernel(src_k1, dst).reshape(NC, NH, 2)[:, :N_NODES, :]

    h, norm_r = _norm_kernel(feat, degp)

    zeros_big = jnp.zeros((N_PAD, D), jnp.float32)
    aggp = _agg_kernel(h, src, dst, zeros_big)

    return _out_kernel(aggp, norm_r, W, b.reshape(1, D))

# --- scband reference (transcript-rebuilt; emitter-appended) ---
"""Pipeline reference for scband-qgraph-conv-19018115187414 (READ-ONLY COPY).

The authoritative reference and input builder live on the scoring server;
editing this copy changes nothing except your own understanding.
"""

import jax, jax.numpy as jnp
import numpy as np

N_NODES = 10000
N_EDGES = 320000
D_IN = 128
D_OUT = 128


def setup_inputs(seed: int = 0) -> dict:
    key = jax.random.key(seed)
    k1, k2, k3 = jax.random.split(key, 3)
    feat = jax.random.normal(k1, (N_NODES, D_IN), dtype=jnp.float32)
    edge_index = jax.random.randint(k2, (2, N_EDGES), 0, N_NODES, dtype=jnp.int32)
    # xavier_uniform for weight, zeros for bias (matches reset_parameters)
    bound = float(np.sqrt(6.0 / (D_IN + D_OUT)))
    W = jax.random.uniform(k3, (D_IN, D_OUT), dtype=jnp.float32, minval=-bound, maxval=bound)
    b = jnp.zeros((D_OUT,), dtype=jnp.float32)
    return {"feat": feat, "edge_index": edge_index, "num_bits": 8, "num_grad_bits": 8, "W": W, "b": b}


def reference(feat, edge_index, num_bits, num_grad_bits, W, b):
    # QGraphConv forward with norm='both', quant_norm=False, quant_agg=False
    # (quantization branches disabled, so num_bits/num_grad_bits unused).
    src = edge_index[0]
    dst = edge_index[1]
    n = feat.shape[0]
    ones = jnp.ones((edge_index.shape[1],), dtype=jnp.float32)
    # left normalization: out-degrees ^ -0.5
    out_degs = jax.ops.segment_sum(ones, src, num_segments=n)
    out_degs = jnp.maximum(out_degs, 1.0)
    norm_l = jnp.power(out_degs, -0.5)
    h = feat * norm_l[:, None]
    # in_feats == out_feats -> aggregate first (copy_src + sum), then matmul
    agg = jax.ops.segment_sum(h[src], dst, num_segments=n)
    # right normalization: in-degrees ^ -0.5
    in_degs = jax.ops.segment_sum(ones, dst, num_segments=n)
    in_degs = jnp.maximum(in_degs, 1.0)
    norm_r = jnp.power(in_degs, -0.5)
    rst = agg * norm_r[:, None]
    rst = rst @ W + b
    return rst

if __name__ == "__main__":
    import jax
    _d = setup_inputs()
    print(jax.jit(kernel)(*tuple(_d.values())))

</pallas_src>

<mosaic_0001>
#map = affine_map<(d0, d1) -> (0, 0)>
#map1 = affine_map<(d0, d1) -> (0, 0, 0)>
module attributes {stable_mosaic.version = 14 : i64} {
  func.func @_agg_kernel(%arg0: i32, %arg1: i32, %arg2: memref<10000x128xf32, #tpu.memory_space<hbm>>, %arg3: memref<2560x128xi32, #tpu.memory_space<hbm>>, %arg4: memref<2560x128xi32, #tpu.memory_space<hbm>>, %arg5: memref<10008x128xf32, #tpu.memory_space<hbm>>, %arg6: memref<2x10000x128xf32, #tpu.memory_space<hbm>>, %arg7: memref<80x128xi32, #tpu.memory_space<vmem>>, %arg8: memref<80x128xi32, #tpu.memory_space<vmem>>, %arg9: memref<3x64x128xf32, #tpu.memory_space<vmem>>, %arg10: memref<10008x128xf32, #tpu.memory_space<vmem_shared>>, %arg11: memref<!tpu.dma_semaphore, #tpu.memory_space<semaphore_mem>>, %arg12: memref<!tpu.dma_semaphore, #tpu.memory_space<semaphore_mem>>, %arg13: memref<!tpu.dma_semaphore, #tpu.memory_space<semaphore_mem>>) attributes {dimension_semantics = [#tpu.dimension_semantics<core_parallel>, #tpu.dimension_semantics<subcore_parallel>], iteration_bounds = array<i64: 2, 16>, scalar_prefetch = 0 : i64, scratch_operands = 7 : i64, tpu.core_type = #tpu.core_type<sc_vector_subcore>, window_params = [{transform_indices = #map}, {transform_indices = #map}, {transform_indices = #map}, {transform_indices = #map}, {transform_indices = #map1}]} {
    %mul3A = arith.constant 16 : i32
    %mul3A_0 = arith.muli %arg0, %mul3A : i32
    %add3A = arith.addi %mul3A_0, %arg1 : i32
    %mul3A_1 = arith.constant 80 : i32
    %mul3A_2 = arith.muli %add3A, %mul3A_1 : i32
    %mul3A_3 = arith.constant 624 : i32
    %mul3A_4 = arith.muli %arg1, %mul3A_3 : i32
    "tpu.region"() ({
      %run_scoped3A_121 = tpu.sem_alloc : memref<!tpu.dma_semaphore, #tpu.memory_space<semaphore_mem>>
      %dma_start3A_122 = arith.constant 0 : i32
      %dma_start3A_123 = tpu.memref_slice %arg10[%mul3A_4, %dma_start3A_122] : memref<10008x128xf32, #tpu.memory_space<vmem_shared>> -> memref<624x128xf32, #tpu.memory_space<vmem_shared>>
      %dma_start3A_124 = arith.constant 0 : i32
      %dma_start3A_125 = tpu.memref_slice %arg5[%mul3A_4, %dma_start3A_124] : memref<10008x128xf32, #tpu.memory_space<hbm>> -> memref<624x128xf32, #tpu.memory_space<hbm>>
      tpu.enqueue_dma source(%dma_start3A_125 : memref<624x128xf32, #tpu.memory_space<hbm>>) target(%dma_start3A_123 : memref<624x128xf32, #tpu.memory_space<vmem_shared>>) target_semaphore(%run_scoped3A_121 : memref<!tpu.dma_semaphore, #tpu.memory_space<semaphore_mem>>)
      %dma_wait3A_126 = arith.constant 0 : i32
      %dma_wait3A_127 = tpu.memref_slice %arg10[%mul3A_4, %dma_wait3A_126] : memref<10008x128xf32, #tpu.memory_space<vmem_shared>> -> memref<624x128xf32, #tpu.memory_space<vmem_shared>>
      %dma_wait3A_128 = arith.constant 0 : i32
      %dma_wait3A_129 = tpu.memref_slice %arg5[%mul3A_4, %dma_wait3A_128] : memref<10008x128xf32, #tpu.memory_space<hbm>> -> memref<624x128xf32, #tpu.memory_space<hbm>>
      tpu.wait_dma2 semaphore(%run_scoped3A_121 : memref<!tpu.dma_semaphore, #tpu.memory_space<semaphore_mem>>) src(%dma_wait3A_129 : memref<624x128xf32, #tpu.memory_space<hbm>>) dst(%dma_wait3A_127 : memref<624x128xf32, #tpu.memory_space<vmem_shared>>)
      tpu.yield
    }) : () -> ()
    %eq3A = arith.constant 15 : i32
    %eq3A_5 = arith.cmpi eq, %arg1, %eq3A : i32
    %convert_element_type3A = arith.extui %eq3A_5 : i1 to i32
    %cond3A = arith.constant 0 : i32
    %cond3A_6 = arith.cmpi ne, %convert_element_type3A, %cond3A : i32
    scf.if %cond3A_6 {
      "tpu.region"() ({
        %run_scoped3A_121 = tpu.sem_alloc : memref<!tpu.dma_semaphore, #tpu.memory_space<semaphore_mem>>
        %dma_start3A_122 = arith.constant 9984 : i32
        %dma_start3A_123 = arith.constant 0 : i32
        %dma_start3A_124 = tpu.memref_slice %arg10[%dma_start3A_122, %dma_start3A_123] : memref<10008x128xf32, #tpu.memory_space<vmem_shared>> -> memref<24x128xf32, #tpu.memory_space<vmem_shared>>
        %dma_start3A_125 = arith.constant 9984 : i32
        %dma_start3A_126 = arith.constant 0 : i32
        %dma_start3A_127 = tpu.memref_slice %arg5[%dma_start3A_125, %dma_start3A_126] : memref<10008x128xf32, #tpu.memory_space<hbm>> -> memref<24x128xf32, #tpu.memory_space<hbm>>
        tpu.enqueue_dma source(%dma_start3A_127 : memref<24x128xf32, #tpu.memory_space<hbm>>) target(%dma_start3A_124 : memref<24x128xf32, #tpu.memory_space<vmem_shared>>) target_semaphore(%run_scoped3A_121 : memref<!tpu.dma_semaphore, #tpu.memory_space<semaphore_mem>>)
        %dma_wait3A_128 = arith.constant 9984 : i32
        %dma_wait3A_129 = arith.constant 0 : i32
        %dma_wait3A_130 = tpu.memref_slice %arg10[%dma_wait3A_128, %dma_wait3A_129] : memref<10008x128xf32, #tpu.memory_space<vmem_shared>> -> memref<24x128xf32, #tpu.memory_space<vmem_shared>>
        %dma_wait3A_131 = arith.constant 9984 : i32
        %dma_wait3A_132 = arith.constant 0 : i32
        %dma_wait3A_133 = tpu.memref_slice %arg5[%dma_wait3A_131, %dma_wait3A_132] : memref<10008x128xf32, #tpu.memory_space<hbm>> -> memref<24x128xf32, #tpu.memory_space<hbm>>
        tpu.wait_dma2 semaphore(%run_scoped3A_121 : memref<!tpu.dma_semaphore, #tpu.memory_space<semaphore_mem>>) src(%dma_wait3A_133 : memref<24x128xf32, #tpu.memory_space<hbm>>) dst(%dma_wait3A_130 : memref<24x128xf32, #tpu.memory_space<vmem_shared>>)
        tpu.yield
      }) : () -> ()
    } else {
    }
    "tpu.region"() ({
      %run_scoped3A_121 = tpu.sem_alloc : memref<!tpu.dma_semaphore, #tpu.memory_space<semaphore_mem>>
      %dma_start3A_122 = arith.constant 0 : i32
      %dma_start3A_123 = tpu.memref_slice %arg3[%mul3A_2, %dma_start3A_122] : memref<2560x128xi32, #tpu.memory_space<hbm>> -> memref<80x128xi32, #tpu.memory_space<hbm>>
      %dma_start3A_124 = arith.constant 0 : i32
      %dma_start3A_125 = tpu.memref_slice %arg3[%mul3A_2, %dma_start3A_124] : memref<2560x128xi32, #tpu.memory_space<hbm>> -> memref<80x128xi32, #tpu.memory_space<hbm>>
      tpu.enqueue_dma source(%dma_start3A_125 : memref<80x128xi32, #tpu.memory_space<hbm>>) target(%arg7 : memref<80x128xi32, #tpu.memory_space<vmem>>) target_semaphore(%run_scoped3A_121 : memref<!tpu.dma_semaphore, #tpu.memory_space<semaphore_mem>>)
      %dma_wait3A_126 = arith.constant 0 : i32
      %dma_wait3A_127 = tpu.memref_slice %arg3[%mul3A_2, %dma_wait3A_126] : memref<2560x128xi32, #tpu.memory_space<hbm>> -> memref<80x128xi32, #tpu.memory_space<hbm>>
      %dma_wait3A_128 = arith.constant 0 : i32
      %dma_wait3A_129 = tpu.memref_slice %arg3[%mul3A_2, %dma_wait3A_128] : memref<2560x128xi32, #tpu.memory_space<hbm>> -> memref<80x128xi32, #tpu.memory_space<hbm>>
      tpu.wait_dma2 semaphore(%run_scoped3A_121 : memref<!tpu.dma_semaphore, #tpu.memory_space<semaphore_mem>>) src(%dma_wait3A_129 : memref<80x128xi32, #tpu.memory_space<hbm>>) dst(%arg7 : memref<80x128xi32, #tpu.memory_space<vmem>>)
      tpu.yield
    }) : () -> ()
    "tpu.region"() ({
      %run_scoped3A_121 = tpu.sem_alloc : memref<!tpu.dma_semaphore, #tpu.memory_space<semaphore_mem>>
      %dma_start3A_122 = arith.constant 0 : i32
      %dma_start3A_123 = tpu.memref_slice %arg4[%mul3A_2, %dma_start3A_122] : memref<2560x128xi32, #tpu.memory_space<hbm>> -> memref<80x128xi32, #tpu.memory_space<hbm>>
      %dma_start3A_124 = arith.constant 0 : i32
      %dma_start3A_125 = tpu.memref_slice %arg4[%mul3A_2, %dma_start3A_124] : memref<2560x128xi32, #tpu.memory_space<hbm>> -> memref<80x128xi32, #tpu.memory_space<hbm>>
      tpu.enqueue_dma source(%dma_start3A_125 : memref<80x128xi32, #tpu.memory_space<hbm>>) target(%arg8 : memref<80x128xi32, #tpu.memory_space<vmem>>) target_semaphore(%run_scoped3A_121 : memref<!tpu.dma_semaphore, #tpu.memory_space<semaphore_mem>>)
      %dma_wait3A_126 = arith.constant 0 : i32
      %dma_wait3A_127 = tpu.memref_slice %arg4[%mul3A_2, %dma_wait3A_126] : memref<2560x128xi32, #tpu.memory_space<hbm>> -> memref<80x128xi32, #tpu.memory_space<hbm>>
      %dma_wait3A_128 = arith.constant 0 : i32
      %dma_wait3A_129 = tpu.memref_slice %arg4[%mul3A_2, %dma_wait3A_128] : memref<2560x128xi32, #tpu.memory_space<hbm>> -> memref<80x128xi32, #tpu.memory_space<hbm>>
      tpu.wait_dma2 semaphore(%run_scoped3A_121 : memref<!tpu.dma_semaphore, #tpu.memory_space<semaphore_mem>>) src(%dma_wait3A_129 : memref<80x128xi32, #tpu.memory_space<hbm>>) dst(%arg8 : memref<80x128xi32, #tpu.memory_space<vmem>>)
      tpu.yield
    }) : () -> ()
    %barrier3A = arith.constant 0 : index
    tpu.barrier barrier_id(%barrier3A)
    %dma_start3A = arith.constant 0 : i32
    %dma_start3A_7 = arith.constant 0 : i32
    %dma_start3A_8 = arith.constant 0 : i32
    %dma_start3A_9 = arith.constant 0 : i32
    %dma_start3A_10 = tpu.memref_slice %arg9[%dma_start3A_7, %dma_start3A_8, %dma_start3A_9] : memref<3x64x128xf32, #tpu.memory_space<vmem>> -> memref<1x64x128xf32, #tpu.memory_space<vmem>>
    %dma_start3A_11 = tpu.memref_squeeze %dma_start3A_10 : memref<1x64x128xf32, #tpu.memory_space<vmem>> -> memref<64x128xf32, #tpu.memory_space<vmem>>
    %dma_start3A_12 = arith.constant 0 : i32
    %dma_start3A_13 = tpu.memref_slice %arg7[%dma_start3A, %dma_start3A_12] : memref<80x128xi32, #tpu.memory_space<vmem>> -> memref<1x64xi32, #tpu.memory_space<vmem>>
    %dma_start3A_14 = tpu.memref_squeeze %dma_start3A_13 : memref<1x64xi32, #tpu.memory_space<vmem>> -> memref<64xi32, #tpu.memory_space<vmem>>
    %dma_start3A_15 = arith.constant 0 : i32
    %dma_start3A_16 = arith.constant 0 : i32
    %dma_start3A_17 = tpu.memref_slice %arg2[%dma_start3A_15, %dma_start3A_16] : memref<10000x128xf32, #tpu.memory_space<hbm>> -> memref<10000x128xf32, #tpu.memory_space<hbm>>
    tpu.enqueue_indirect_dma source(%dma_start3A_17 : memref<10000x128xf32, #tpu.memory_space<hbm>>) target(%dma_start3A_11 : memref<64x128xf32, #tpu.memory_space<vmem>>) offsets(%dma_start3A_14 : memref<64xi32, #tpu.memory_space<vmem>>) semaphore(%arg11 : memref<!tpu.dma_semaphore, #tpu.memory_space<semaphore_mem>>)
    %dma_start3A_18 = arith.constant 0 : i32
    %dma_start3A_19 = arith.constant 1 : i32
    %dma_start3A_20 = arith.constant 0 : i32
    %dma_start3A_21 = arith.constant 0 : i32
    %dma_start3A_22 = tpu.memref_slice %arg9[%dma_start3A_19, %dma_start3A_20, %dma_start3A_21] : memref<3x64x128xf32, #tpu.memory_space<vmem>> -> memref<1x64x128xf32, #tpu.memory_space<vmem>>
    %dma_start3A_23 = tpu.memref_squeeze %dma_start3A_22 : memref<1x64x128xf32, #tpu.memory_space<vmem>> -> memref<64x128xf32, #tpu.memory_space<vmem>>
    %dma_start3A_24 = arith.constant 64 : i32
    %dma_start3A_25 = tpu.memref_slice %arg7[%dma_start3A_18, %dma_start3A_24] : memref<80x128xi32, #tpu.memory_space<vmem>> -> memref<1x64xi32, #tpu.memory_space<vmem>>
    %dma_start3A_26 = tpu.memref_squeeze %dma_start3A_25 : memref<1x64xi32, #tpu.memory_space<vmem>> -> memref<64xi32, #tpu.memory_space<vmem>>
    %dma_start3A_27 = arith.constant 0 : i32
    %dma_start3A_28 = arith.constant 0 : i32
    %dma_start3A_29 = tpu.memref_slice %arg2[%dma_start3A_27, %dma_start3A_28] : memref<10000x128xf32, #tpu.memory_space<hbm>> -> memref<10000x128xf32, #tpu.memory_space<hbm>>
    tpu.enqueue_indirect_dma source(%dma_start3A_29 : memref<10000x128xf32, #tpu.memory_space<hbm>>) target(%dma_start3A_23 : memref<64x128xf32, #tpu.memory_space<vmem>>) offsets(%dma_start3A_26 : memref<64xi32, #tpu.memory_space<vmem>>) semaphore(%arg12 : memref<!tpu.dma_semaphore, #tpu.memory_space<semaphore_mem>>)
    %dma_start3A_30 = arith.constant 1 : i32
    %dma_start3A_31 = arith.constant 2 : i32
    %dma_start3A_32 = arith.constant 0 : i32
    %dma_start3A_33 = arith.constant 0 : i32
    %dma_start3A_34 = tpu.memref_slice %arg9[%dma_start3A_31, %dma_start3A_32, %dma_start3A_33] : memref<3x64x128xf32, #tpu.memory_space<vmem>> -> memref<1x64x128xf32, #tpu.memory_space<vmem>>
    %dma_start3A_35 = tpu.memref_squeeze %dma_start3A_34 : memref<1x64x128xf32, #tpu.memory_space<vmem>> -> memref<64x128xf32, #tpu.memory_space<vmem>>
    %dma_start3A_36 = arith.constant 0 : i32
    %dma_start3A_37 = tpu.memref_slice %arg7[%dma_start3A_30, %dma_start3A_36] : memref<80x128xi32, #tpu.memory_space<vmem>> -> memref<1x64xi32, #tpu.memory_space<vmem>>
    %dma_start3A_38 = tpu.memref_squeeze %dma_start3A_37 : memref<1x64xi32, #tpu.memory_space<vmem>> -> memref<64xi32, #tpu.memory_space<vmem>>
    %dma_start3A_39 = arith.constant 0 : i32
    %dma_start3A_40 = arith.constant 0 : i32
    %dma_start3A_41 = tpu.memref_slice %arg2[%dma_start3A_39, %dma_start3A_40] : memref<10000x128xf32, #tpu.memory_space<hbm>> -> memref<10000x128xf32, #tpu.memory_space<hbm>>
    tpu.enqueue_indirect_dma source(%dma_start3A_41 : memref<10000x128xf32, #tpu.memory_space<hbm>>) target(%dma_start3A_35 : memref<64x128xf32, #tpu.memory_space<vmem>>) offsets(%dma_start3A_38 : memref<64xi32, #tpu.memory_space<vmem>>) semaphore(%arg13 : memref<!tpu.dma_semaphore, #tpu.memory_space<semaphore_mem>>)
    %scan3A = arith.constant 0 : i32
    %scan3A_42 = arith.constant 0 : i32
    %scan3A_43 = arith.constant 26 : i32
    %scan3A_44 = arith.addi %scan3A_42, %scan3A_43 : i32
    %scan3A_45 = arith.constant 1 : i32
    scf.for %scan3A_121 = %scan3A_42 to %scan3A_44 step %scan3A_45  : i32 {
      %mul3A_122 = arith.constant 3 : i32
      %mul3A_123 = arith.muli %mul3A_122, %scan3A_121 : i32
      %add3A_124 = arith.constant 0 : i32
      %add3A_125 = arith.addi %mul3A_123, %add3A_124 : i32
      %dma_wait3A_126 = arith.constant 0 : i32
      %dma_wait3A_127 = arith.constant 0 : i32
      %dma_wait3A_128 = arith.constant 0 : i32
      %dma_wait3A_129 = tpu.memref_slice %arg9[%dma_wait3A_126, %dma_wait3A_127, %dma_wait3A_128] : memref<3x64x128xf32, #tpu.memory_space<vmem>> -> memref<1x64x128xf32, #tpu.memory_space<vmem>>
      %dma_wait3A_130 = tpu.memref_squeeze %dma_wait3A_129 : memref<1x64x128xf32, #tpu.memory_space<vmem>> -> memref<64x128xf32, #tpu.memory_space<vmem>>
      %dma_wait3A_131 = arith.constant 0 : i32
      %dma_wait3A_132 = tpu.memref_slice %arg7[%add3A_125, %dma_wait3A_131] : memref<80x128xi32, #tpu.memory_space<vmem>> -> memref<1x64xi32, #tpu.memory_space<vmem>>
      %dma_wait3A_133 = tpu.memref_squeeze %dma_wait3A_132 : memref<1x64xi32, #tpu.memory_space<vmem>> -> memref<64xi32, #tpu.memory_space<vmem>>
      %dma_wait3A_134 = arith.constant 0 : i32
      %dma_wait3A_135 = arith.constant 0 : i32
      %dma_wait3A_136 = tpu.memref_slice %arg2[%dma_wait3A_134, %dma_wait3A_135] : memref<10000x128xf32, #tpu.memory_space<hbm>> -> memref<10000x128xf32, #tpu.memory_space<hbm>>
      tpu.wait_indirect_dma semaphore(%arg11 : memref<!tpu.dma_semaphore, #tpu.memory_space<semaphore_mem>>) src(%dma_wait3A_136 : memref<10000x128xf32, #tpu.memory_space<hbm>>) dst(%dma_wait3A_130 : memref<64x128xf32, #tpu.memory_space<vmem>>)
      %run_scoped3A_137 = arith.constant 0 : i32
      "tpu.region"() ({
        %run_scoped3A_308 = tpu.sem_alloc : memref<!tpu.dma_semaphore, #tpu.memory_space<semaphore_mem>>
        %dma_start3A_309 = arith.constant 0 : i32
        %dma_start3A_310 = arith.constant 0 : i32
        %dma_start3A_311 = tpu.memref_slice %arg9[%run_scoped3A_137, %dma_start3A_309, %dma_start3A_310] : memref<3x64x128xf32, #tpu.memory_space<vmem>> -> memref<1x64x128xf32, #tpu.memory_space<vmem>>
        %dma_start3A_312 = tpu.memref_squeeze %dma_start3A_311 : memref<1x64x128xf32, #tpu.memory_space<vmem>> -> memref<64x128xf32, #tpu.memory_space<vmem>>
        %dma_start3A_313 = arith.constant 0 : i32
        %dma_start3A_314 = tpu.memref_slice %arg8[%add3A_125, %dma_start3A_313] : memref<80x128xi32, #tpu.memory_space<vmem>> -> memref<1x64xi32, #tpu.memory_space<vmem>>
        %dma_start3A_315 = tpu.memref_squeeze %dma_start3A_314 : memref<1x64xi32, #tpu.memory_space<vmem>> -> memref<64xi32, #tpu.memory_space<vmem>>
        %dma_start3A_316 = arith.constant 0 : i32
        %dma_start3A_317 = arith.constant 0 : i32
        %dma_start3A_318 = tpu.memref_slice %arg10[%dma_start3A_316, %dma_start3A_317] : memref<10008x128xf32, #tpu.memory_space<vmem_shared>> -> memref<10008x128xf32, #tpu.memory_space<vmem_shared>>
        tpu.enqueue_indirect_dma source(%dma_start3A_312 : memref<64x128xf32, #tpu.memory_space<vmem>>) target(%dma_start3A_318 : memref<10008x128xf32, #tpu.memory_space<vmem_shared>>) offsets(%dma_start3A_315 : memref<64xi32, #tpu.memory_space<vmem>>) semaphore(%run_scoped3A_308 : memref<!tpu.dma_semaphore, #tpu.memory_space<semaphore_mem>>) {add = true}
        %dma_wait3A_319 = arith.constant 0 : i32
        %dma_wait3A_320 = arith.constant 0 : i32
        %dma_wait3A_321 = tpu.memref_slice %arg9[%run_scoped3A_137, %dma_wait3A_319, %dma_wait3A_320] : memref<3x64x128xf32, #tpu.memory_space<vmem>> -> memref<1x64x128xf32, #tpu.memory_space<vmem>>
        %dma_wait3A_322 = tpu.memref_squeeze %dma_wait3A_321 : memref<1x64x128xf32, #tpu.memory_space<vmem>> -> memref<64x128xf32, #tpu.memory_space<vmem>>
        %dma_wait3A_323 = arith.constant 0 : i32
        %dma_wait3A_324 = tpu.memref_slice %arg8[%add3A_125, %dma_wait3A_323] : memref<80x128xi32, #tpu.memory_space<vmem>> -> memref<1x64xi32, #tpu.memory_space<vmem>>
        %dma_wait3A_325 = tpu.memref_squeeze %dma_wait3A_324 : memref<1x64xi32, #tpu.memory_space<vmem>> -> memref<64xi32, #tpu.memory_space<vmem>>
        %dma_wait3A_326 = arith.constant 0 : i32
        %dma_wait3A_327 = arith.constant 0 : i32
        %dma_wait3A_328 = tpu.memref_slice %arg10[%dma_wait3A_326, %dma_wait3A_327] : memref<10008x128xf32, #tpu.memory_space<vmem_shared>> -> memref<10008x128xf32, #tpu.memory_space<vmem_shared>>
        tpu.wait_indirect_dma semaphore(%run_scoped3A_308 : memref<!tpu.dma_semaphore, #tpu.memory_space<semaphore_mem>>) src(%dma_wait3A_322 : memref<64x128xf32, #tpu.memory_space<vmem>>) dst(%dma_wait3A_328 : memref<10008x128xf32, #tpu.memory_space<vmem_shared>>)
        tpu.yield
      }) : () -> ()
      %add3A_138 = arith.constant 1 : i32
      %add3A_139 = arith.addi %add3A_125, %add3A_138 : i32
      %add3A_140 = arith.constant 0 : i32
      %add3A_141 = arith.addi %add3A_139, %add3A_140 : i32
      %dma_start3A_142 = arith.constant 0 : i32
      %dma_start3A_143 = arith.constant 0 : i32
      %dma_start3A_144 = arith.constant 0 : i32
      %dma_start3A_145 = tpu.memref_slice %arg9[%dma_start3A_142, %dma_start3A_143, %dma_start3A_144] : memref<3x64x128xf32, #tpu.memory_space<vmem>> -> memref<1x64x128xf32, #tpu.memory_space<vmem>>
      %dma_start3A_146 = tpu.memref_squeeze %dma_start3A_145 : memref<1x64x128xf32, #tpu.memory_space<vmem>> -> memref<64x128xf32, #tpu.memory_space<vmem>>
      %dma_start3A_147 = arith.constant 64 : i32
      %dma_start3A_148 = tpu.memref_slice %arg7[%add3A_141, %dma_start3A_147] : memref<80x128xi32, #tpu.memory_space<vmem>> -> memref<1x64xi32, #tpu.memory_space<vmem>>
      %dma_start3A_149 = tpu.memref_squeeze %dma_start3A_148 : memref<1x64xi32, #tpu.memory_space<vmem>> -> memref<64xi32, #tpu.memory_space<vmem>>
      %dma_start3A_150 = arith.constant 0 : i32
      %dma_start3A_151 = arith.constant 0 : i32
      %dma_start3A_152 = tpu.memref_slice %arg2[%dma_start3A_150, %dma_start3A_151] : memref<10000x128xf32, #tpu.memory_space<hbm>> -> memref<10000x128xf32, #tpu.memory_space<hbm>>
      tpu.enqueue_indirect_dma source(%dma_start3A_152 : memref<10000x128xf32, #tpu.memory_space<hbm>>) target(%dma_start3A_146 : memref<64x128xf32, #tpu.memory_space<vmem>>) offsets(%dma_start3A_149 : memref<64xi32, #tpu.memory_space<vmem>>) semaphore(%arg11 : memref<!tpu.dma_semaphore, #tpu.memory_space<semaphore_mem>>)
      %mul3A_153 = arith.constant 3 : i32
      %mul3A_154 = arith.muli %mul3A_153, %scan3A_121 : i32
      %add3A_155 = arith.constant 0 : i32
      %add3A_156 = arith.addi %mul3A_154, %add3A_155 : i32
      %dma_wait3A_157 = arith.constant 1 : i32
      %dma_wait3A_158 = arith.constant 0 : i32
      %dma_wait3A_159 = arith.constant 0 : i32
      %dma_wait3A_160 = tpu.memref_slice %arg9[%dma_wait3A_157, %dma_wait3A_158, %dma_wait3A_159] : memref<3x64x128xf32, #tpu.memory_space<vmem>> -> memref<1x64x128xf32, #tpu.memory_space<vmem>>
      %dma_wait3A_161 = tpu.memref_squeeze %dma_wait3A_160 : memref<1x64x128xf32, #tpu.memory_space<vmem>> -> memref<64x128xf32, #tpu.memory_space<vmem>>
      %dma_wait3A_162 = arith.constant 64 : i32
      %dma_wait3A_163 = tpu.memref_slice %arg7[%add3A_156, %dma_wait3A_162] : memref<80x128xi32, #tpu.memory_space<vmem>> -> memref<1x64xi32, #tpu.memory_space<vmem>>
      %dma_wait3A_164 = tpu.memref_squeeze %dma_wait3A_163 : memref<1x64xi32, #tpu.memory_space<vmem>> -> memref<64xi32, #tpu.memory_space<vmem>>
      %dma_wait3A_165 = arith.constant 0 : i32
      %dma_wait3A_166 = arith.constant 0 : i32
      %dma_wait3A_167 = tpu.memref_slice %arg2[%dma_wait3A_165, %dma_wait3A_166] : memref<10000x128xf32, #tpu.memory_space<hbm>> -> memref<10000x128xf32, #tpu.memory_space<hbm>>
      tpu.wait_indirect_dma semaphore(%arg12 : memref<!tpu.dma_semaphore, #tpu.memory_space<semaphore_mem>>) src(%dma_wait3A_167 : memref<10000x128xf32, #tpu.memory_space<hbm>>) dst(%dma_wait3A_161 : memref<64x128xf32, #tpu.memory_space<vmem>>)
      %run_scoped3A_168 = arith.constant 1 : i32
      "tpu.region"() ({
        %run_scoped3A_308 = tpu.sem_alloc : memref<!tpu.dma_semaphore, #tpu.memory_space<semaphore_mem>>
        %dma_start3A_309 = arith.constant 0 : i32
        %dma_start3A_310 = arith.constant 0 : i32
        %dma_start3A_311 = tpu.memref_slice %arg9[%run_scoped3A_168, %dma_start3A_309, %dma_start3A_310] : memref<3x64x128xf32, #tpu.memory_space<vmem>> -> memref<1x64x128xf32, #tpu.memory_space<vmem>>
        %dma_start3A_312 = tpu.memref_squeeze %dma_start3A_311 : memref<1x64x128xf32, #tpu.memory_space<vmem>> -> memref<64x128xf32, #tpu.memory_space<vmem>>
        %dma_start3A_313 = arith.constant 64 : i32
        %dma_start3A_314 = tpu.memref_slice %arg8[%add3A_156, %dma_start3A_313] : memref<80x128xi32, #tpu.memory_space<vmem>> -> memref<1x64xi32, #tpu.memory_space<vmem>>
        %dma_start3A_315 = tpu.memref_squeeze %dma_start3A_314 : memref<1x64xi32, #tpu.memory_space<vmem>> -> memref<64xi32, #tpu.memory_space<vmem>>
        %dma_start3A_316 = arith.constant 0 : i32
        %dma_start3A_317 = arith.constant 0 : i32
        %dma_start3A_318 = tpu.memref_slice %arg10[%dma_start3A_316, %dma_start3A_317] : memref<10008x128xf32, #tpu.memory_space<vmem_shared>> -> memref<10008x128xf32, #tpu.memory_space<vmem_shared>>
        tpu.enqueue_indirect_dma source(%dma_start3A_312 : memref<64x128xf32, #tpu.memory_space<vmem>>) target(%dma_start3A_318 : memref<10008x128xf32, #tpu.memory_space<vmem_shared>>) offsets(%dma_start3A_315 : memref<64xi32, #tpu.memory_space<vmem>>) semaphore(%run_scoped3A_308 : memref<!tpu.dma_semaphore, #tpu.memory_space<semaphore_mem>>) {add = true}
        %dma_wait3A_319 = arith.constant 0 : i32
        %dma_wait3A_320 = arith.constant 0 : i32
        %dma_wait3A_321 = tpu.memref_slice %arg9[%run_scoped3A_168, %dma_wait3A_319, %dma_wait3A_320] : memref<3x64x128xf32, #tpu.memory_space<vmem>> -> memref<1x64x128xf32, #tpu.memory_space<vmem>>
        %dma_wait3A_322 = tpu.memref_squeeze %dma_wait3A_321 : memref<1x64x128xf32, #tpu.memory_space<vmem>> -> memref<64x128xf32, #tpu.memory_space<vmem>>
        %dma_wait3A_323 = arith.constant 64 : i32
        %dma_wait3A_324 = tpu.memref_slice %arg8[%add3A_156, %dma_wait3A_323] : memref<80x128xi32, #tpu.memory_space<vmem>> -> memref<1x64xi32, #tpu.memory_space<vmem>>
        %dma_wait3A_325 = tpu.memref_squeeze %dma_wait3A_324 : memref<1x64xi32, #tpu.memory_space<vmem>> -> memref<64xi32, #tpu.memory_space<vmem>>
        %dma_wait3A_326 = arith.constant 0 : i32
        %dma_wait3A_327 = arith.constant 0 : i32
        %dma_wait3A_328 = tpu.memref_slice %arg10[%dma_wait3A_326, %dma_wait3A_327] : memref<10008x128xf32, #tpu.memory_space<vmem_shared>> -> memref<10008x128xf32, #tpu.memory_space<vmem_shared>>
        tpu.wait_indirect_dma semaphore(%run_scoped3A_308 : memref<!tpu.dma_semaphore, #tpu.memory_space<semaphore_mem>>) src(%dma_wait3A_322 : memref<64x128xf32, #tpu.memory_space<vmem>>) dst(%dma_wait3A_328 : memref<10008x128xf32, #tpu.memory_space<vmem_shared>>)
        tpu.yield
      }) : () -> ()
      %add3A_169 = arith.constant 1 : i32
      %add3A_170 = arith.addi %add3A_156, %add3A_169 : i32
      %add3A_171 = arith.constant 1 : i32
      %add3A_172 = arith.addi %add3A_170, %add3A_171 : i32
      %dma_start3A_173 = arith.constant 1 : i32
      %dma_start3A_174 = arith.constant 0 : i32
      %dma_start3A_175 = arith.constant 0 : i32
      %dma_start3A_176 = tpu.memref_slice %arg9[%dma_start3A_173, %dma_start3A_174, %dma_start3A_175] : memref<3x64x128xf32, #tpu.memory_space<vmem>> -> memref<1x64x128xf32, #tpu.memory_space<vmem>>
      %dma_start3A_177 = tpu.memref_squeeze %dma_start3A_176 : memref<1x64x128xf32, #tpu.memory_space<vmem>> -> memref<64x128xf32, #tpu.memory_space<vmem>>
      %dma_start3A_178 = arith.constant 0 : i32
      %dma_start3A_179 = tpu.memref_slice %arg7[%add3A_172, %dma_start3A_178] : memref<80x128xi32, #tpu.memory_space<vmem>> -> memref<1x64xi32, #tpu.memory_space<vmem>>
      %dma_start3A_180 = tpu.memref_squeeze %dma_start3A_179 : memref<1x64xi32, #tpu.memory_space<vmem>> -> memref<64xi32, #tpu.memory_space<vmem>>
      %dma_start3A_181 = arith.constant 0 : i32
      %dma_start3A_182 = arith.constant 0 : i32
      %dma_start3A_183 = tpu.memref_slice %arg2[%dma_start3A_181, %dma_start3A_182] : memref<10000x128xf32, #tpu.memory_space<hbm>> -> memref<10000x128xf32, #tpu.memory_space<hbm>>
      tpu.enqueue_indirect_dma source(%dma_start3A_183 : memref<10000x128xf32, #tpu.memory_space<hbm>>) target(%dma_start3A_177 : memref<64x128xf32, #tpu.memory_space<vmem>>) offsets(%dma_start3A_180 : memref<64xi32, #tpu.memory_space<vmem>>) semaphore(%arg12 : memref<!tpu.dma_semaphore, #tpu.memory_space<semaphore_mem>>)
      %mul3A_184 = arith.constant 3 : i32
      %mul3A_185 = arith.muli %mul3A_184, %scan3A_121 : i32
      %add3A_186 = arith.constant 1 : i32
      %add3A_187 = arith.addi %mul3A_185, %add3A_186 : i32
      %dma_wait3A_188 = arith.constant 2 : i32
      %dma_wait3A_189 = arith.constant 0 : i32
      %dma_wait3A_190 = arith.constant 0 : i32
      %dma_wait3A_191 = tpu.memref_slice %arg9[%dma_wait3A_188, %dma_wait3A_189, %dma_wait3A_190] : memref<3x64x128xf32, #tpu.memory_space<vmem>> -> memref<1x64x128xf32, #tpu.memory_space<vmem>>
      %dma_wait3A_192 = tpu.memref_squeeze %dma_wait3A_191 : memref<1x64x128xf32, #tpu.memory_space<vmem>> -> memref<64x128xf32, #tpu.memory_space<vmem>>
      %dma_wait3A_193 = arith.constant 0 : i32
      %dma_wait3A_194 = tpu.memref_slice %arg7[%add3A_187, %dma_wait3A_193] : memref<80x128xi32, #tpu.memory_space<vmem>> -> memref<1x64xi32, #tpu.memory_space<vmem>>
      %dma_wait3A_195 = tpu.memref_squeeze %dma_wait3A_194 : memref<1x64xi32, #tpu.memory_space<vmem>> -> memref<64xi32, #tpu.memory_space<vmem>>
      %dma_wait3A_196 = arith.constant 0 : i32
      %dma_wait3A_197 = arith.constant 0 : i32
      %dma_wait3A_198 = tpu.memref_slice %arg2[%dma_wait3A_196, %dma_wait3A_197] : memref<10000x128xf32, #tpu.memory_space<hbm>> -> memref<10000x128xf32, #tpu.memory_space<hbm>>
      tpu.wait_indirect_dma semaphore(%arg13 : memref<!tpu.dma_semaphore, #tpu.memory_space<semaphore_mem>>) src(%dma_wait3A_198 : memref<10000x128xf32, #tpu.memory_space<hbm>>) dst(%dma_wait3A_192 : memref<64x128xf32, #tpu.memory_space<vmem>>)
      %run_scoped3A_199 = arith.constant 2 : i32
      "tpu.region"() ({
        %run_scoped3A_308 = tpu.sem_alloc : memref<!tpu.dma_semaphore, #tpu.memory_space<semaphore_mem>>
        %dma_start3A_309 = arith.constant 0 : i32
        %dma_start3A_310 = arith.constant 0 : i32
        %dma_start3A_311 = tpu.memref_slice %arg9[%run_scoped3A_199, %dma_start3A_309, %dma_start3A_310] : memref<3x64x128xf32, #tpu.memory_space<vmem>> -> memref<1x64x128xf32, #tpu.memory_space<vmem>>
        %dma_start3A_312 = tpu.memref_squeeze %dma_start3A_311 : memref<1x64x128xf32, #tpu.memory_space<vmem>> -> memref<64x128xf32, #tpu.memory_space<vmem>>
        %dma_start3A_313 = arith.constant 0 : i32
        %dma_start3A_314 = tpu.memref_slice %arg8[%add3A_187, %dma_start3A_313] : memref<80x128xi32, #tpu.memory_space<vmem>> -> memref<1x64xi32, #tpu.memory_space<vmem>>
        %dma_start3A_315 = tpu.memref_squeeze %dma_start3A_314 : memref<1x64xi32, #tpu.memory_space<vmem>> -> memref<64xi32, #tpu.memory_space<vmem>>
        %dma_start3A_316 = arith.constant 0 : i32
        %dma_start3A_317 = arith.constant 0 : i32
        %dma_start3A_318 = tpu.memref_slice %arg10[%dma_start3A_316, %dma_start3A_317] : memref<10008x128xf32, #tpu.memory_space<vmem_shared>> -> memref<10008x128xf32, #tpu.memory_space<vmem_shared>>
        tpu.enqueue_indirect_dma source(%dma_start3A_312 : memref<64x128xf32, #tpu.memory_space<vmem>>) target(%dma_start3A_318 : memref<10008x128xf32, #tpu.memory_space<vmem_shared>>) offsets(%dma_start3A_315 : memref<64xi32, #tpu.memory_space<vmem>>) semaphore(%run_scoped3A_308 : memref<!tpu.dma_semaphore, #tpu.memory_space<semaphore_mem>>) {add = true}
        %dma_wait3A_319 = arith.constant 0 : i32
        %dma_wait3A_320 = arith.constant 0 : i32
        %dma_wait3A_321 = tpu.memref_slice %arg9[%run_scoped3A_199, %dma_wait3A_319, %dma_wait3A_320] : memref<3x64x128xf32, #tpu.memory_space<vmem>> -> memref<1x64x128xf32, #tpu.memory_space<vmem>>
        %dma_wait3A_322 = tpu.memref_squeeze %dma_wait3A_321 : memref<1x64x128xf32, #tpu.memory_space<vmem>> -> memref<64x128xf32, #tpu.memory_space<vmem>>
        %dma_wait3A_323 = arith.constant 0 : i32
        %dma_wait3A_324 = tpu.memref_slice %arg8[%add3A_187, %dma_wait3A_323] : memref<80x128xi32, #tpu.memory_space<vmem>> -> memref<1x64xi32, #tpu.memory_space<vmem>>
        %dma_wait3A_325 = tpu.memref_squeeze %dma_wait3A_324 : memref<1x64xi32, #tpu.memory_space<vmem>> -> memref<64xi32, #tpu.memory_space<vmem>>
        %dma_wait3A_326 = arith.constant 0 : i32
        %dma_wait3A_327 = arith.constant 0 : i32
        %dma_wait3A_328 = tpu.memref_slice %arg10[%dma_wait3A_326, %dma_wait3A_327] : memref<10008x128xf32, #tpu.memory_space<vmem_shared>> -> memref<10008x128xf32, #tpu.memory_space<vmem_shared>>
        tpu.wait_indirect_dma semaphore(%run_scoped3A_308 : memref<!tpu.dma_semaphore, #tpu.memory_space<semaphore_mem>>) src(%dma_wait3A_322 : memref<64x128xf32, #tpu.memory_space<vmem>>) dst(%dma_wait3A_328 : memref<10008x128xf32, #tpu.memory_space<vmem_shared>>)
        tpu.yield
      }) : () -> ()
      %add3A_200 = arith.constant 1 : i32
      %add3A_201 = arith.addi %add3A_187, %add3A_200 : i32
      %add3A_202 = arith.constant 0 : i32
      %add3A_203 = arith.addi %add3A_201, %add3A_202 : i32
      %dma_start3A_204 = arith.constant 2 : i32
      %dma_start3A_205 = arith.constant 0 : i32
      %dma_start3A_206 = arith.constant 0 : i32
      %dma_start3A_207 = tpu.memref_slice %arg9[%dma_start3A_204, %dma_start3A_205, %dma_start3A_206] : memref<3x64x128xf32, #tpu.memory_space<vmem>> -> memref<1x64x128xf32, #tpu.memory_space<vmem>>
      %dma_start3A_208 = tpu.memref_squeeze %dma_start3A_207 : memref<1x64x128xf32, #tpu.memory_space<vmem>> -> memref<64x128xf32, #tpu.memory_space<vmem>>
      %dma_start3A_209 = arith.constant 64 : i32
      %dma_start3A_210 = tpu.memref_slice %arg7[%add3A_203, %dma_start3A_209] : memref<80x128xi32, #tpu.memory_space<vmem>> -> memref<1x64xi32, #tpu.memory_space<vmem>>
      %dma_start3A_211 = tpu.memref_squeeze %dma_start3A_210 : memref<1x64xi32, #tpu.memory_space<vmem>> -> memref<64xi32, #tpu.memory_space<vmem>>
      %dma_start3A_212 = arith.constant 0 : i32
      %dma_start3A_213 = arith.constant 0 : i32
      %dma_start3A_214 = tpu.memref_slice %arg2[%dma_start3A_212, %dma_start3A_213] : memref<10000x128xf32, #tpu.memory_space<hbm>> -> memref<10000x128xf32, #tpu.memory_space<hbm>>
      tpu.enqueue_indirect_dma source(%dma_start3A_214 : memref<10000x128xf32, #tpu.memory_space<hbm>>) target(%dma_start3A_208 : memref<64x128xf32, #tpu.memory_space<vmem>>) offsets(%dma_start3A_211 : memref<64xi32, #tpu.memory_space<vmem>>) semaphore(%arg13 : memref<!tpu.dma_semaphore, #tpu.memory_space<semaphore_mem>>)
      %mul3A_215 = arith.constant 3 : i32
      %mul3A_216 = arith.muli %mul3A_215, %scan3A_121 : i32
      %add3A_217 = arith.constant 1 : i32
      %add3A_218 = arith.addi %mul3A_216, %add3A_217 : i32
      %dma_wait3A_219 = arith.constant 0 : i32
      %dma_wait3A_220 = arith.constant 0 : i32
      %dma_wait3A_221 = arith.constant 0 : i32
      %dma_wait3A_222 = tpu.memref_slice %arg9[%dma_wait3A_219, %dma_wait3A_220, %dma_wait3A_221] : memref<3x64x128xf32, #tpu.memory_space<vmem>> -> memref<1x64x128xf32, #tpu.memory_space<vmem>>
      %dma_wait3A_223 = tpu.memref_squeeze %dma_wait3A_222 : memref<1x64x128xf32, #tpu.memory_space<vmem>> -> memref<64x128xf32, #tpu.memory_space<vmem>>
      %dma_wait3A_224 = arith.constant 64 : i32
      %dma_wait3A_225 = tpu.memref_slice %arg7[%add3A_218, %dma_wait3A_224] : memref<80x128xi32, #tpu.memory_space<vmem>> -> memref<1x64xi32, #tpu.memory_space<vmem>>
      %dma_wait3A_226 = tpu.memref_squeeze %dma_wait3A_225 : memref<1x64xi32, #tpu.memory_space<vmem>> -> memref<64xi32, #tpu.memory_space<vmem>>
      %dma_wait3A_227 = arith.constant 0 : i32
      %dma_wait3A_228 = arith.constant 0 : i32
      %dma_wait3A_229 = tpu.memref_slice %arg2[%dma_wait3A_227, %dma_wait3A_228] : memref<10000x128xf32, #tpu.memory_space<hbm>> -> memref<10000x128xf32, #tpu.memory_space<hbm>>
      tpu.wait_indirect_dma semaphore(%arg11 : memref<!tpu.dma_semaphore, #tpu.memory_space<semaphore_mem>>) src(%dma_wait3A_229 : memref<10000x128xf32, #tpu.memory_space<hbm>>) dst(%dma_wait3A_223 : memref<64x128xf32, #tpu.memory_space<vmem>>)
      %run_scoped3A_230 = arith.constant 0 : i32
      "tpu.region"() ({
        %run_scoped3A_308 = tpu.sem_alloc : memref<!tpu.dma_semaphore, #tpu.memory_space<semaphore_mem>>
        %dma_start3A_309 = arith.constant 0 : i32
        %dma_start3A_310 = arith.constant 0 : i32
        %dma_start3A_311 = tpu.memref_slice %arg9[%run_scoped3A_230, %dma_start3A_309, %dma_start3A_310] : memref<3x64x128xf32, #tpu.memory_space<vmem>> -> memref<1x64x128xf32, #tpu.memory_space<vmem>>
        %dma_start3A_312 = tpu.memref_squeeze %dma_start3A_311 : memref<1x64x128xf32, #tpu.memory_space<vmem>> -> memref<64x128xf32, #tpu.memory_space<vmem>>
        %dma_start3A_313 = arith.constant 64 : i32
        %dma_start3A_314 = tpu.memref_slice %arg8[%add3A_218, %dma_start3A_313] : memref<80x128xi32, #tpu.memory_space<vmem>> -> memref<1x64xi32, #tpu.memory_space<vmem>>
        %dma_start3A_315 = tpu.memref_squeeze %dma_start3A_314 : memref<1x64xi32, #tpu.memory_space<vmem>> -> memref<64xi32, #tpu.memory_space<vmem>>
        %dma_start3A_316 = arith.constant 0 : i32
        %dma_start3A_317 = arith.constant 0 : i32
        %dma_start3A_318 = tpu.memref_slice %arg10[%dma_start3A_316, %dma_start3A_317] : memref<10008x128xf32, #tpu.memory_space<vmem_shared>> -> memref<10008x128xf32, #tpu.memory_space<vmem_shared>>
        tpu.enqueue_indirect_dma source(%dma_start3A_312 : memref<64x128xf32, #tpu.memory_space<vmem>>) target(%dma_start3A_318 : memref<10008x128xf32, #tpu.memory_space<vmem_shared>>) offsets(%dma_start3A_315 : memref<64xi32, #tpu.memory_space<vmem>>) semaphore(%run_scoped3A_308 : memref<!tpu.dma_semaphore, #tpu.memory_space<semaphore_mem>>) {add = true}
        %dma_wait3A_319 = arith.constant 0 : i32
        %dma_wait3A_320 = arith.constant 0 : i32
        %dma_wait3A_321 = tpu.memref_slice %arg9[%run_scoped3A_230, %dma_wait3A_319, %dma_wait3A_320] : memref<3x64x128xf32, #tpu.memory_space<vmem>> -> memref<1x64x128xf32, #tpu.memory_space<vmem>>
        %dma_wait3A_322 = tpu.memref_squeeze %dma_wait3A_321 : memref<1x64x128xf32, #tpu.memory_space<vmem>> -> memref<64x128xf32, #tpu.memory_space<vmem>>
        %dma_wait3A_323 = arith.constant 64 : i32
        %dma_wait3A_324 = tpu.memref_slice %arg8[%add3A_218, %dma_wait3A_323] : memref<80x128xi32, #tpu.memory_space<vmem>> -> memref<1x64xi32, #tpu.memory_space<vmem>>
        %dma_wait3A_325 = tpu.memref_squeeze %dma_wait3A_324 : memref<1x64xi32, #tpu.memory_space<vmem>> -> memref<64xi32, #tpu.memory_space<vmem>>
        %dma_wait3A_326 = arith.constant 0 : i32
        %dma_wait3A_327 = arith.constant 0 : i32
        %dma_wait3A_328 = tpu.memref_slice %arg10[%dma_wait3A_326, %dma_wait3A_327] : memref<10008x128xf32, #tpu.memory_space<vmem_shared>> -> memref<10008x128xf32, #tpu.memory_space<vmem_shared>>
        tpu.wait_indirect_dma semaphore(%run_scoped3A_308 : memref<!tpu.dma_semaphore, #tpu.memory_space<semaphore_mem>>) src(%dma_wait3A_322 : memref<64x128xf32, #tpu.memory_space<vmem>>) dst(%dma_wait3A_328 : memref<10008x128xf32, #tpu.memory_space<vmem_shared>>)
        tpu.yield
      }) : () -> ()
      %add3A_231 = arith.constant 1 : i32
      %add3A_232 = arith.addi %add3A_218, %add3A_231 : i32
      %add3A_233 = arith.constant 1 : i32
      %add3A_234 = arith.addi %add3A_232, %add3A_233 : i32
      %dma_start3A_235 = arith.constant 0 : i32
      %dma_start3A_236 = arith.constant 0 : i32
      %dma_start3A_237 = arith.constant 0 : i32
      %dma_start3A_238 = tpu.memref_slice %arg9[%dma_start3A_235, %dma_start3A_236, %dma_start3A_237] : memref<3x64x128xf32, #tpu.memory_space<vmem>> -> memref<1x64x128xf32, #tpu.memory_space<vmem>>
      %dma_start3A_239 = tpu.memref_squeeze %dma_start3A_238 : memref<1x64x128xf32, #tpu.memory_space<vmem>> -> memref<64x128xf32, #tpu.memory_space<vmem>>
      %dma_start3A_240 = arith.constant 0 : i32
      %dma_start3A_241 = tpu.memref_slice %arg7[%add3A_234, %dma_start3A_240] : memref<80x128xi32, #tpu.memory_space<vmem>> -> memref<1x64xi32, #tpu.memory_space<vmem>>
      %dma_start3A_242 = tpu.memref_squeeze %dma_start3A_241 : memref<1x64xi32, #tpu.memory_space<vmem>> -> memref<64xi32, #tpu.memory_space<vmem>>
      %dma_start3A_243 = arith.constant 0 : i32
      %dma_start3A_244 = arith.constant 0 : i32
      %dma_start3A_245 = tpu.memref_slice %arg2[%dma_start3A_243, %dma_start3A_244] : memref<10000x128xf32, #tpu.memory_space<hbm>> -> memref<10000x128xf32, #tpu.memory_space<hbm>>
      tpu.enqueue_indirect_dma source(%dma_start3A_245 : memref<10000x128xf32, #tpu.memory_space<hbm>>) target(%dma_start3A_239 : memref<64x128xf32, #tpu.memory_space<vmem>>) offsets(%dma_start3A_242 : memref<64xi32, #tpu.memory_space<vmem>>) semaphore(%arg11 : memref<!tpu.dma_semaphore, #tpu.memory_space<semaphore_mem>>)
      %mul3A_246 = arith.constant 3 : i32
      %mul3A_247 = arith.muli %mul3A_246, %scan3A_121 : i32
      %add3A_248 = arith.constant 2 : i32
      %add3A_249 = arith.addi %mul3A_247, %add3A_248 : i32
      %dma_wait3A_250 = arith.constant 1 : i32
      %dma_wait3A_251 = arith.constant 0 : i32
      %dma_wait3A_252 = arith.constant 0 : i32
      %dma_wait3A_253 = tpu.memref_slice %arg9[%dma_wait3A_250, %dma_wait3A_251, %dma_wait3A_252] : memref<3x64x128xf32, #tpu.memory_space<vmem>> -> memref<1x64x128xf32, #tpu.memory_space<vmem>>
      %dma_wait3A_254 = tpu.memref_squeeze %dma_wait3A_253 : memref<1x64x128xf32, #tpu.memory_space<vmem>> -> memref<64x128xf32, #tpu.memory_space<vmem>>
      %dma_wait3A_255 = arith.constant 0 : i32
      %dma_wait3A_256 = tpu.memref_slice %arg7[%add3A_249, %dma_wait3A_255] : memref<80x128xi32, #tpu.memory_space<vmem>> -> memref<1x64xi32, #tpu.memory_space<vmem>>
      %dma_wait3A_257 = tpu.memref_squeeze %dma_wait3A_256 : memref<1x64xi32, #tpu.memory_space<vmem>> -> memref<64xi32, #tpu.memory_space<vmem>>
      %dma_wait3A_258 = arith.constant 0 : i32
      %dma_wait3A_259 = arith.constant 0 : i32
      %dma_wait3A_260 = tpu.memref_slice %arg2[%dma_wait3A_258, %dma_wait3A_259] : memref<10000x128xf32, #tpu.memory_space<hbm>> -> memref<10000x128xf32, #tpu.memory_space<hbm>>
      tpu.wait_indirect_dma semaphore(%arg12 : memref<!tpu.dma_semaphore, #tpu.memory_space<semaphore_mem>>) src(%dma_wait3A_260 : memref<10000x128xf32, #tpu.memory_space<hbm>>) dst(%dma_wait3A_254 : memref<64x128xf32, #tpu.memory_space<vmem>>)
      %run_scoped3A_261 = arith.constant 1 : i32
      "tpu.region"() ({
        %run_scoped3A_308 = tpu.sem_alloc : memref<!tpu.dma_semaphore, #tpu.memory_space<semaphore_mem>>
        %dma_start3A_309 = arith.constant 0 : i32
        %dma_start3A_310 = arith.constant 0 : i32
        %dma_start3A_311 = tpu.memref_slice %arg9[%run_scoped3A_261, %dma_start3A_309, %dma_start3A_310] : memref<3x64x128xf32, #tpu.memory_space<vmem>> -> memref<1x64x128xf32, #tpu.memory_space<vmem>>
        %dma_start3A_312 = tpu.memref_squeeze %dma_start3A_311 : memref<1x64x128xf32, #tpu.memory_space<vmem>> -> memref<64x128xf32, #tpu.memory_space<vmem>>
        %dma_start3A_313 = arith.constant 0 : i32
        %dma_start3A_314 = tpu.memref_slice %arg8[%add3A_249, %dma_start3A_313] : memref<80x128xi32, #tpu.memory_space<vmem>> -> memref<1x64xi32, #tpu.memory_space<vmem>>
        %dma_start3A_315 = tpu.memref_squeeze %dma_start3A_314 : memref<1x64xi32, #tpu.memory_space<vmem>> -> memref<64xi32, #tpu.memory_space<vmem>>
        %dma_start3A_316 = arith.constant 0 : i32
        %dma_start3A_317 = arith.constant 0 : i32
        %dma_start3A_318 = tpu.memref_slice %arg10[%dma_start3A_316, %dma_start3A_317] : memref<10008x128xf32, #tpu.memory_space<vmem_shared>> -> memref<10008x128xf32, #tpu.memory_space<vmem_shared>>
        tpu.enqueue_indirect_dma source(%dma_start3A_312 : memref<64x128xf32, #tpu.memory_space<vmem>>) target(%dma_start3A_318 : memref<10008x128xf32, #tpu.memory_space<vmem_shared>>) offsets(%dma_start3A_315 : memref<64xi32, #tpu.memory_space<vmem>>) semaphore(%run_scoped3A_308 : memref<!tpu.dma_semaphore, #tpu.memory_space<semaphore_mem>>) {add = true}
        %dma_wait3A_319 = arith.constant 0 : i32
        %dma_wait3A_320 = arith.constant 0 : i32
        %dma_wait3A_321 = tpu.memref_slice %arg9[%run_scoped3A_261, %dma_wait3A_319, %dma_wait3A_320] : memref<3x64x128xf32, #tpu.memory_space<vmem>> -> memref<1x64x128xf32, #tpu.memory_space<vmem>>
        %dma_wait3A_322 = tpu.memref_squeeze %dma_wait3A_321 : memref<1x64x128xf32, #tpu.memory_space<vmem>> -> memref<64x128xf32, #tpu.memory_space<vmem>>
        %dma_wait3A_323 = arith.constant 0 : i32
        %dma_wait3A_324 = tpu.memref_slice %arg8[%add3A_249, %dma_wait3A_323] : memref<80x128xi32, #tpu.memory_space<vmem>> -> memref<1x64xi32, #tpu.memory_space<vmem>>
        %dma_wait3A_325 = tpu.memref_squeeze %dma_wait3A_324 : memref<1x64xi32, #tpu.memory_space<vmem>> -> memref<64xi32, #tpu.memory_space<vmem>>
        %dma_wait3A_326 = arith.constant 0 : i32
        %dma_wait3A_327 = arith.constant 0 : i32
        %dma_wait3A_328 = tpu.memref_slice %arg10[%dma_wait3A_326, %dma_wait3A_327] : memref<10008x128xf32, #tpu.memory_space<vmem_shared>> -> memref<10008x128xf32, #tpu.memory_space<vmem_shared>>
        tpu.wait_indirect_dma semaphore(%run_scoped3A_308 : memref<!tpu.dma_semaphore, #tpu.memory_space<semaphore_mem>>) src(%dma_wait3A_322 : memref<64x128xf32, #tpu.memory_space<vmem>>) dst(%dma_wait3A_328 : memref<10008x128xf32, #tpu.memory_space<vmem_shared>>)
        tpu.yield
      }) : () -> ()
      %add3A_262 = arith.constant 1 : i32
      %add3A_263 = arith.addi %add3A_249, %add3A_262 : i32
      %add3A_264 = arith.constant 0 : i32
      %add3A_265 = arith.addi %add3A_263, %add3A_264 : i32
      %dma_start3A_266 = arith.constant 1 : i32
      %dma_start3A_267 = arith.constant 0 : i32
      %dma_start3A_268 = arith.constant 0 : i32
      %dma_start3A_269 = tpu.memref_slice %arg9[%dma_start3A_266, %dma_start3A_267, %dma_start3A_268] : memref<3x64x128xf32, #tpu.memory_space<vmem>> -> memref<1x64x128xf32, #tpu.memory_space<vmem>>
      %dma_start3A_270 = tpu.memref_squeeze %dma_start3A_269 : memref<1x64x128xf32, #tpu.memory_space<vmem>> -> memref<64x128xf32, #tpu.memory_space<vmem>>
      %dma_start3A_271 = arith.constant 64 : i32
      %dma_start3A_272 = tpu.memref_slice %arg7[%add3A_265, %dma_start3A_271] : memref<80x128xi32, #tpu.memory_space<vmem>> -> memref<1x64xi32, #tpu.memory_space<vmem>>
      %dma_start3A_273 = tpu.memref_squeeze %dma_start3A_272 : memref<1x64xi32, #tpu.memory_space<vmem>> -> memref<64xi32, #tpu.memory_space<vmem>>
      %dma_start3A_274 = arith.constant 0 : i32
      %dma_start3A_275 = arith.constant 0 : i32
      %dma_start3A_276 = tpu.memref_slice %arg2[%dma_start3A_274, %dma_start3A_275] : memref<10000x128xf32, #tpu.memory_space<hbm>> -> memref<10000x128xf32, #tpu.memory_space<hbm>>
      tpu.enqueue_indirect_dma source(%dma_start3A_276 : memref<10000x128xf32, #tpu.memory_space<hbm>>) target(%dma_start3A_270 : memref<64x128xf32, #tpu.memory_space<vmem>>) offsets(%dma_start3A_273 : memref<64xi32, #tpu.memory_space<vmem>>) semaphore(%arg12 : memref<!tpu.dma_semaphore, #tpu.memory_space<semaphore_mem>>)
      %mul3A_277 = arith.constant 3 : i32
      %mul3A_278 = arith.muli %mul3A_277, %scan3A_121 : i32
      %add3A_279 = arith.constant 2 : i32
      %add3A_280 = arith.addi %mul3A_278, %add3A_279 : i32
      %dma_wait3A_281 = arith.constant 2 : i32
      %dma_wait3A_282 = arith.constant 0 : i32
      %dma_wait3A_283 = arith.constant 0 : i32
      %dma_wait3A_284 = tpu.memref_slice %arg9[%dma_wait3A_281, %dma_wait3A_282, %dma_wait3A_283] : memref<3x64x128xf32, #tpu.memory_space<vmem>> -> memref<1x64x128xf32, #tpu.memory_space<vmem>>
      %dma_wait3A_285 = tpu.memref_squeeze %dma_wait3A_284 : memref<1x64x128xf32, #tpu.memory_space<vmem>> -> memref<64x128xf32, #tpu.memory_space<vmem>>
      %dma_wait3A_286 = arith.constant 64 : i32
      %dma_wait3A_287 = tpu.memref_slice %arg7[%add3A_280, %dma_wait3A_286] : memref<80x128xi32, #tpu.memory_space<vmem>> -> memref<1x64xi32, #tpu.memory_space<vmem>>
      %dma_wait3A_288 = tpu.memref_squeeze %dma_wait3A_287 : memref<1x64xi32, #tpu.memory_space<vmem>> -> memref<64xi32, #tpu.memory_space<vmem>>
      %dma_wait3A_289 = arith.constant 0 : i32
      %dma_wait3A_290 = arith.constant 0 : i32
      %dma_wait3A_291 = tpu.memref_slice %arg2[%dma_wait3A_289, %dma_wait3A_290] : memref<10000x128xf32, #tpu.memory_space<hbm>> -> memref<10000x128xf32, #tpu.memory_space<hbm>>
      tpu.wait_indirect_dma semaphore(%arg13 : memref<!tpu.dma_semaphore, #tpu.memory_space<semaphore_mem>>) src(%dma_wait3A_291 : memref<10000x128xf32, #tpu.memory_space<hbm>>) dst(%dma_wait3A_285 : memref<64x128xf32, #tpu.memory_space<vmem>>)
      %run_scoped3A_292 = arith.constant 2 : i32
      "tpu.region"() ({
        %run_scoped3A_308 = tpu.sem_alloc : memref<!tpu.dma_semaphore, #tpu.memory_space<semaphore_mem>>
        %dma_start3A_309 = arith.constant 0 : i32
        %dma_start3A_310 = arith.constant 0 : i32
        %dma_start3A_311 = tpu.memref_slice %arg9[%run_scoped3A_292, %dma_start3A_309, %dma_start3A_310] : memref<3x64x128xf32, #tpu.memory_space<vmem>> -> memref<1x64x128xf32, #tpu.memory_space<vmem>>
        %dma_start3A_312 = tpu.memref_squeeze %dma_start3A_311 : memref<1x64x128xf32, #tpu.memory_space<vmem>> -> memref<64x128xf32, #tpu.memory_space<vmem>>
        %dma_start3A_313 = arith.constant 64 : i32
        %dma_start3A_314 = tpu.memref_slice %arg8[%add3A_280, %dma_start3A_313] : memref<80x128xi32, #tpu.memory_space<vmem>> -> memref<1x64xi32, #tpu.memory_space<vmem>>
        %dma_start3A_315 = tpu.memref_squeeze %dma_start3A_314 : memref<1x64xi32, #tpu.memory_space<vmem>> -> memref<64xi32, #tpu.memory_space<vmem>>
        %dma_start3A_316 = arith.constant 0 : i32
        %dma_start3A_317 = arith.constant 0 : i32
        %dma_start3A_318 = tpu.memref_slice %arg10[%dma_start3A_316, %dma_start3A_317] : memref<10008x128xf32, #tpu.memory_space<vmem_shared>> -> memref<10008x128xf32, #tpu.memory_space<vmem_shared>>
        tpu.enqueue_indirect_dma source(%dma_start3A_312 : memref<64x128xf32, #tpu.memory_space<vmem>>) target(%dma_start3A_318 : memref<10008x128xf32, #tpu.memory_space<vmem_shared>>) offsets(%dma_start3A_315 : memref<64xi32, #tpu.memory_space<vmem>>) semaphore(%run_scoped3A_308 : memref<!tpu.dma_semaphore, #tpu.memory_space<semaphore_mem>>) {add = true}
        %dma_wait3A_319 = arith.constant 0 : i32
        %dma_wait3A_320 = arith.constant 0 : i32
        %dma_wait3A_321 = tpu.memref_slice %arg9[%run_scoped3A_292, %dma_wait3A_319, %dma_wait3A_320] : memref<3x64x128xf32, #tpu.memory_space<vmem>> -> memref<1x64x128xf32, #tpu.memory_space<vmem>>
        %dma_wait3A_322 = tpu.memref_squeeze %dma_wait3A_321 : memref<1x64x128xf32, #tpu.memory_space<vmem>> -> memref<64x128xf32, #tpu.memory_space<vmem>>
        %dma_wait3A_323 = arith.constant 64 : i32
        %dma_wait3A_324 = tpu.memref_slice %arg8[%add3A_280, %dma_wait3A_323] : memref<80x128xi32, #tpu.memory_space<vmem>> -> memref<1x64xi32, #tpu.memory_space<vmem>>
        %dma_wait3A_325 = tpu.memref_squeeze %dma_wait3A_324 : memref<1x64xi32, #tpu.memory_space<vmem>> -> memref<64xi32, #tpu.memory_space<vmem>>
        %dma_wait3A_326 = arith.constant 0 : i32
        %dma_wait3A_327 = arith.constant 0 : i32
        %dma_wait3A_328 = tpu.memref_slice %arg10[%dma_wait3A_326, %dma_wait3A_327] : memref<10008x128xf32, #tpu.memory_space<vmem_shared>> -> memref<10008x128xf32, #tpu.memory_space<vmem_shared>>
        tpu.wait_indirect_dma semaphore(%run_scoped3A_308 : memref<!tpu.dma_semaphore, #tpu.memory_space<semaphore_mem>>) src(%dma_wait3A_322 : memref<64x128xf32, #tpu.memory_space<vmem>>) dst(%dma_wait3A_328 : memref<10008x128xf32, #tpu.memory_space<vmem_shared>>)
        tpu.yield
      }) : () -> ()
      %add3A_293 = arith.constant 1 : i32
      %add3A_294 = arith.addi %add3A_280, %add3A_293 : i32
      %add3A_295 = arith.constant 1 : i32
      %add3A_296 = arith.addi %add3A_294, %add3A_295 : i32
      %dma_start3A_297 = arith.constant 2 : i32
      %dma_start3A_298 = arith.constant 0 : i32
      %dma_start3A_299 = arith.constant 0 : i32
      %dma_start3A_300 = tpu.memref_slice %arg9[%dma_start3A_297, %dma_start3A_298, %dma_start3A_299] : memref<3x64x128xf32, #tpu.memory_space<vmem>> -> memref<1x64x128xf32, #tpu.memory_space<vmem>>
      %dma_start3A_301 = tpu.memref_squeeze %dma_start3A_300 : memref<1x64x128xf32, #tpu.memory_space<vmem>> -> memref<64x128xf32, #tpu.memory_space<vmem>>
      %dma_start3A_302 = arith.constant 0 : i32
      %dma_start3A_303 = tpu.memref_slice %arg7[%add3A_296, %dma_start3A_302] : memref<80x128xi32, #tpu.memory_space<vmem>> -> memref<1x64xi32, #tpu.memory_space<vmem>>
      %dma_start3A_304 = tpu.memref_squeeze %dma_start3A_303 : memref<1x64xi32, #tpu.memory_space<vmem>> -> memref<64xi32, #tpu.memory_space<vmem>>
      %dma_start3A_305 = arith.constant 0 : i32
      %dma_start3A_306 = arith.constant 0 : i32
      %dma_start3A_307 = tpu.memref_slice %arg2[%dma_start3A_305, %dma_start3A_306] : memref<10000x128xf32, #tpu.memory_space<hbm>> -> memref<10000x128xf32, #tpu.memory_space<hbm>>
      tpu.enqueue_indirect_dma source(%dma_start3A_307 : memref<10000x128xf32, #tpu.memory_space<hbm>>) target(%dma_start3A_301 : memref<64x128xf32, #tpu.memory_space<vmem>>) offsets(%dma_start3A_304 : memref<64xi32, #tpu.memory_space<vmem>>) semaphore(%arg13 : memref<!tpu.dma_semaphore, #tpu.memory_space<semaphore_mem>>)
    }
    %scan3A_46 = arith.constant 26 : i32
    %dma_wait3A = arith.constant 78 : i32
    %dma_wait3A_47 = arith.constant 0 : i32
    %dma_wait3A_48 = arith.constant 0 : i32
    %dma_wait3A_49 = arith.constant 0 : i32
    %dma_wait3A_50 = tpu.memref_slice %arg9[%dma_wait3A_47, %dma_wait3A_48, %dma_wait3A_49] : memref<3x64x128xf32, #tpu.memory_space<vmem>> -> memref<1x64x128xf32, #tpu.memory_space<vmem>>
    %dma_wait3A_51 = tpu.memref_squeeze %dma_wait3A_50 : memref<1x64x128xf32, #tpu.memory_space<vmem>> -> memref<64x128xf32, #tpu.memory_space<vmem>>
    %dma_wait3A_52 = arith.constant 0 : i32
    %dma_wait3A_53 = tpu.memref_slice %arg7[%dma_wait3A, %dma_wait3A_52] : memref<80x128xi32, #tpu.memory_space<vmem>> -> memref<1x64xi32, #tpu.memory_space<vmem>>
    %dma_wait3A_54 = tpu.memref_squeeze %dma_wait3A_53 : memref<1x64xi32, #tpu.memory_space<vmem>> -> memref<64xi32, #tpu.memory_space<vmem>>
    %dma_wait3A_55 = arith.constant 0 : i32
    %dma_wait3A_56 = arith.constant 0 : i32
    %dma_wait3A_57 = tpu.memref_slice %arg2[%dma_wait3A_55, %dma_wait3A_56] : memref<10000x128xf32, #tpu.memory_space<hbm>> -> memref<10000x128xf32, #tpu.memory_space<hbm>>
    tpu.wait_indirect_dma semaphore(%arg11 : memref<!tpu.dma_semaphore, #tpu.memory_space<semaphore_mem>>) src(%dma_wait3A_57 : memref<10000x128xf32, #tpu.memory_space<hbm>>) dst(%dma_wait3A_51 : memref<64x128xf32, #tpu.memory_space<vmem>>)
    %run_scoped3A = arith.constant 0 : i32
    %run_scoped3A_58 = arith.constant 78 : i32
    "tpu.region"() ({
      %run_scoped3A_121 = tpu.sem_alloc : memref<!tpu.dma_semaphore, #tpu.memory_space<semaphore_mem>>
      %dma_start3A_122 = arith.constant 0 : i32
      %dma_start3A_123 = arith.constant 0 : i32
      %dma_start3A_124 = tpu.memref_slice %arg9[%run_scoped3A, %dma_start3A_122, %dma_start3A_123] : memref<3x64x128xf32, #tpu.memory_space<vmem>> -> memref<1x64x128xf32, #tpu.memory_space<vmem>>
      %dma_start3A_125 = tpu.memref_squeeze %dma_start3A_124 : memref<1x64x128xf32, #tpu.memory_space<vmem>> -> memref<64x128xf32, #tpu.memory_space<vmem>>
      %dma_start3A_126 = arith.constant 0 : i32
      %dma_start3A_127 = tpu.memref_slice %arg8[%run_scoped3A_58, %dma_start3A_126] : memref<80x128xi32, #tpu.memory_space<vmem>> -> memref<1x64xi32, #tpu.memory_space<vmem>>
      %dma_start3A_128 = tpu.memref_squeeze %dma_start3A_127 : memref<1x64xi32, #tpu.memory_space<vmem>> -> memref<64xi32, #tpu.memory_space<vmem>>
      %dma_start3A_129 = arith.constant 0 : i32
      %dma_start3A_130 = arith.constant 0 : i32
      %dma_start3A_131 = tpu.memref_slice %arg10[%dma_start3A_129, %dma_start3A_130] : memref<10008x128xf32, #tpu.memory_space<vmem_shared>> -> memref<10008x128xf32, #tpu.memory_space<vmem_shared>>
      tpu.enqueue_indirect_dma source(%dma_start3A_125 : memref<64x128xf32, #tpu.memory_space<vmem>>) target(%dma_start3A_131 : memref<10008x128xf32, #tpu.memory_space<vmem_shared>>) offsets(%dma_start3A_128 : memref<64xi32, #tpu.memory_space<vmem>>) semaphore(%run_scoped3A_121 : memref<!tpu.dma_semaphore, #tpu.memory_space<semaphore_mem>>) {add = true}
      %dma_wait3A_132 = arith.constant 0 : i32
      %dma_wait3A_133 = arith.constant 0 : i32
      %dma_wait3A_134 = tpu.memref_slice %arg9[%run_scoped3A, %dma_wait3A_132, %dma_wait3A_133] : memref<3x64x128xf32, #tpu.memory_space<vmem>> -> memref<1x64x128xf32, #tpu.memory_space<vmem>>
      %dma_wait3A_135 = tpu.memref_squeeze %dma_wait3A_134 : memref<1x64x128xf32, #tpu.memory_space<vmem>> -> memref<64x128xf32, #tpu.memory_space<vmem>>
      %dma_wait3A_136 = arith.constant 0 : i32
      %dma_wait3A_137 = tpu.memref_slice %arg8[%run_scoped3A_58, %dma_wait3A_136] : memref<80x128xi32, #tpu.memory_space<vmem>> -> memref<1x64xi32, #tpu.memory_space<vmem>>
      %dma_wait3A_138 = tpu.memref_squeeze %dma_wait3A_137 : memref<1x64xi32, #tpu.memory_space<vmem>> -> memref<64xi32, #tpu.memory_space<vmem>>
      %dma_wait3A_139 = arith.constant 0 : i32
      %dma_wait3A_140 = arith.constant 0 : i32
      %dma_wait3A_141 = tpu.memref_slice %arg10[%dma_wait3A_139, %dma_wait3A_140] : memref<10008x128xf32, #tpu.memory_space<vmem_shared>> -> memref<10008x128xf32, #tpu.memory_space<vmem_shared>>
      tpu.wait_indirect_dma semaphore(%run_scoped3A_121 : memref<!tpu.dma_semaphore, #tpu.memory_space<semaphore_mem>>) src(%dma_wait3A_135 : memref<64x128xf32, #tpu.memory_space<vmem>>) dst(%dma_wait3A_141 : memref<10008x128xf32, #tpu.memory_space<vmem_shared>>)
      tpu.yield
    }) : () -> ()
    %dma_start3A_59 = arith.constant 79 : i32
    %dma_start3A_60 = arith.constant 0 : i32
    %dma_start3A_61 = arith.constant 0 : i32
    %dma_start3A_62 = arith.constant 0 : i32
    %dma_start3A_63 = tpu.memref_slice %arg9[%dma_start3A_60, %dma_start3A_61, %dma_start3A_62] : memref<3x64x128xf32, #tpu.memory_space<vmem>> -> memref<1x64x128xf32, #tpu.memory_space<vmem>>
    %dma_start3A_64 = tpu.memref_squeeze %dma_start3A_63 : memref<1x64x128xf32, #tpu.memory_space<vmem>> -> memref<64x128xf32, #tpu.memory_space<vmem>>
    %dma_start3A_65 = arith.constant 64 : i32
    %dma_start3A_66 = tpu.memref_slice %arg7[%dma_start3A_59, %dma_start3A_65] : memref<80x128xi32, #tpu.memory_space<vmem>> -> memref<1x64xi32, #tpu.memory_space<vmem>>
    %dma_start3A_67 = tpu.memref_squeeze %dma_start3A_66 : memref<1x64xi32, #tpu.memory_space<vmem>> -> memref<64xi32, #tpu.memory_space<vmem>>
    %dma_start3A_68 = arith.constant 0 : i32
    %dma_start3A_69 = arith.constant 0 : i32
    %dma_start3A_70 = tpu.memref_slice %arg2[%dma_start3A_68, %dma_start3A_69] : memref<10000x128xf32, #tpu.memory_space<hbm>> -> memref<10000x128xf32, #tpu.memory_space<hbm>>
    tpu.enqueue_indirect_dma source(%dma_start3A_70 : memref<10000x128xf32, #tpu.memory_space<hbm>>) target(%dma_start3A_64 : memref<64x128xf32, #tpu.memory_space<vmem>>) offsets(%dma_start3A_67 : memref<64xi32, #tpu.memory_space<vmem>>) semaphore(%arg11 : memref<!tpu.dma_semaphore, #tpu.memory_space<semaphore_mem>>)
    %dma_wait3A_71 = arith.constant 78 : i32
    %dma_wait3A_72 = arith.constant 1 : i32
    %dma_wait3A_73 = arith.constant 0 : i32
    %dma_wait3A_74 = arith.constant 0 : i32
    %dma_wait3A_75 = tpu.memref_slice %arg9[%dma_wait3A_72, %dma_wait3A_73, %dma_wait3A_74] : memref<3x64x128xf32, #tpu.memory_space<vmem>> -> memref<1x64x128xf32, #tpu.memory_space<vmem>>
    %dma_wait3A_76 = tpu.memref_squeeze %dma_wait3A_75 : memref<1x64x128xf32, #tpu.memory_space<vmem>> -> memref<64x128xf32, #tpu.memory_space<vmem>>
    %dma_wait3A_77 = arith.constant 64 : i32
    %dma_wait3A_78 = tpu.memref_slice %arg7[%dma_wait3A_71, %dma_wait3A_77] : memref<80x128xi32, #tpu.memory_space<vmem>> -> memref<1x64xi32, #tpu.memory_space<vmem>>
    %dma_wait3A_79 = tpu.memref_squeeze %dma_wait3A_78 : memref<1x64xi32, #tpu.memory_space<vmem>> -> memref<64xi32, #tpu.memory_space<vmem>>
    %dma_wait3A_80 = arith.constant 0 : i32
    %dma_wait3A_81 = arith.constant 0 : i32
    %dma_wait3A_82 = tpu.memref_slice %arg2[%dma_wait3A_80, %dma_wait3A_81] : memref<10000x128xf32, #tpu.memory_space<hbm>> -> memref<10000x128xf32, #tpu.memory_space<hbm>>
    tpu.wait_indirect_dma semaphore(%arg12 : memref<!tpu.dma_semaphore, #tpu.memory_space<semaphore_mem>>) src(%dma_wait3A_82 : memref<10000x128xf32, #tpu.memory_space<hbm>>) dst(%dma_wait3A_76 : memref<64x128xf32, #tpu.memory_space<vmem>>)
    %run_scoped3A_83 = arith.constant 1 : i32
    %run_scoped3A_84 = arith.constant 78 : i32
    "tpu.region"() ({
      %run_scoped3A_121 = tpu.sem_alloc : memref<!tpu.dma_semaphore, #tpu.memory_space<semaphore_mem>>
      %dma_start3A_122 = arith.constant 0 : i32
      %dma_start3A_123 = arith.constant 0 : i32
      %dma_start3A_124 = tpu.memref_slice %arg9[%run_scoped3A_83, %dma_start3A_122, %dma_start3A_123] : memref<3x64x128xf32, #tpu.memory_space<vmem>> -> memref<1x64x128xf32, #tpu.memory_space<vmem>>
      %dma_start3A_125 = tpu.memref_squeeze %dma_start3A_124 : memref<1x64x128xf32, #tpu.memory_space<vmem>> -> memref<64x128xf32, #tpu.memory_space<vmem>>
      %dma_start3A_126 = arith.constant 64 : i32
      %dma_start3A_127 = tpu.memref_slice %arg8[%run_scoped3A_84, %dma_start3A_126] : memref<80x128xi32, #tpu.memory_space<vmem>> -> memref<1x64xi32, #tpu.memory_space<vmem>>
      %dma_start3A_128 = tpu.memref_squeeze %dma_start3A_127 : memref<1x64xi32, #tpu.memory_space<vmem>> -> memref<64xi32, #tpu.memory_space<vmem>>
      %dma_start3A_129 = arith.constant 0 : i32
      %dma_start3A_130 = arith.constant 0 : i32
      %dma_start3A_131 = tpu.memref_slice %arg10[%dma_start3A_129, %dma_start3A_130] : memref<10008x128xf32, #tpu.memory_space<vmem_shared>> -> memref<10008x128xf32, #tpu.memory_space<vmem_shared>>
      tpu.enqueue_indirect_dma source(%dma_start3A_125 : memref<64x128xf32, #tpu.memory_space<vmem>>) target(%dma_start3A_131 : memref<10008x128xf32, #tpu.memory_space<vmem_shared>>) offsets(%dma_start3A_128 : memref<64xi32, #tpu.memory_space<vmem>>) semaphore(%run_scoped3A_121 : memref<!tpu.dma_semaphore, #tpu.memory_space<semaphore_mem>>) {add = true}
      %dma_wait3A_132 = arith.constant 0 : i32
      %dma_wait3A_133 = arith.constant 0 : i32
      %dma_wait3A_134 = tpu.memref_slice %arg9[%run_scoped3A_83, %dma_wait3A_132, %dma_wait3A_133] : memref<3x64x128xf32, #tpu.memory_space<vmem>> -> memref<1x64x128xf32, #tpu.memory_space<vmem>>
      %dma_wait3A_135 = tpu.memref_squeeze %dma_wait3A_134 : memref<1x64x128xf32, #tpu.memory_space<vmem>> -> memref<64x128xf32, #tpu.memory_space<vmem>>
      %dma_wait3A_136 = arith.constant 64 : i32
      %dma_wait3A_137 = tpu.memref_slice %arg8[%run_scoped3A_84, %dma_wait3A_136] : memref<80x128xi32, #tpu.memory_space<vmem>> -> memref<1x64xi32, #tpu.memory_space<vmem>>
      %dma_wait3A_138 = tpu.memref_squeeze %dma_wait3A_137 : memref<1x64xi32, #tpu.memory_space<vmem>> -> memref<64xi32, #tpu.memory_space<vmem>>
      %dma_wait3A_139 = arith.constant 0 : i32
      %dma_wait3A_140 = arith.constant 0 : i32
      %dma_wait3A_141 = tpu.memref_slice %arg10[%dma_wait3A_139, %dma_wait3A_140] : memref<10008x128xf32, #tpu.memory_space<vmem_shared>> -> memref<10008x128xf32, #tpu.memory_space<vmem_shared>>
      tpu.wait_indirect_dma semaphore(%run_scoped3A_121 : memref<!tpu.dma_semaphore, #tpu.memory_space<semaphore_mem>>) src(%dma_wait3A_135 : memref<64x128xf32, #tpu.memory_space<vmem>>) dst(%dma_wait3A_141 : memref<10008x128xf32, #tpu.memory_space<vmem_shared>>)
      tpu.yield
    }) : () -> ()
    %dma_wait3A_85 = arith.constant 79 : i32
    %dma_wait3A_86 = arith.constant 2 : i32
    %dma_wait3A_87 = arith.constant 0 : i32
    %dma_wait3A_88 = arith.constant 0 : i32
    %dma_wait3A_89 = tpu.memref_slice %arg9[%dma_wait3A_86, %dma_wait3A_87, %dma_wait3A_88] : memref<3x64x128xf32, #tpu.memory_space<vmem>> -> memref<1x64x128xf32, #tpu.memory_space<vmem>>
    %dma_wait3A_90 = tpu.memref_squeeze %dma_wait3A_89 : memref<1x64x128xf32, #tpu.memory_space<vmem>> -> memref<64x128xf32, #tpu.memory_space<vmem>>
    %dma_wait3A_91 = arith.constant 0 : i32
    %dma_wait3A_92 = tpu.memref_slice %arg7[%dma_wait3A_85, %dma_wait3A_91] : memref<80x128xi32, #tpu.memory_space<vmem>> -> memref<1x64xi32, #tpu.memory_space<vmem>>
    %dma_wait3A_93 = tpu.memref_squeeze %dma_wait3A_92 : memref<1x64xi32, #tpu.memory_space<vmem>> -> memref<64xi32, #tpu.memory_space<vmem>>
    %dma_wait3A_94 = arith.constant 0 : i32
    %dma_wait3A_95 = arith.constant 0 : i32
    %dma_wait3A_96 = tpu.memref_slice %arg2[%dma_wait3A_94, %dma_wait3A_95] : memref<10000x128xf32, #tpu.memory_space<hbm>> -> memref<10000x128xf32, #tpu.memory_space<hbm>>
    tpu.wait_indirect_dma semaphore(%arg13 : memref<!tpu.dma_semaphore, #tpu.memory_space<semaphore_mem>>) src(%dma_wait3A_96 : memref<10000x128xf32, #tpu.memory_space<hbm>>) dst(%dma_wait3A_90 : memref<64x128xf32, #tpu.memory_space<vmem>>)
    %run_scoped3A_97 = arith.constant 2 : i32
    %run_scoped3A_98 = arith.constant 79 : i32
    "tpu.region"() ({
      %run_scoped3A_121 = tpu.sem_alloc : memref<!tpu.dma_semaphore, #tpu.memory_space<semaphore_mem>>
      %dma_start3A_122 = arith.constant 0 : i32
      %dma_start3A_123 = arith.constant 0 : i32
      %dma_start3A_124 = tpu.memref_slice %arg9[%run_scoped3A_97, %dma_start3A_122, %dma_start3A_123] : memref<3x64x128xf32, #tpu.memory_space<vmem>> -> memref<1x64x128xf32, #tpu.memory_space<vmem>>
      %dma_start3A_125 = tpu.memref_squeeze %dma_start3A_124 : memref<1x64x128xf32, #tpu.memory_space<vmem>> -> memref<64x128xf32, #tpu.memory_space<vmem>>
      %dma_start3A_126 = arith.constant 0 : i32
      %dma_start3A_127 = tpu.memref_slice %arg8[%run_scoped3A_98, %dma_start3A_126] : memref<80x128xi32, #tpu.memory_space<vmem>> -> memref<1x64xi32, #tpu.memory_space<vmem>>
      %dma_start3A_128 = tpu.memref_squeeze %dma_start3A_127 : memref<1x64xi32, #tpu.memory_space<vmem>> -> memref<64xi32, #tpu.memory_space<vmem>>
      %dma_start3A_129 = arith.constant 0 : i32
      %dma_start3A_130 = arith.constant 0 : i32
      %dma_start3A_131 = tpu.memref_slice %arg10[%dma_start3A_129, %dma_start3A_130] : memref<10008x128xf32, #tpu.memory_space<vmem_shared>> -> memref<10008x128xf32, #tpu.memory_space<vmem_shared>>
      tpu.enqueue_indirect_dma source(%dma_start3A_125 : memref<64x128xf32, #tpu.memory_space<vmem>>) target(%dma_start3A_131 : memref<10008x128xf32, #tpu.memory_space<vmem_shared>>) offsets(%dma_start3A_128 : memref<64xi32, #tpu.memory_space<vmem>>) semaphore(%run_scoped3A_121 : memref<!tpu.dma_semaphore, #tpu.memory_space<semaphore_mem>>) {add = true}
      %dma_wait3A_132 = arith.constant 0 : i32
      %dma_wait3A_133 = arith.constant 0 : i32
      %dma_wait3A_134 = tpu.memref_slice %arg9[%run_scoped3A_97, %dma_wait3A_132, %dma_wait3A_133] : memref<3x64x128xf32, #tpu.memory_space<vmem>> -> memref<1x64x128xf32, #tpu.memory_space<vmem>>
      %dma_wait3A_135 = tpu.memref_squeeze %dma_wait3A_134 : memref<1x64x128xf32, #tpu.memory_space<vmem>> -> memref<64x128xf32, #tpu.memory_space<vmem>>
      %dma_wait3A_136 = arith.constant 0 : i32
      %dma_wait3A_137 = tpu.memref_slice %arg8[%run_scoped3A_98, %dma_wait3A_136] : memref<80x128xi32, #tpu.memory_space<vmem>> -> memref<1x64xi32, #tpu.memory_space<vmem>>
      %dma_wait3A_138 = tpu.memref_squeeze %dma_wait3A_137 : memref<1x64xi32, #tpu.memory_space<vmem>> -> memref<64xi32, #tpu.memory_space<vmem>>
      %dma_wait3A_139 = arith.constant 0 : i32
      %dma_wait3A_140 = arith.constant 0 : i32
      %dma_wait3A_141 = tpu.memref_slice %arg10[%dma_wait3A_139, %dma_wait3A_140] : memref<10008x128xf32, #tpu.memory_space<vmem_shared>> -> memref<10008x128xf32, #tpu.memory_space<vmem_shared>>
      tpu.wait_indirect_dma semaphore(%run_scoped3A_121 : memref<!tpu.dma_semaphore, #tpu.memory_space<semaphore_mem>>) src(%dma_wait3A_135 : memref<64x128xf32, #tpu.memory_space<vmem>>) dst(%dma_wait3A_141 : memref<10008x128xf32, #tpu.memory_space<vmem_shared>>)
      tpu.yield
    }) : () -> ()
    %dma_wait3A_99 = arith.constant 79 : i32
    %dma_wait3A_100 = arith.constant 0 : i32
    %dma_wait3A_101 = arith.constant 0 : i32
    %dma_wait3A_102 = arith.constant 0 : i32
    %dma_wait3A_103 = tpu.memref_slice %arg9[%dma_wait3A_100, %dma_wait3A_101, %dma_wait3A_102] : memref<3x64x128xf32, #tpu.memory_space<vmem>> -> memref<1x64x128xf32, #tpu.memory_space<vmem>>
    %dma_wait3A_104 = tpu.memref_squeeze %dma_wait3A_103 : memref<1x64x128xf32, #tpu.memory_space<vmem>> -> memref<64x128xf32, #tpu.memory_space<vmem>>
    %dma_wait3A_105 = arith.constant 64 : i32
    %dma_wait3A_106 = tpu.memref_slice %arg7[%dma_wait3A_99, %dma_wait3A_105] : memref<80x128xi32, #tpu.memory_space<vmem>> -> memref<1x64xi32, #tpu.memory_space<vmem>>
    %dma_wait3A_107 = tpu.memref_squeeze %dma_wait3A_106 : memref<1x64xi32, #tpu.memory_space<vmem>> -> memref<64xi32, #tpu.memory_space<vmem>>
    %dma_wait3A_108 = arith.constant 0 : i32
    %dma_wait3A_109 = arith.constant 0 : i32
    %dma_wait3A_110 = tpu.memref_slice %arg2[%dma_wait3A_108, %dma_wait3A_109] : memref<10000x128xf32, #tpu.memory_space<hbm>> -> memref<10000x128xf32, #tpu.memory_space<hbm>>
    tpu.wait_indirect_dma semaphore(%arg11 : memref<!tpu.dma_semaphore, #tpu.memory_space<semaphore_mem>>) src(%dma_wait3A_110 : memref<10000x128xf32, #tpu.memory_space<hbm>>) dst(%dma_wait3A_104 : memref<64x128xf32, #tpu.memory_space<vmem>>)
    %run_scoped3A_111 = arith.constant 0 : i32
    %run_scoped3A_112 = arith.constant 79 : i32
    "tpu.region"() ({
      %run_scoped3A_121 = tpu.sem_alloc : memref<!tpu.dma_semaphore, #tpu.memory_space<semaphore_mem>>
      %dma_start3A_122 = arith.constant 0 : i32
      %dma_start3A_123 = arith.constant 0 : i32
      %dma_start3A_124 = tpu.memref_slice %arg9[%run_scoped3A_111, %dma_start3A_122, %dma_start3A_123] : memref<3x64x128xf32, #tpu.memory_space<vmem>> -> memref<1x64x128xf32, #tpu.memory_space<vmem>>
      %dma_start3A_125 = tpu.memref_squeeze %dma_start3A_124 : memref<1x64x128xf32, #tpu.memory_space<vmem>> -> memref<64x128xf32, #tpu.memory_space<vmem>>
      %dma_start3A_126 = arith.constant 64 : i32
      %dma_start3A_127 = tpu.memref_slice %arg8[%run_scoped3A_112, %dma_start3A_126] : memref<80x128xi32, #tpu.memory_space<vmem>> -> memref<1x64xi32, #tpu.memory_space<vmem>>
      %dma_start3A_128 = tpu.memref_squeeze %dma_start3A_127 : memref<1x64xi32, #tpu.memory_space<vmem>> -> memref<64xi32, #tpu.memory_space<vmem>>
      %dma_start3A_129 = arith.constant 0 : i32
      %dma_start3A_130 = arith.constant 0 : i32
      %dma_start3A_131 = tpu.memref_slice %arg10[%dma_start3A_129, %dma_start3A_130] : memref<10008x128xf32, #tpu.memory_space<vmem_shared>> -> memref<10008x128xf32, #tpu.memory_space<vmem_shared>>
      tpu.enqueue_indirect_dma source(%dma_start3A_125 : memref<64x128xf32, #tpu.memory_space<vmem>>) target(%dma_start3A_131 : memref<10008x128xf32, #tpu.memory_space<vmem_shared>>) offsets(%dma_start3A_128 : memref<64xi32, #tpu.memory_space<vmem>>) semaphore(%run_scoped3A_121 : memref<!tpu.dma_semaphore, #tpu.memory_space<semaphore_mem>>) {add = true}
      %dma_wait3A_132 = arith.constant 0 : i32
      %dma_wait3A_133 = arith.constant 0 : i32
      %dma_wait3A_134 = tpu.memref_slice %arg9[%run_scoped3A_111, %dma_wait3A_132, %dma_wait3A_133] : memref<3x64x128xf32, #tpu.memory_space<vmem>> -> memref<1x64x128xf32, #tpu.memory_space<vmem>>
      %dma_wait3A_135 = tpu.memref_squeeze %dma_wait3A_134 : memref<1x64x128xf32, #tpu.memory_space<vmem>> -> memref<64x128xf32, #tpu.memory_space<vmem>>
      %dma_wait3A_136 = arith.constant 64 : i32
      %dma_wait3A_137 = tpu.memref_slice %arg8[%run_scoped3A_112, %dma_wait3A_136] : memref<80x128xi32, #tpu.memory_space<vmem>> -> memref<1x64xi32, #tpu.memory_space<vmem>>
      %dma_wait3A_138 = tpu.memref_squeeze %dma_wait3A_137 : memref<1x64xi32, #tpu.memory_space<vmem>> -> memref<64xi32, #tpu.memory_space<vmem>>
      %dma_wait3A_139 = arith.constant 0 : i32
      %dma_wait3A_140 = arith.constant 0 : i32
      %dma_wait3A_141 = tpu.memref_slice %arg10[%dma_wait3A_139, %dma_wait3A_140] : memref<10008x128xf32, #tpu.memory_space<vmem_shared>> -> memref<10008x128xf32, #tpu.memory_space<vmem_shared>>
      tpu.wait_indirect_dma semaphore(%run_scoped3A_121 : memref<!tpu.dma_semaphore, #tpu.memory_space<semaphore_mem>>) src(%dma_wait3A_135 : memref<64x128xf32, #tpu.memory_space<vmem>>) dst(%dma_wait3A_141 : memref<10008x128xf32, #tpu.memory_space<vmem_shared>>)
      tpu.yield
    }) : () -> ()
    %barrier3A_113 = arith.constant 0 : index
    tpu.barrier barrier_id(%barrier3A_113)
    %mul3A_114 = arith.constant 624 : i32
    %mul3A_115 = arith.muli %arg1, %mul3A_114 : i32
    "tpu.region"() ({
      %run_scoped3A_121 = tpu.sem_alloc : memref<!tpu.dma_semaphore, #tpu.memory_space<semaphore_mem>>
      %dma_start3A_122 = arith.constant 0 : i32
      %dma_start3A_123 = arith.constant 0 : i32
      %dma_start3A_124 = tpu.memref_slice %arg6[%arg0, %dma_start3A_122, %dma_start3A_123] : memref<2x10000x128xf32, #tpu.memory_space<hbm>> -> memref<1x10000x128xf32, #tpu.memory_space<hbm>>
      %dma_start3A_125 = tpu.memref_squeeze %dma_start3A_124 : memref<1x10000x128xf32, #tpu.memory_space<hbm>> -> memref<10000x128xf32, #tpu.memory_space<hbm>>
      %dma_start3A_126 = arith.constant 0 : i32
      %dma_start3A_127 = tpu.memref_slice %dma_start3A_125[%mul3A_115, %dma_start3A_126] : memref<10000x128xf32, #tpu.memory_space<hbm>> -> memref<624x128xf32, #tpu.memory_space<hbm>>
      %dma_start3A_128 = arith.constant 0 : i32
      %dma_start3A_129 = tpu.memref_slice %arg10[%mul3A_115, %dma_start3A_128] : memref<10008x128xf32, #tpu.memory_space<vmem_shared>> -> memref<624x128xf32, #tpu.memory_space<vmem_shared>>
      tpu.enqueue_dma source(%dma_start3A_129 : memref<624x128xf32, #tpu.memory_space<vmem_shared>>) target(%dma_start3A_127 : memref<624x128xf32, #tpu.memory_space<hbm>>) target_semaphore(%run_scoped3A_121 : memref<!tpu.dma_semaphore, #tpu.memory_space<semaphore_mem>>)
      %dma_wait3A_130 = arith.constant 0 : i32
      %dma_wait3A_131 = arith.constant 0 : i32
      %dma_wait3A_132 = tpu.memref_slice %arg6[%arg0, %dma_wait3A_130, %dma_wait3A_131] : memref<2x10000x128xf32, #tpu.memory_space<hbm>> -> memref<1x10000x128xf32, #tpu.memory_space<hbm>>
      %dma_wait3A_133 = tpu.memref_squeeze %dma_wait3A_132 : memref<1x10000x128xf32, #tpu.memory_space<hbm>> -> memref<10000x128xf32, #tpu.memory_space<hbm>>
      %dma_wait3A_134 = arith.constant 0 : i32
      %dma_wait3A_135 = tpu.memref_slice %dma_wait3A_133[%mul3A_115, %dma_wait3A_134] : memref<10000x128xf32, #tpu.memory_space<hbm>> -> memref<624x128xf32, #tpu.memory_space<hbm>>
      %dma_wait3A_136 = arith.constant 0 : i32
      %dma_wait3A_137 = tpu.memref_slice %arg10[%mul3A_115, %dma_wait3A_136] : memref<10008x128xf32, #tpu.memory_space<vmem_shared>> -> memref<624x128xf32, #tpu.memory_space<vmem_shared>>
      tpu.wait_dma2 semaphore(%run_scoped3A_121 : memref<!tpu.dma_semaphore, #tpu.memory_space<semaphore_mem>>) src(%dma_wait3A_137 : memref<624x128xf32, #tpu.memory_space<vmem_shared>>) dst(%dma_wait3A_135 : memref<624x128xf32, #tpu.memory_space<hbm>>)
      tpu.yield
    }) : () -> ()
    %eq3A_116 = arith.constant 15 : i32
    %eq3A_117 = arith.cmpi eq, %arg1, %eq3A_116 : i32
    %convert_element_type3A_118 = arith.extui %eq3A_117 : i1 to i32
    %cond3A_119 = arith.constant 0 : i32
    %cond3A_120 = arith.cmpi ne, %convert_element_type3A_118, %cond3A_119 : i32
    scf.if %cond3A_120 {
      "tpu.region"() ({
        %run_scoped3A_121 = tpu.sem_alloc : memref<!tpu.dma_semaphore, #tpu.memory_space<semaphore_mem>>
        %dma_start3A_122 = arith.constant 0 : i32
        %dma_start3A_123 = arith.constant 0 : i32
        %dma_start3A_124 = tpu.memref_slice %arg6[%arg0, %dma_start3A_122, %dma_start3A_123] : memref<2x10000x128xf32, #tpu.memory_space<hbm>> -> memref<1x10000x128xf32, #tpu.memory_space<hbm>>
        %dma_start3A_125 = tpu.memref_squeeze %dma_start3A_124 : memref<1x10000x128xf32, #tpu.memory_space<hbm>> -> memref<10000x128xf32, #tpu.memory_space<hbm>>
        %dma_start3A_126 = arith.constant 9984 : i32
        %dma_start3A_127 = arith.constant 0 : i32
        %dma_start3A_128 = tpu.memref_slice %dma_start3A_125[%dma_start3A_126, %dma_start3A_127] : memref<10000x128xf32, #tpu.memory_space<hbm>> -> memref<16x128xf32, #tpu.memory_space<hbm>>
        %dma_start3A_129 = arith.constant 9984 : i32
        %dma_start3A_130 = arith.constant 0 : i32
        %dma_start3A_131 = tpu.memref_slice %arg10[%dma_start3A_129, %dma_start3A_130] : memref<10008x128xf32, #tpu.memory_space<vmem_shared>> -> memref<16x128xf32, #tpu.memory_space<vmem_shared>>
        tpu.enqueue_dma source(%dma_start3A_131 : memref<16x128xf32, #tpu.memory_space<vmem_shared>>) target(%dma_start3A_128 : memref<16x128xf32, #tpu.memory_space<hbm>>) target_semaphore(%run_scoped3A_121 : memref<!tpu.dma_semaphore, #tpu.memory_space<semaphore_mem>>)
        %dma_wait3A_132 = arith.constant 0 : i32
        %dma_wait3A_133 = arith.constant 0 : i32
        %dma_wait3A_134 = tpu.memref_slice %arg6[%arg0, %dma_wait3A_132, %dma_wait3A_133] : memref<2x10000x128xf32, #tpu.memory_space<hbm>> -> memref<1x10000x128xf32, #tpu.memory_space<hbm>>
        %dma_wait3A_135 = tpu.memref_squeeze %dma_wait3A_134 : memref<1x10000x128xf32, #tpu.memory_space<hbm>> -> memref<10000x128xf32, #tpu.memory_space<hbm>>
        %dma_wait3A_136 = arith.constant 9984 : i32
        %dma_wait3A_137 = arith.constant 0 : i32
        %dma_wait3A_138 = tpu.memref_slice %dma_wait3A_135[%dma_wait3A_136, %dma_wait3A_137] : memref<10000x128xf32, #tpu.memory_space<hbm>> -> memref<16x128xf32, #tpu.memory_space<hbm>>
        %dma_wait3A_139 = arith.constant 9984 : i32
        %dma_wait3A_140 = arith.constant 0 : i32
        %dma_wait3A_141 = tpu.memref_slice %arg10[%dma_wait3A_139, %dma_wait3A_140] : memref<10008x128xf32, #tpu.memory_space<vmem_shared>> -> memref<16x128xf32, #tpu.memory_space<vmem_shared>>
        tpu.wait_dma2 semaphore(%run_scoped3A_121 : memref<!tpu.dma_semaphore, #tpu.memory_space<semaphore_mem>>) src(%dma_wait3A_141 : memref<16x128xf32, #tpu.memory_space<vmem_shared>>) dst(%dma_wait3A_138 : memref<16x128xf32, #tpu.memory_space<hbm>>)
        tpu.yield
      }) : () -> ()
    } else {
    }
    return
  }
}

#map = affine_map<(d0, d1) -> (0, 0)>
module attributes {stable_mosaic.version = 14 : i64} {
  func.func @_deg_kernel(%arg0: i32, %arg1: i32, %arg2: memref<2560x128xi32, #tpu.memory_space<hbm>>, %arg3: memref<2560x128xi32, #tpu.memory_space<hbm>>, %arg4: memref<2x20480xf32, #tpu.memory_space<hbm>>, %arg5: memref<80x128xi32, #tpu.memory_space<vmem>>, %arg6: memref<80x128xi32, #tpu.memory_space<vmem>>, %arg7: memref<20480xf32, #tpu.memory_space<vmem>>, %arg8: memref<1280xf32, #tpu.memory_space<vmem>>, %arg9: memref<1280xf32, #tpu.memory_space<vmem>>, %arg10: memref<16x20480xf32, #tpu.memory_space<vmem_shared>>) attributes {dimension_semantics = [#tpu.dimension_semantics<core_parallel>, #tpu.dimension_semantics<subcore_parallel>], iteration_bounds = array<i64: 2, 16>, scalar_prefetch = 0 : i64, scratch_operands = 6 : i64, tpu.core_type = #tpu.core_type<sc_vector_subcore>, window_params = [{transform_indices = #map}, {transform_indices = #map}, {transform_indices = #map}]} {
    %mul3A = arith.constant 16 : i32
    %mul3A_0 = arith.muli %arg0, %mul3A : i32
    %add3A = arith.addi %mul3A_0, %arg1 : i32
    %mul3A_1 = arith.constant 80 : i32
    %mul3A_2 = arith.muli %add3A, %mul3A_1 : i32
    "tpu.region"() ({
      %run_scoped3A_122 = tpu.sem_alloc : memref<!tpu.dma_semaphore, #tpu.memory_space<semaphore_mem>>
      %dma_start3A = arith.constant 0 : i32
      %dma_start3A_123 = tpu.memref_slice %arg2[%mul3A_2, %dma_start3A] : memref<2560x128xi32, #tpu.memory_space<hbm>> -> memref<80x128xi32, #tpu.memory_space<hbm>>
      %dma_start3A_124 = arith.constant 0 : i32
      %dma_start3A_125 = tpu.memref_slice %arg2[%mul3A_2, %dma_start3A_124] : memref<2560x128xi32, #tpu.memory_space<hbm>> -> memref<80x128xi32, #tpu.memory_space<hbm>>
      tpu.enqueue_dma source(%dma_start3A_125 : memref<80x128xi32, #tpu.memory_space<hbm>>) target(%arg5 : memref<80x128xi32, #tpu.memory_space<vmem>>) target_semaphore(%run_scoped3A_122 : memref<!tpu.dma_semaphore, #tpu.memory_space<semaphore_mem>>)
      %dma_wait3A = arith.constant 0 : i32
      %dma_wait3A_126 = tpu.memref_slice %arg2[%mul3A_2, %dma_wait3A] : memref<2560x128xi32, #tpu.memory_space<hbm>> -> memref<80x128xi32, #tpu.memory_space<hbm>>
      %dma_wait3A_127 = arith.constant 0 : i32
      %dma_wait3A_128 = tpu.memref_slice %arg2[%mul3A_2, %dma_wait3A_127] : memref<2560x128xi32, #tpu.memory_space<hbm>> -> memref<80x128xi32, #tpu.memory_space<hbm>>
      tpu.wait_dma2 semaphore(%run_scoped3A_122 : memref<!tpu.dma_semaphore, #tpu.memory_space<semaphore_mem>>) src(%dma_wait3A_128 : memref<80x128xi32, #tpu.memory_space<hbm>>) dst(%arg5 : memref<80x128xi32, #tpu.memory_space<vmem>>)
      tpu.yield
    }) : () -> ()
    "tpu.region"() ({
      %run_scoped3A_122 = tpu.sem_alloc : memref<!tpu.dma_semaphore, #tpu.memory_space<semaphore_mem>>
      %dma_start3A = arith.constant 0 : i32
      %dma_start3A_123 = tpu.memref_slice %arg3[%mul3A_2, %dma_start3A] : memref<2560x128xi32, #tpu.memory_space<hbm>> -> memref<80x128xi32, #tpu.memory_space<hbm>>
      %dma_start3A_124 = arith.constant 0 : i32
      %dma_start3A_125 = tpu.memref_slice %arg3[%mul3A_2, %dma_start3A_124] : memref<2560x128xi32, #tpu.memory_space<hbm>> -> memref<80x128xi32, #tpu.memory_space<hbm>>
      tpu.enqueue_dma source(%dma_start3A_125 : memref<80x128xi32, #tpu.memory_space<hbm>>) target(%arg6 : memref<80x128xi32, #tpu.memory_space<vmem>>) target_semaphore(%run_scoped3A_122 : memref<!tpu.dma_semaphore, #tpu.memory_space<semaphore_mem>>)
      %dma_wait3A = arith.constant 0 : i32
      %dma_wait3A_126 = tpu.memref_slice %arg3[%mul3A_2, %dma_wait3A] : memref<2560x128xi32, #tpu.memory_space<hbm>> -> memref<80x128xi32, #tpu.memory_space<hbm>>
      %dma_wait3A_127 = arith.constant 0 : i32
      %dma_wait3A_128 = tpu.memref_slice %arg3[%mul3A_2, %dma_wait3A_127] : memref<2560x128xi32, #tpu.memory_space<hbm>> -> memref<80x128xi32, #tpu.memory_space<hbm>>
      tpu.wait_dma2 semaphore(%run_scoped3A_122 : memref<!tpu.dma_semaphore, #tpu.memory_space<semaphore_mem>>) src(%dma_wait3A_128 : memref<80x128xi32, #tpu.memory_space<hbm>>) dst(%arg6 : memref<80x128xi32, #tpu.memory_space<vmem>>)
      tpu.yield
    }) : () -> ()
    %broadcast_in_dim3A = arith.constant 0.000000e+00 : f32
    %broadcast_in_dim3A_3 = vector.broadcast %broadcast_in_dim3A : f32 to vector<16xf32>
    %scan3A = arith.constant 0 : i32
    %scan3A_4 = arith.constant 0 : i32
    %scan3A_5 = arith.constant 1280 : i32
    %scan3A_6 = arith.addi %scan3A_4, %scan3A_5 : i32
    %scan3A_7 = arith.constant 1 : i32
    scf.for %scan3A_122 = %scan3A_4 to %scan3A_6 step %scan3A_7  : i32 {
      %mul3A_123 = arith.constant 16 : i32
      %mul3A_124 = arith.muli %scan3A_122, %mul3A_123 : i32
      %swap3A = arith.index_cast %mul3A_124 : i32 to index
      %swap3A_125 = tpu.vector_load %arg7[%swap3A] {strides = array<i32>} : memref<20480xf32, #tpu.memory_space<vmem>>, vector<16xf32>,
      tpu.vector_store %arg7[%swap3A], %broadcast_in_dim3A_3 {strides = array<i32>} : memref<20480xf32, #tpu.memory_space<vmem>>, vector<16xf32>,
    }
    %scan3A_8 = arith.constant 1280 : i32
    %scan3A_9 = arith.constant 0 : i32
    %scan3A_10 = arith.constant 0 : i32
    %scan3A_11 = arith.constant 80 : i32
    %scan3A_12 = arith.addi %scan3A_10, %scan3A_11 : i32
    %scan3A_13 = arith.constant 1 : i32
    scf.for %scan3A_122 = %scan3A_10 to %scan3A_12 step %scan3A_13  : i32 {
      %get3A = arith.index_cast %scan3A_122 : i32 to index
      %get3A_123 = arith.constant 0 : index
      %get3A_124 = tpu.vector_load %arg5[%get3A, %get3A_123] {strides = array<i32>} : memref<80x128xi32, #tpu.memory_space<vmem>>, vector<16xi32>,
      %mul3A_125 = arith.constant 2 : i32
      %mul3A_126 = vector.broadcast %mul3A_125 : i32 to vector<16xi32>
      %mul3A_127 = arith.muli %get3A_124, %mul3A_126 : vector<16xi32>
      %broadcast_in_dim3A_128 = arith.constant true
      %broadcast_in_dim3A_129 = vector.broadcast %broadcast_in_dim3A_128 : i1 to vector<16xi1>
      %unique3A, %unique3A_130 = tpu.scan_count mask(%broadcast_in_dim3A_129 : vector<16xi1>) value(%mul3A_127 : vector<16xi32>) : vector<16xi1>, vector<16xi32>
      %convert_element_type3A = arith.sitofp %unique3A_130 : vector<16xi32> to vector<16xf32>
      tpu.vector_store_idx %arg7[%mul3A_127], %convert_element_type3A masked %unique3A {add = true} : memref<20480xf32, #tpu.memory_space<vmem>>[vector<16xi32>], vector<16xf32>, vector<16xi1>
      %get3A_131 = arith.index_cast %scan3A_122 : i32 to index
      %get3A_132 = arith.constant 0 : index
      %get3A_133 = tpu.vector_load %arg6[%get3A_131, %get3A_132] {strides = array<i32>} : memref<80x128xi32, #tpu.memory_space<vmem>>, vector<16xi32>,
      %mul3A_134 = arith.constant 2 : i32
      %mul3A_135 = vector.broadcast %mul3A_134 : i32 to vector<16xi32>
      %mul3A_136 = arith.muli %get3A_133, %mul3A_135 : vector<16xi32>
      %add3A_137 = arith.constant 1 : i32
      %add3A_138 = vector.broadcast %add3A_137 : i32 to vector<16xi32>
      %add3A_139 = arith.addi %mul3A_136, %add3A_138 : vector<16xi32>
      %broadcast_in_dim3A_140 = arith.constant true
      %broadcast_in_dim3A_141 = vector.broadcast %broadcast_in_dim3A_140 : i1 to vector<16xi1>
      %unique3A_142, %unique3A_143 = tpu.scan_count mask(%broadcast_in_dim3A_141 : vector<16xi1>) value(%add3A_139 : vector<16xi32>) : vector<16xi1>, vector<16xi32>
      %convert_element_type3A_144 = arith.sitofp %unique3A_143 : vector<16xi32> to vector<16xf32>
      tpu.vector_store_idx %arg7[%add3A_139], %convert_element_type3A_144 masked %unique3A_142 {add = true} : memref<20480xf32, #tpu.memory_space<vmem>>[vector<16xi32>], vector<16xf32>, vector<16xi1>
      %get3A_145 = arith.index_cast %scan3A_122 : i32 to index
      %get3A_146 = arith.constant 16 : index
      %get3A_147 = tpu.vector_load %arg5[%get3A_145, %get3A_146] {strides = array<i32>} : memref<80x128xi32, #tpu.memory_space<vmem>>, vector<16xi32>,
      %mul3A_148 = arith.constant 2 : i32
      %mul3A_149 = vector.broadcast %mul3A_148 : i32 to vector<16xi32>
      %mul3A_150 = arith.muli %get3A_147, %mul3A_149 : vector<16xi32>
      %broadcast_in_dim3A_151 = arith.constant true
      %broadcast_in_dim3A_152 = vector.broadcast %broadcast_in_dim3A_151 : i1 to vector<16xi1>
      %unique3A_153, %unique3A_154 = tpu.scan_count mask(%broadcast_in_dim3A_152 : vector<16xi1>) value(%mul3A_150 : vector<16xi32>) : vector<16xi1>, vector<16xi32>
      %convert_element_type3A_155 = arith.sitofp %unique3A_154 : vector<16xi32> to vector<16xf32>
      tpu.vector_store_idx %arg7[%mul3A_150], %convert_element_type3A_155 masked %unique3A_153 {add = true} : memref<20480xf32, #tpu.memory_space<vmem>>[vector<16xi32>], vector<16xf32>, vector<16xi1>
      %get3A_156 = arith.index_cast %scan3A_122 : i32 to index
      %get3A_157 = arith.constant 16 : index
      %get3A_158 = tpu.vector_load %arg6[%get3A_156, %get3A_157] {strides = array<i32>} : memref<80x128xi32, #tpu.memory_space<vmem>>, vector<16xi32>,
      %mul3A_159 = arith.constant 2 : i32
      %mul3A_160 = vector.broadcast %mul3A_159 : i32 to vector<16xi32>
      %mul3A_161 = arith.muli %get3A_158, %mul3A_160 : vector<16xi32>
      %add3A_162 = arith.constant 1 : i32
      %add3A_163 = vector.broadcast %add3A_162 : i32 to vector<16xi32>
      %add3A_164 = arith.addi %mul3A_161, %add3A_163 : vector<16xi32>
      %broadcast_in_dim3A_165 = arith.constant true
      %broadcast_in_dim3A_166 = vector.broadcast %broadcast_in_dim3A_165 : i1 to vector<16xi1>
      %unique3A_167, %unique3A_168 = tpu.scan_count mask(%broadcast_in_dim3A_166 : vector<16xi1>) value(%add3A_164 : vector<16xi32>) : vector<16xi1>, vector<16xi32>
      %convert_element_type3A_169 = arith.sitofp %unique3A_168 : vector<16xi32> to vector<16xf32>
      tpu.vector_store_idx %arg7[%add3A_164], %convert_element_type3A_169 masked %unique3A_167 {add = true} : memref<20480xf32, #tpu.memory_space<vmem>>[vector<16xi32>], vector<16xf32>, vector<16xi1>
      %get3A_170 = arith.index_cast %scan3A_122 : i32 to index
      %get3A_171 = arith.constant 32 : index
      %get3A_172 = tpu.vector_load %arg5[%get3A_170, %get3A_171] {strides = array<i32>} : memref<80x128xi32, #tpu.memory_space<vmem>>, vector<16xi32>,
      %mul3A_173 = arith.constant 2 : i32
      %mul3A_174 = vector.broadcast %mul3A_173 : i32 to vector<16xi32>
      %mul3A_175 = arith.muli %get3A_172, %mul3A_174 : vector<16xi32>
      %broadcast_in_dim3A_176 = arith.constant true
      %broadcast_in_dim3A_177 = vector.broadcast %broadcast_in_dim3A_176 : i1 to vector<16xi1>
      %unique3A_178, %unique3A_179 = tpu.scan_count mask(%broadcast_in_dim3A_177 : vector<16xi1>) value(%mul3A_175 : vector<16xi32>) : vector<16xi1>, vector<16xi32>
      %convert_element_type3A_180 = arith.sitofp %unique3A_179 : vector<16xi32> to vector<16xf32>
      tpu.vector_store_idx %arg7[%mul3A_175], %convert_element_type3A_180 masked %unique3A_178 {add = true} : memref<20480xf32, #tpu.memory_space<vmem>>[vector<16xi32>], vector<16xf32>, vector<16xi1>
      %get3A_181 = arith.index_cast %scan3A_122 : i32 to index
      %get3A_182 = arith.constant 32 : index
      %get3A_183 = tpu.vector_load %arg6[%get3A_181, %get3A_182] {strides = array<i32>} : memref<80x128xi32, #tpu.memory_space<vmem>>, vector<16xi32>,
      %mul3A_184 = arith.constant 2 : i32
      %mul3A_185 = vector.broadcast %mul3A_184 : i32 to vector<16xi32>
      %mul3A_186 = arith.muli %get3A_183, %mul3A_185 : vector<16xi32>
      %add3A_187 = arith.constant 1 : i32
      %add3A_188 = vector.broadcast %add3A_187 : i32 to vector<16xi32>
      %add3A_189 = arith.addi %mul3A_186, %add3A_188 : vector<16xi32>
      %broadcast_in_dim3A_190 = arith.constant true
      %broadcast_in_dim3A_191 = vector.broadcast %broadcast_in_dim3A_190 : i1 to vector<16xi1>
      %unique3A_192, %unique3A_193 = tpu.scan_count mask(%broadcast_in_dim3A_191 : vector<16xi1>) value(%add3A_189 : vector<16xi32>) : vector<16xi1>, vector<16xi32>
      %convert_element_type3A_194 = arith.sitofp %unique3A_193 : vector<16xi32> to vector<16xf32>
      tpu.vector_store_idx %arg7[%add3A_189], %convert_element_type3A_194 masked %unique3A_192 {add = true} : memref<20480xf32, #tpu.memory_space<vmem>>[vector<16xi32>], vector<16xf32>, vector<16xi1>
      %get3A_195 = arith.index_cast %scan3A_122 : i32 to index
      %get3A_196 = arith.constant 48 : index
      %get3A_197 = tpu.vector_load %arg5[%get3A_195, %get3A_196] {strides = array<i32>} : memref<80x128xi32, #tpu.memory_space<vmem>>, vector<16xi32>,
      %mul3A_198 = arith.constant 2 : i32
      %mul3A_199 = vector.broadcast %mul3A_198 : i32 to vector<16xi32>
      %mul3A_200 = arith.muli %get3A_197, %mul3A_199 : vector<16xi32>
      %broadcast_in_dim3A_201 = arith.constant true
      %broadcast_in_dim3A_202 = vector.broadcast %broadcast_in_dim3A_201 : i1 to vector<16xi1>
      %unique3A_203, %unique3A_204 = tpu.scan_count mask(%broadcast_in_dim3A_202 : vector<16xi1>) value(%mul3A_200 : vector<16xi32>) : vector<16xi1>, vector<16xi32>
      %convert_element_type3A_205 = arith.sitofp %unique3A_204 : vector<16xi32> to vector<16xf32>
      tpu.vector_store_idx %arg7[%mul3A_200], %convert_element_type3A_205 masked %unique3A_203 {add = true} : memref<20480xf32, #tpu.memory_space<vmem>>[vector<16xi32>], vector<16xf32>, vector<16xi1>
      %get3A_206 = arith.index_cast %scan3A_122 : i32 to index
      %get3A_207 = arith.constant 48 : index
      %get3A_208 = tpu.vector_load %arg6[%get3A_206, %get3A_207] {strides = array<i32>} : memref<80x128xi32, #tpu.memory_space<vmem>>, vector<16xi32>,
      %mul3A_209 = arith.constant 2 : i32
      %mul3A_210 = vector.broadcast %mul3A_209 : i32 to vector<16xi32>
      %mul3A_211 = arith.muli %get3A_208, %mul3A_210 : vector<16xi32>
      %add3A_212 = arith.constant 1 : i32
      %add3A_213 = vector.broadcast %add3A_212 : i32 to vector<16xi32>
      %add3A_214 = arith.addi %mul3A_211, %add3A_213 : vector<16xi32>
      %broadcast_in_dim3A_215 = arith.constant true
      %broadcast_in_dim3A_216 = vector.broadcast %broadcast_in_dim3A_215 : i1 to vector<16xi1>
      %unique3A_217, %unique3A_218 = tpu.scan_count mask(%broadcast_in_dim3A_216 : vector<16xi1>) value(%add3A_214 : vector<16xi32>) : vector<16xi1>, vector<16xi32>
      %convert_element_type3A_219 = arith.sitofp %unique3A_218 : vector<16xi32> to vector<16xf32>
      tpu.vector_store_idx %arg7[%add3A_214], %convert_element_type3A_219 masked %unique3A_217 {add = true} : memref<20480xf32, #tpu.memory_space<vmem>>[vector<16xi32>], vector<16xf32>, vector<16xi1>
      %get3A_220 = arith.index_cast %scan3A_122 : i32 to index
      %get3A_221 = arith.constant 64 : index
      %get3A_222 = tpu.vector_load %arg5[%get3A_220, %get3A_221] {strides = array<i32>} : memref<80x128xi32, #tpu.memory_space<vmem>>, vector<16xi32>,
      %mul3A_223 = arith.constant 2 : i32
      %mul3A_224 = vector.broadcast %mul3A_223 : i32 to vector<16xi32>
      %mul3A_225 = arith.muli %get3A_222, %mul3A_224 : vector<16xi32>
      %broadcast_in_dim3A_226 = arith.constant true
      %broadcast_in_dim3A_227 = vector.broadcast %broadcast_in_dim3A_226 : i1 to vector<16xi1>
      %unique3A_228, %unique3A_229 = tpu.scan_count mask(%broadcast_in_dim3A_227 : vector<16xi1>) value(%mul3A_225 : vector<16xi32>) : vector<16xi1>, vector<16xi32>
      %convert_element_type3A_230 = arith.sitofp %unique3A_229 : vector<16xi32> to vector<16xf32>
      tpu.vector_store_idx %arg7[%mul3A_225], %convert_element_type3A_230 masked %unique3A_228 {add = true} : memref<20480xf32, #tpu.memory_space<vmem>>[vector<16xi32>], vector<16xf32>, vector<16xi1>
      %get3A_231 = arith.index_cast %scan3A_122 : i32 to index
      %get3A_232 = arith.constant 64 : index
      %get3A_233 = tpu.vector_load %arg6[%get3A_231, %get3A_232] {strides = array<i32>} : memref<80x128xi32, #tpu.memory_space<vmem>>, vector<16xi32>,
      %mul3A_234 = arith.constant 2 : i32
      %mul3A_235 = vector.broadcast %mul3A_234 : i32 to vector<16xi32>
      %mul3A_236 = arith.muli %get3A_233, %mul3A_235 : vector<16xi32>
      %add3A_237 = arith.constant 1 : i32
      %add3A_238 = vector.broadcast %add3A_237 : i32 to vector<16xi32>
      %add3A_239 = arith.addi %mul3A_236, %add3A_238 : vector<16xi32>
      %broadcast_in_dim3A_240 = arith.constant true
      %broadcast_in_dim3A_241 = vector.broadcast %broadcast_in_dim3A_240 : i1 to vector<16xi1>
      %unique3A_242, %unique3A_243 = tpu.scan_count mask(%broadcast_in_dim3A_241 : vector<16xi1>) value(%add3A_239 : vector<16xi32>) : vector<16xi1>, vector<16xi32>
      %convert_element_type3A_244 = arith.sitofp %unique3A_243 : vector<16xi32> to vector<16xf32>
      tpu.vector_store_idx %arg7[%add3A_239], %convert_element_type3A_244 masked %unique3A_242 {add = true} : memref<20480xf32, #tpu.memory_space<vmem>>[vector<16xi32>], vector<16xf32>, vector<16xi1>
      %get3A_245 = arith.index_cast %scan3A_122 : i32 to index
      %get3A_246 = arith.constant 80 : index
      %get3A_247 = tpu.vector_load %arg5[%get3A_245, %get3A_246] {strides = array<i32>} : memref<80x128xi32, #tpu.memory_space<vmem>>, vector<16xi32>,
      %mul3A_248 = arith.constant 2 : i32
      %mul3A_249 = vector.broadcast %mul3A_248 : i32 to vector<16xi32>
      %mul3A_250 = arith.muli %get3A_247, %mul3A_249 : vector<16xi32>
      %broadcast_in_dim3A_251 = arith.constant true
      %broadcast_in_dim3A_252 = vector.broadcast %broadcast_in_dim3A_251 : i1 to vector<16xi1>
      %unique3A_253, %unique3A_254 = tpu.scan_count mask(%broadcast_in_dim3A_252 : vector<16xi1>) value(%mul3A_250 : vector<16xi32>) : vector<16xi1>, vector<16xi32>
      %convert_element_type3A_255 = arith.sitofp %unique3A_254 : vector<16xi32> to vector<16xf32>
      tpu.vector_store_idx %arg7[%mul3A_250], %convert_element_type3A_255 masked %unique3A_253 {add = true} : memref<20480xf32, #tpu.memory_space<vmem>>[vector<16xi32>], vector<16xf32>, vector<16xi1>
      %get3A_256 = arith.index_cast %scan3A_122 : i32 to index
      %get3A_257 = arith.constant 80 : index
      %get3A_258 = tpu.vector_load %arg6[%get3A_256, %get3A_257] {strides = array<i32>} : memref<80x128xi32, #tpu.memory_space<vmem>>, vector<16xi32>,
      %mul3A_259 = arith.constant 2 : i32
      %mul3A_260 = vector.broadcast %mul3A_259 : i32 to vector<16xi32>
      %mul3A_261 = arith.muli %get3A_258, %mul3A_260 : vector<16xi32>
      %add3A_262 = arith.constant 1 : i32
      %add3A_263 = vector.broadcast %add3A_262 : i32 to vector<16xi32>
      %add3A_264 = arith.addi %mul3A_261, %add3A_263 : vector<16xi32>
      %broadcast_in_dim3A_265 = arith.constant true
      %broadcast_in_dim3A_266 = vector.broadcast %broadcast_in_dim3A_265 : i1 to vector<16xi1>
      %unique3A_267, %unique3A_268 = tpu.scan_count mask(%broadcast_in_dim3A_266 : vector<16xi1>) value(%add3A_264 : vector<16xi32>) : vector<16xi1>, vector<16xi32>
      %convert_element_type3A_269 = arith.sitofp %unique3A_268 : vector<16xi32> to vector<16xf32>
      tpu.vector_store_idx %arg7[%add3A_264], %convert_element_type3A_269 masked %unique3A_267 {add = true} : memref<20480xf32, #tpu.memory_space<vmem>>[vector<16xi32>], vector<16xf32>, vector<16xi1>
      %get3A_270 = arith.index_cast %scan3A_122 : i32 to index
      %get3A_271 = arith.constant 96 : index
      %get3A_272 = tpu.vector_load %arg5[%get3A_270, %get3A_271] {strides = array<i32>} : memref<80x128xi32, #tpu.memory_space<vmem>>, vector<16xi32>,
      %mul3A_273 = arith.constant 2 : i32
      %mul3A_274 = vector.broadcast %mul3A_273 : i32 to vector<16xi32>
      %mul3A_275 = arith.muli %get3A_272, %mul3A_274 : vector<16xi32>
      %broadcast_in_dim3A_276 = arith.constant true
      %broadcast_in_dim3A_277 = vector.broadcast %broadcast_in_dim3A_276 : i1 to vector<16xi1>
      %unique3A_278, %unique3A_279 = tpu.scan_count mask(%broadcast_in_dim3A_277 : vector<16xi1>) value(%mul3A_275 : vector<16xi32>) : vector<16xi1>, vector<16xi32>
      %convert_element_type3A_280 = arith.sitofp %unique3A_279 : vector<16xi32> to vector<16xf32>
      tpu.vector_store_idx %arg7[%mul3A_275], %convert_element_type3A_280 masked %unique3A_278 {add = true} : memref<20480xf32, #tpu.memory_space<vmem>>[vector<16xi32>], vector<16xf32>, vector<16xi1>
      %get3A_281 = arith.index_cast %scan3A_122 : i32 to index
      %get3A_282 = arith.constant 96 : index
      %get3A_283 = tpu.vector_load %arg6[%get3A_281, %get3A_282] {strides = array<i32>} : memref<80x128xi32, #tpu.memory_space<vmem>>, vector<16xi32>,
      %mul3A_284 = arith.constant 2 : i32
      %mul3A_285 = vector.broadcast %mul3A_284 : i32 to vector<16xi32>
      %mul3A_286 = arith.muli %get3A_283, %mul3A_285 : vector<16xi32>
      %add3A_287 = arith.constant 1 : i32
      %add3A_288 = vector.broadcast %add3A_287 : i32 to vector<16xi32>
      %add3A_289 = arith.addi %mul3A_286, %add3A_288 : vector<16xi32>
      %broadcast_in_dim3A_290 = arith.constant true
      %broadcast_in_dim3A_291 = vector.broadcast %broadcast_in_dim3A_290 : i1 to vector<16xi1>
      %unique3A_292, %unique3A_293 = tpu.scan_count mask(%broadcast_in_dim3A_291 : vector<16xi1>) value(%add3A_289 : vector<16xi32>) : vector<16xi1>, vector<16xi32>
      %convert_element_type3A_294 = arith.sitofp %unique3A_293 : vector<16xi32> to vector<16xf32>
      tpu.vector_store_idx %arg7[%add3A_289], %convert_element_type3A_294 masked %unique3A_292 {add = true} : memref<20480xf32, #tpu.memory_space<vmem>>[vector<16xi32>], vector<16xf32>, vector<16xi1>
      %get3A_295 = arith.index_cast %scan3A_122 : i32 to index
      %get3A_296 = arith.constant 112 : index
      %get3A_297 = tpu.vector_load %arg5[%get3A_295, %get3A_296] {strides = array<i32>} : memref<80x128xi32, #tpu.memory_space<vmem>>, vector<16xi32>,
      %mul3A_298 = arith.constant 2 : i32
      %mul3A_299 = vector.broadcast %mul3A_298 : i32 to vector<16xi32>
      %mul3A_300 = arith.muli %get3A_297, %mul3A_299 : vector<16xi32>
      %broadcast_in_dim3A_301 = arith.constant true
      %broadcast_in_dim3A_302 = vector.broadcast %broadcast_in_dim3A_301 : i1 to vector<16xi1>
      %unique3A_303, %unique3A_304 = tpu.scan_count mask(%broadcast_in_dim3A_302 : vector<16xi1>) value(%mul3A_300 : vector<16xi32>) : vector<16xi1>, vector<16xi32>
      %convert_element_type3A_305 = arith.sitofp %unique3A_304 : vector<16xi32> to vector<16xf32>
      tpu.vector_store_idx %arg7[%mul3A_300], %convert_element_type3A_305 masked %unique3A_303 {add = true} : memref<20480xf32, #tpu.memory_space<vmem>>[vector<16xi32>], vector<16xf32>, vector<16xi1>
      %get3A_306 = arith.index_cast %scan3A_122 : i32 to index
      %get3A_307 = arith.constant 112 : index
      %get3A_308 = tpu.vector_load %arg6[%get3A_306, %get3A_307] {strides = array<i32>} : memref<80x128xi32, #tpu.memory_space<vmem>>, vector<16xi32>,
      %mul3A_309 = arith.constant 2 : i32
      %mul3A_310 = vector.broadcast %mul3A_309 : i32 to vector<16xi32>
      %mul3A_311 = arith.muli %get3A_308, %mul3A_310 : vector<16xi32>
      %add3A_312 = arith.constant 1 : i32
      %add3A_313 = vector.broadcast %add3A_312 : i32 to vector<16xi32>
      %add3A_314 = arith.addi %mul3A_311, %add3A_313 : vector<16xi32>
      %broadcast_in_dim3A_315 = arith.constant true
      %broadcast_in_dim3A_316 = vector.broadcast %broadcast_in_dim3A_315 : i1 to vector<16xi1>
      %unique3A_317, %unique3A_318 = tpu.scan_count mask(%broadcast_in_dim3A_316 : vector<16xi1>) value(%add3A_314 : vector<16xi32>) : vector<16xi1>, vector<16xi32>
      %convert_element_type3A_319 = arith.sitofp %unique3A_318 : vector<16xi32> to vector<16xf32>
      tpu.vector_store_idx %arg7[%add3A_314], %convert_element_type3A_319 masked %unique3A_317 {add = true} : memref<20480xf32, #tpu.memory_space<vmem>>[vector<16xi32>], vector<16xf32>, vector<16xi1>
    }
    %scan3A_14 = arith.constant 80 : i32
    "tpu.region"() ({
      %run_scoped3A_122 = tpu.sem_alloc : memref<!tpu.dma_semaphore, #tpu.memory_space<semaphore_mem>>
      %dma_start3A = arith.constant 0 : i32
      %dma_start3A_123 = tpu.memref_slice %arg10[%arg1, %dma_start3A] : memref<16x20480xf32, #tpu.memory_space<vmem_shared>> -> memref<1x20480xf32, #tpu.memory_space<vmem_shared>>
      %dma_start3A_124 = tpu.memref_squeeze %dma_start3A_123 : memref<1x20480xf32, #tpu.memory_space<vmem_shared>> -> memref<20480xf32, #tpu.memory_space<vmem_shared>>
      %dma_start3A_125 = arith.constant 0 : i32
      %dma_start3A_126 = tpu.memref_slice %arg10[%arg1, %dma_start3A_125] : memref<16x20480xf32, #tpu.memory_space<vmem_shared>> -> memref<1x20480xf32, #tpu.memory_space<vmem_shared>>
      %dma_start3A_127 = tpu.memref_squeeze %dma_start3A_126 : memref<1x20480xf32, #tpu.memory_space<vmem_shared>> -> memref<20480xf32, #tpu.memory_space<vmem_shared>>
      tpu.enqueue_dma source(%arg7 : memref<20480xf32, #tpu.memory_space<vmem>>) target(%dma_start3A_127 : memref<20480xf32, #tpu.memory_space<vmem_shared>>) target_semaphore(%run_scoped3A_122 : memref<!tpu.dma_semaphore, #tpu.memory_space<semaphore_mem>>)
      %dma_wait3A = arith.constant 0 : i32
      %dma_wait3A_128 = tpu.memref_slice %arg10[%arg1, %dma_wait3A] : memref<16x20480xf32, #tpu.memory_space<vmem_shared>> -> memref<1x20480xf32, #tpu.memory_space<vmem_shared>>
      %dma_wait3A_129 = tpu.memref_squeeze %dma_wait3A_128 : memref<1x20480xf32, #tpu.memory_space<vmem_shared>> -> memref<20480xf32, #tpu.memory_space<vmem_shared>>
      %dma_wait3A_130 = arith.constant 0 : i32
      %dma_wait3A_131 = tpu.memref_slice %arg10[%arg1, %dma_wait3A_130] : memref<16x20480xf32, #tpu.memory_space<vmem_shared>> -> memref<1x20480xf32, #tpu.memory_space<vmem_shared>>
      %dma_wait3A_132 = tpu.memref_squeeze %dma_wait3A_131 : memref<1x20480xf32, #tpu.memory_space<vmem_shared>> -> memref<20480xf32, #tpu.memory_space<vmem_shared>>
      tpu.wait_dma2 semaphore(%run_scoped3A_122 : memref<!tpu.dma_semaphore, #tpu.memory_space<semaphore_mem>>) src(%arg7 : memref<20480xf32, #tpu.memory_space<vmem>>) dst(%dma_wait3A_132 : memref<20480xf32, #tpu.memory_space<vmem_shared>>)
      tpu.yield
    }) : () -> ()
    %barrier3A = arith.constant 0 : index
    tpu.barrier barrier_id(%barrier3A)
    %mul3A_15 = arith.constant 1280 : i32
    %mul3A_16 = arith.muli %arg1, %mul3A_15 : i32
    %run_scoped3A = arith.constant 0 : i32
    "tpu.region"() ({
      %run_scoped3A_122 = tpu.sem_alloc : memref<!tpu.dma_semaphore, #tpu.memory_space<semaphore_mem>>
      %dma_start3A = arith.constant 0 : i32
      %dma_start3A_123 = tpu.memref_slice %arg10[%run_scoped3A, %dma_start3A] : memref<16x20480xf32, #tpu.memory_space<vmem_shared>> -> memref<1x20480xf32, #tpu.memory_space<vmem_shared>>
      %dma_start3A_124 = tpu.memref_squeeze %dma_start3A_123 : memref<1x20480xf32, #tpu.memory_space<vmem_shared>> -> memref<20480xf32, #tpu.memory_space<vmem_shared>>
      %dma_start3A_125 = tpu.memref_slice %dma_start3A_124[%mul3A_16] : memref<20480xf32, #tpu.memory_space<vmem_shared>> -> memref<1280xf32, #tpu.memory_space<vmem_shared>>
      %dma_start3A_126 = arith.constant 0 : i32
      %dma_start3A_127 = tpu.memref_slice %arg10[%run_scoped3A, %dma_start3A_126] : memref<16x20480xf32, #tpu.memory_space<vmem_shared>> -> memref<1x20480xf32, #tpu.memory_space<vmem_shared>>
      %dma_start3A_128 = tpu.memref_squeeze %dma_start3A_127 : memref<1x20480xf32, #tpu.memory_space<vmem_shared>> -> memref<20480xf32, #tpu.memory_space<vmem_shared>>
      %dma_start3A_129 = tpu.memref_slice %dma_start3A_128[%mul3A_16] : memref<20480xf32, #tpu.memory_space<vmem_shared>> -> memref<1280xf32, #tpu.memory_space<vmem_shared>>
      tpu.enqueue_dma source(%dma_start3A_129 : memref<1280xf32, #tpu.memory_space<vmem_shared>>) target(%arg8 : memref<1280xf32, #tpu.memory_space<vmem>>) target_semaphore(%run_scoped3A_122 : memref<!tpu.dma_semaphore, #tpu.memory_space<semaphore_mem>>)
      %dma_wait3A = arith.constant 0 : i32
      %dma_wait3A_130 = tpu.memref_slice %arg10[%run_scoped3A, %dma_wait3A] : memref<16x20480xf32, #tpu.memory_space<vmem_shared>> -> memref<1x20480xf32, #tpu.memory_space<vmem_shared>>
      %dma_wait3A_131 = tpu.memref_squeeze %dma_wait3A_130 : memref<1x20480xf32, #tpu.memory_space<vmem_shared>> -> memref<20480xf32, #tpu.memory_space<vmem_shared>>
      %dma_wait3A_132 = tpu.memref_slice %dma_wait3A_131[%mul3A_16] : memref<20480xf32, #tpu.memory_space<vmem_shared>> -> memref<1280xf32, #tpu.memory_space<vmem_shared>>
      %dma_wait3A_133 = arith.constant 0 : i32
      %dma_wait3A_134 = tpu.memref_slice %arg10[%run_scoped3A, %dma_wait3A_133] : memref<16x20480xf32, #tpu.memory_space<vmem_shared>> -> memref<1x20480xf32, #tpu.memory_space<vmem_shared>>
      %dma_wait3A_135 = tpu.memref_squeeze %dma_wait3A_134 : memref<1x20480xf32, #tpu.memory_space<vmem_shared>> -> memref<20480xf32, #tpu.memory_space<vmem_shared>>
      %dma_wait3A_136 = tpu.memref_slice %dma_wait3A_135[%mul3A_16] : memref<20480xf32, #tpu.memory_space<vmem_shared>> -> memref<1280xf32, #tpu.memory_space<vmem_shared>>
      tpu.wait_dma2 semaphore(%run_scoped3A_122 : memref<!tpu.dma_semaphore, #tpu.memory_space<semaphore_mem>>) src(%dma_wait3A_136 : memref<1280xf32, #tpu.memory_space<vmem_shared>>) dst(%arg8 : memref<1280xf32, #tpu.memory_space<vmem>>)
      tpu.yield
    }) : () -> ()
    %run_scoped3A_17 = arith.constant 1 : i32
    "tpu.region"() ({
      %run_scoped3A_122 = tpu.sem_alloc : memref<!tpu.dma_semaphore, #tpu.memory_space<semaphore_mem>>
      %dma_start3A = arith.constant 0 : i32
      %dma_start3A_123 = tpu.memref_slice %arg10[%run_scoped3A_17, %dma_start3A] : memref<16x20480xf32, #tpu.memory_space<vmem_shared>> -> memref<1x20480xf32, #tpu.memory_space<vmem_shared>>
      %dma_start3A_124 = tpu.memref_squeeze %dma_start3A_123 : memref<1x20480xf32, #tpu.memory_space<vmem_shared>> -> memref<20480xf32, #tpu.memory_space<vmem_shared>>
      %dma_start3A_125 = tpu.memref_slice %dma_start3A_124[%mul3A_16] : memref<20480xf32, #tpu.memory_space<vmem_shared>> -> memref<1280xf32, #tpu.memory_space<vmem_shared>>
      %dma_start3A_126 = arith.constant 0 : i32
      %dma_start3A_127 = tpu.memref_slice %arg10[%run_scoped3A_17, %dma_start3A_126] : memref<16x20480xf32, #tpu.memory_space<vmem_shared>> -> memref<1x20480xf32, #tpu.memory_space<vmem_shared>>
      %dma_start3A_128 = tpu.memref_squeeze %dma_start3A_127 : memref<1x20480xf32, #tpu.memory_space<vmem_shared>> -> memref<20480xf32, #tpu.memory_space<vmem_shared>>
      %dma_start3A_129 = tpu.memref_slice %dma_start3A_128[%mul3A_16] : memref<20480xf32, #tpu.memory_space<vmem_shared>> -> memref<1280xf32, #tpu.memory_space<vmem_shared>>
      tpu.enqueue_dma source(%dma_start3A_129 : memref<1280xf32, #tpu.memory_space<vmem_shared>>) target(%arg9 : memref<1280xf32, #tpu.memory_space<vmem>>) target_semaphore(%run_scoped3A_122 : memref<!tpu.dma_semaphore, #tpu.memory_space<semaphore_mem>>)
      %dma_wait3A = arith.constant 0 : i32
      %dma_wait3A_130 = tpu.memref_slice %arg10[%run_scoped3A_17, %dma_wait3A] : memref<16x20480xf32, #tpu.memory_space<vmem_shared>> -> memref<1x20480xf32, #tpu.memory_space<vmem_shared>>
      %dma_wait3A_131 = tpu.memref_squeeze %dma_wait3A_130 : memref<1x20480xf32, #tpu.memory_space<vmem_shared>> -> memref<20480xf32, #tpu.memory_space<vmem_shared>>
      %dma_wait3A_132 = tpu.memref_slice %dma_wait3A_131[%mul3A_16] : memref<20480xf32, #tpu.memory_space<vmem_shared>> -> memref<1280xf32, #tpu.memory_space<vmem_shared>>
      %dma_wait3A_133 = arith.constant 0 : i32
      %dma_wait3A_134 = tpu.memref_slice %arg10[%run_scoped3A_17, %dma_wait3A_133] : memref<16x20480xf32, #tpu.memory_space<vmem_shared>> -> memref<1x20480xf32, #tpu.memory_space<vmem_shared>>
      %dma_wait3A_135 = tpu.memref_squeeze %dma_wait3A_134 : memref<1x20480xf32, #tpu.memory_space<vmem_shared>> -> memref<20480xf32, #tpu.memory_space<vmem_shared>>
      %dma_wait3A_136 = tpu.memref_slice %dma_wait3A_135[%mul3A_16] : memref<20480xf32, #tpu.memory_space<vmem_shared>> -> memref<1280xf32, #tpu.memory_space<vmem_shared>>
      tpu.wait_dma2 semaphore(%run_scoped3A_122 : memref<!tpu.dma_semaphore, #tpu.memory_space<semaphore_mem>>) src(%dma_wait3A_136 : memref<1280xf32, #tpu.memory_space<vmem_shared>>) dst(%arg9 : memref<1280xf32, #tpu.memory_space<vmem>>)
      tpu.yield
    }) : () -> ()
    %scan3A_18 = arith.constant 0 : i32
    %scan3A_19 = arith.constant 0 : i32
    %scan3A_20 = arith.constant 80 : i32
    %scan3A_21 = arith.addi %scan3A_19, %scan3A_20 : i32
    %scan3A_22 = arith.constant 1 : i32
    scf.for %scan3A_122 = %scan3A_19 to %scan3A_21 step %scan3A_22  : i32 {
      %mul3A_123 = arith.constant 16 : i32
      %mul3A_124 = arith.muli %scan3A_122, %mul3A_123 : i32
      %get3A = arith.index_cast %mul3A_124 : i32 to index
      %get3A_125 = tpu.vector_load %arg8[%get3A] {strides = array<i32>} : memref<1280xf32, #tpu.memory_space<vmem>>, vector<16xf32>,
      %mul3A_126 = arith.constant 16 : i32
      %mul3A_127 = arith.muli %scan3A_122, %mul3A_126 : i32
      %get3A_128 = arith.index_cast %mul3A_127 : i32 to index
      %get3A_129 = tpu.vector_load %arg9[%get3A_128] {strides = array<i32>} : memref<1280xf32, #tpu.memory_space<vmem>>, vector<16xf32>,
      %add3A_130 = arith.addf %get3A_125, %get3A_129 : vector<16xf32>
      %mul3A_131 = arith.constant 16 : i32
      %mul3A_132 = arith.muli %scan3A_122, %mul3A_131 : i32
      %swap3A = arith.index_cast %mul3A_132 : i32 to index
      %swap3A_133 = tpu.vector_load %arg8[%swap3A] {strides = array<i32>} : memref<1280xf32, #tpu.memory_space<vmem>>, vector<16xf32>,
      tpu.vector_store %arg8[%swap3A], %add3A_130 {strides = array<i32>} : memref<1280xf32, #tpu.memory_space<vmem>>, vector<16xf32>,
    }
    %scan3A_23 = arith.constant 80 : i32
    %run_scoped3A_24 = arith.constant 2 : i32
    "tpu.region"() ({
      %run_scoped3A_122 = tpu.sem_alloc : memref<!tpu.dma_semaphore, #tpu.memory_space<semaphore_mem>>
      %dma_start3A = arith.constant 0 : i32
      %dma_start3A_123 = tpu.memref_slice %arg10[%run_scoped3A_24, %dma_start3A] : memref<16x20480xf32, #tpu.memory_space<vmem_shared>> -> memref<1x20480xf32, #tpu.memory_space<vmem_shared>>
      %dma_start3A_124 = tpu.memref_squeeze %dma_start3A_123 : memref<1x20480xf32, #tpu.memory_space<vmem_shared>> -> memref<20480xf32, #tpu.memory_space<vmem_shared>>
      %dma_start3A_125 = tpu.memref_slice %dma_start3A_124[%mul3A_16] : memref<20480xf32, #tpu.memory_space<vmem_shared>> -> memref<1280xf32, #tpu.memory_space<vmem_shared>>
      %dma_start3A_126 = arith.constant 0 : i32
      %dma_start3A_127 = tpu.memref_slice %arg10[%run_scoped3A_24, %dma_start3A_126] : memref<16x20480xf32, #tpu.memory_space<vmem_shared>> -> memref<1x20480xf32, #tpu.memory_space<vmem_shared>>
      %dma_start3A_128 = tpu.memref_squeeze %dma_start3A_127 : memref<1x20480xf32, #tpu.memory_space<vmem_shared>> -> memref<20480xf32, #tpu.memory_space<vmem_shared>>
      %dma_start3A_129 = tpu.memref_slice %dma_start3A_128[%mul3A_16] : memref<20480xf32, #tpu.memory_space<vmem_shared>> -> memref<1280xf32, #tpu.memory_space<vmem_shared>>
      tpu.enqueue_dma source(%dma_start3A_129 : memref<1280xf32, #tpu.memory_space<vmem_shared>>) target(%arg9 : memref<1280xf32, #tpu.memory_space<vmem>>) target_semaphore(%run_scoped3A_122 : memref<!tpu.dma_semaphore, #tpu.memory_space<semaphore_mem>>)
      %dma_wait3A = arith.constant 0 : i32
      %dma_wait3A_130 = tpu.memref_slice %arg10[%run_scoped3A_24, %dma_wait3A] : memref<16x20480xf32, #tpu.memory_space<vmem_shared>> -> memref<1x20480xf32, #tpu.memory_space<vmem_shared>>
      %dma_wait3A_131 = tpu.memref_squeeze %dma_wait3A_130 : memref<1x20480xf32, #tpu.memory_space<vmem_shared>> -> memref<20480xf32, #tpu.memory_space<vmem_shared>>
      %dma_wait3A_132 = tpu.memref_slice %dma_wait3A_131[%mul3A_16] : memref<20480xf32, #tpu.memory_space<vmem_shared>> -> memref<1280xf32, #tpu.memory_space<vmem_shared>>
      %dma_wait3A_133 = arith.constant 0 : i32
      %dma_wait3A_134 = tpu.memref_slice %arg10[%run_scoped3A_24, %dma_wait3A_133] : memref<16x20480xf32, #tpu.memory_space<vmem_shared>> -> memref<1x20480xf32, #tpu.memory_space<vmem_shared>>
      %dma_wait3A_135 = tpu.memref_squeeze %dma_wait3A_134 : memref<1x20480xf32, #tpu.memory_space<vmem_shared>> -> memref<20480xf32, #tpu.memory_space<vmem_shared>>
      %dma_wait3A_136 = tpu.memref_slice %dma_wait3A_135[%mul3A_16] : memref<20480xf32, #tpu.memory_space<vmem_shared>> -> memref<1280xf32, #tpu.memory_space<vmem_shared>>
      tpu.wait_dma2 semaphore(%run_scoped3A_122 : memref<!tpu.dma_semaphore, #tpu.memory_space<semaphore_mem>>) src(%dma_wait3A_136 : memref<1280xf32, #tpu.memory_space<vmem_shared>>) dst(%arg9 : memref<1280xf32, #tpu.memory_space<vmem>>)
      tpu.yield
    }) : () -> ()
    %scan3A_25 = arith.constant 0 : i32
    %scan3A_26 = arith.constant 0 : i32
    %scan3A_27 = arith.constant 80 : i32
    %scan3A_28 = arith.addi %scan3A_26, %scan3A_27 : i32
    %scan3A_29 = arith.constant 1 : i32
    scf.for %scan3A_122 = %scan3A_26 to %scan3A_28 step %scan3A_29  : i32 {
      %mul3A_123 = arith.constant 16 : i32
      %mul3A_124 = arith.muli %scan3A_122, %mul3A_123 : i32
      %get3A = arith.index_cast %mul3A_124 : i32 to index
      %get3A_125 = tpu.vector_load %arg8[%get3A] {strides = array<i32>} : memref<1280xf32, #tpu.memory_space<vmem>>, vector<16xf32>,
      %mul3A_126 = arith.constant 16 : i32
      %mul3A_127 = arith.muli %scan3A_122, %mul3A_126 : i32
      %get3A_128 = arith.index_cast %mul3A_127 : i32 to index
      %get3A_129 = tpu.vector_load %arg9[%get3A_128] {strides = array<i32>} : memref<1280xf32, #tpu.memory_space<vmem>>, vector<16xf32>,
      %add3A_130 = arith.addf %get3A_125, %get3A_129 : vector<16xf32>
      %mul3A_131 = arith.constant 16 : i32
      %mul3A_132 = arith.muli %scan3A_122, %mul3A_131 : i32
      %swap3A = arith.index_cast %mul3A_132 : i32 to index
      %swap3A_133 = tpu.vector_load %arg8[%swap3A] {strides = array<i32>} : memref<1280xf32, #tpu.memory_space<vmem>>, vector<16xf32>,
      tpu.vector_store %arg8[%swap3A], %add3A_130 {strides = array<i32>} : memref<1280xf32, #tpu.memory_space<vmem>>, vector<16xf32>,
    }
    %scan3A_30 = arith.constant 80 : i32
    %run_scoped3A_31 = arith.constant 3 : i32
    "tpu.region"() ({
      %run_scoped3A_122 = tpu.sem_alloc : memref<!tpu.dma_semaphore, #tpu.memory_space<semaphore_mem>>
      %dma_start3A = arith.constant 0 : i32
      %dma_start3A_123 = tpu.memref_slice %arg10[%run_scoped3A_31, %dma_start3A] : memref<16x20480xf32, #tpu.memory_space<vmem_shared>> -> memref<1x20480xf32, #tpu.memory_space<vmem_shared>>
      %dma_start3A_124 = tpu.memref_squeeze %dma_start3A_123 : memref<1x20480xf32, #tpu.memory_space<vmem_shared>> -> memref<20480xf32, #tpu.memory_space<vmem_shared>>
      %dma_start3A_125 = tpu.memref_slice %dma_start3A_124[%mul3A_16] : memref<20480xf32, #tpu.memory_space<vmem_shared>> -> memref<1280xf32, #tpu.memory_space<vmem_shared>>
      %dma_start3A_126 = arith.constant 0 : i32
      %dma_start3A_127 = tpu.memref_slice %arg10[%run_scoped3A_31, %dma_start3A_126] : memref<16x20480xf32, #tpu.memory_space<vmem_shared>> -> memref<1x20480xf32, #tpu.memory_space<vmem_shared>>
      %dma_start3A_128 = tpu.memref_squeeze %dma_start3A_127 : memref<1x20480xf32, #tpu.memory_space<vmem_shared>> -> memref<20480xf32, #tpu.memory_space<vmem_shared>>
      %dma_start3A_129 = tpu.memref_slice %dma_start3A_128[%mul3A_16] : memref<20480xf32, #tpu.memory_space<vmem_shared>> -> memref<1280xf32, #tpu.memory_space<vmem_shared>>
      tpu.enqueue_dma source(%dma_start3A_129 : memref<1280xf32, #tpu.memory_space<vmem_shared>>) target(%arg9 : memref<1280xf32, #tpu.memory_space<vmem>>) target_semaphore(%run_scoped3A_122 : memref<!tpu.dma_semaphore, #tpu.memory_space<semaphore_mem>>)
      %dma_wait3A = arith.constant 0 : i32
      %dma_wait3A_130 = tpu.memref_slice %arg10[%run_scoped3A_31, %dma_wait3A] : memref<16x20480xf32, #tpu.memory_space<vmem_shared>> -> memref<1x20480xf32, #tpu.memory_space<vmem_shared>>
      %dma_wait3A_131 = tpu.memref_squeeze %dma_wait3A_130 : memref<1x20480xf32, #tpu.memory_space<vmem_shared>> -> memref<20480xf32, #tpu.memory_space<vmem_shared>>
      %dma_wait3A_132 = tpu.memref_slice %dma_wait3A_131[%mul3A_16] : memref<20480xf32, #tpu.memory_space<vmem_shared>> -> memref<1280xf32, #tpu.memory_space<vmem_shared>>
      %dma_wait3A_133 = arith.constant 0 : i32
      %dma_wait3A_134 = tpu.memref_slice %arg10[%run_scoped3A_31, %dma_wait3A_133] : memref<16x20480xf32, #tpu.memory_space<vmem_shared>> -> memref<1x20480xf32, #tpu.memory_space<vmem_shared>>
      %dma_wait3A_135 = tpu.memref_squeeze %dma_wait3A_134 : memref<1x20480xf32, #tpu.memory_space<vmem_shared>> -> memref<20480xf32, #tpu.memory_space<vmem_shared>>
      %dma_wait3A_136 = tpu.memref_slice %dma_wait3A_135[%mul3A_16] : memref<20480xf32, #tpu.memory_space<vmem_shared>> -> memref<1280xf32, #tpu.memory_space<vmem_shared>>
      tpu.wait_dma2 semaphore(%run_scoped3A_122 : memref<!tpu.dma_semaphore, #tpu.memory_space<semaphore_mem>>) src(%dma_wait3A_136 : memref<1280xf32, #tpu.memory_space<vmem_shared>>) dst(%arg9 : memref<1280xf32, #tpu.memory_space<vmem>>)
      tpu.yield
    }) : () -> ()
    %scan3A_32 = arith.constant 0 : i32
    %scan3A_33 = arith.constant 0 : i32
    %scan3A_34 = arith.constant 80 : i32
    %scan3A_35 = arith.addi %scan3A_33, %scan3A_34 : i32
    %scan3A_36 = arith.constant 1 : i32
    scf.for %scan3A_122 = %scan3A_33 to %scan3A_35 step %scan3A_36  : i32 {
      %mul3A_123 = arith.constant 16 : i32
      %mul3A_124 = arith.muli %scan3A_122, %mul3A_123 : i32
      %get3A = arith.index_cast %mul3A_124 : i32 to index
      %get3A_125 = tpu.vector_load %arg8[%get3A] {strides = array<i32>} : memref<1280xf32, #tpu.memory_space<vmem>>, vector<16xf32>,
      %mul3A_126 = arith.constant 16 : i32
      %mul3A_127 = arith.muli %scan3A_122, %mul3A_126 : i32
      %get3A_128 = arith.index_cast %mul3A_127 : i32 to index
      %get3A_129 = tpu.vector_load %arg9[%get3A_128] {strides = array<i32>} : memref<1280xf32, #tpu.memory_space<vmem>>, vector<16xf32>,
      %add3A_130 = arith.addf %get3A_125, %get3A_129 : vector<16xf32>
      %mul3A_131 = arith.constant 16 : i32
      %mul3A_132 = arith.muli %scan3A_122, %mul3A_131 : i32
      %swap3A = arith.index_cast %mul3A_132 : i32 to index
      %swap3A_133 = tpu.vector_load %arg8[%swap3A] {strides = array<i32>} : memref<1280xf32, #tpu.memory_space<vmem>>, vector<16xf32>,
      tpu.vector_store %arg8[%swap3A], %add3A_130 {strides = array<i32>} : memref<1280xf32, #tpu.memory_space<vmem>>, vector<16xf32>,
    }
    %scan3A_37 = arith.constant 80 : i32
    %run_scoped3A_38 = arith.constant 4 : i32
    "tpu.region"() ({
      %run_scoped3A_122 = tpu.sem_alloc : memref<!tpu.dma_semaphore, #tpu.memory_space<semaphore_mem>>
      %dma_start3A = arith.constant 0 : i32
      %dma_start3A_123 = tpu.memref_slice %arg10[%run_scoped3A_38, %dma_start3A] : memref<16x20480xf32, #tpu.memory_space<vmem_shared>> -> memref<1x20480xf32, #tpu.memory_space<vmem_shared>>
      %dma_start3A_124 = tpu.memref_squeeze %dma_start3A_123 : memref<1x20480xf32, #tpu.memory_space<vmem_shared>> -> memref<20480xf32, #tpu.memory_space<vmem_shared>>
      %dma_start3A_125 = tpu.memref_slice %dma_start3A_124[%mul3A_16] : memref<20480xf32, #tpu.memory_space<vmem_shared>> -> memref<1280xf32, #tpu.memory_space<vmem_shared>>
      %dma_start3A_126 = arith.constant 0 : i32
      %dma_start3A_127 = tpu.memref_slice %arg10[%run_scoped3A_38, %dma_start3A_126] : memref<16x20480xf32, #tpu.memory_space<vmem_shared>> -> memref<1x20480xf32, #tpu.memory_space<vmem_shared>>
      %dma_start3A_128 = tpu.memref_squeeze %dma_start3A_127 : memref<1x20480xf32, #tpu.memory_space<vmem_shared>> -> memref<20480xf32, #tpu.memory_space<vmem_shared>>
      %dma_start3A_129 = tpu.memref_slice %dma_start3A_128[%mul3A_16] : memref<20480xf32, #tpu.memory_space<vmem_shared>> -> memref<1280xf32, #tpu.memory_space<vmem_shared>>
      tpu.enqueue_dma source(%dma_start3A_129 : memref<1280xf32, #tpu.memory_space<vmem_shared>>) target(%arg9 : memref<1280xf32, #tpu.memory_space<vmem>>) target_semaphore(%run_scoped3A_122 : memref<!tpu.dma_semaphore, #tpu.memory_space<semaphore_mem>>)
      %dma_wait3A = arith.constant 0 : i32
      %dma_wait3A_130 = tpu.memref_slice %arg10[%run_scoped3A_38, %dma_wait3A] : memref<16x20480xf32, #tpu.memory_space<vmem_shared>> -> memref<1x20480xf32, #tpu.memory_space<vmem_shared>>
      %dma_wait3A_131 = tpu.memref_squeeze %dma_wait3A_130 : memref<1x20480xf32, #tpu.memory_space<vmem_shared>> -> memref<20480xf32, #tpu.memory_space<vmem_shared>>
      %dma_wait3A_132 = tpu.memref_slice %dma_wait3A_131[%mul3A_16] : memref<20480xf32, #tpu.memory_space<vmem_shared>> -> memref<1280xf32, #tpu.memory_space<vmem_shared>>
      %dma_wait3A_133 = arith.constant 0 : i32
      %dma_wait3A_134 = tpu.memref_slice %arg10[%run_scoped3A_38, %dma_wait3A_133] : memref<16x20480xf32, #tpu.memory_space<vmem_shared>> -> memref<1x20480xf32, #tpu.memory_space<vmem_shared>>
      %dma_wait3A_135 = tpu.memref_squeeze %dma_wait3A_134 : memref<1x20480xf32, #tpu.memory_space<vmem_shared>> -> memref<20480xf32, #tpu.memory_space<vmem_shared>>
      %dma_wait3A_136 = tpu.memref_slice %dma_wait3A_135[%mul3A_16] : memref<20480xf32, #tpu.memory_space<vmem_shared>> -> memref<1280xf32, #tpu.memory_space<vmem_shared>>
      tpu.wait_dma2 semaphore(%run_scoped3A_122 : memref<!tpu.dma_semaphore, #tpu.memory_space<semaphore_mem>>) src(%dma_wait3A_136 : memref<1280xf32, #tpu.memory_space<vmem_shared>>) dst(%arg9 : memref<1280xf32, #tpu.memory_space<vmem>>)
      tpu.yield
    }) : () -> ()
    %scan3A_39 = arith.constant 0 : i32
    %scan3A_40 = arith.constant 0 : i32
    %scan3A_41 = arith.constant 80 : i32
    %scan3A_42 = arith.addi %scan3A_40, %scan3A_41 : i32
    %scan3A_43 = arith.constant 1 : i32
    scf.for %scan3A_122 = %scan3A_40 to %scan3A_42 step %scan3A_43  : i32 {
      %mul3A_123 = arith.constant 16 : i32
      %mul3A_124 = arith.muli %scan3A_122, %mul3A_123 : i32
      %get3A = arith.index_cast %mul3A_124 : i32 to index
      %get3A_125 = tpu.vector_load %arg8[%get3A] {strides = array<i32>} : memref<1280xf32, #tpu.memory_space<vmem>>, vector<16xf32>,
      %mul3A_126 = arith.constant 16 : i32
      %mul3A_127 = arith.muli %scan3A_122, %mul3A_126 : i32
      %get3A_128 = arith.index_cast %mul3A_127 : i32 to index
      %get3A_129 = tpu.vector_load %arg9[%get3A_128] {strides = array<i32>} : memref<1280xf32, #tpu.memory_space<vmem>>, vector<16xf32>,
      %add3A_130 = arith.addf %get3A_125, %get3A_129 : vector<16xf32>
      %mul3A_131 = arith.constant 16 : i32
      %mul3A_132 = arith.muli %scan3A_122, %mul3A_131 : i32
      %swap3A = arith.index_cast %mul3A_132 : i32 to index
      %swap3A_133 = tpu.vector_load %arg8[%swap3A] {strides = array<i32>} : memref<1280xf32, #tpu.memory_space<vmem>>, vector<16xf32>,
      tpu.vector_store %arg8[%swap3A], %add3A_130 {strides = array<i32>} : memref<1280xf32, #tpu.memory_space<vmem>>, vector<16xf32>,
    }
    %scan3A_44 = arith.constant 80 : i32
    %run_scoped3A_45 = arith.constant 5 : i32
    "tpu.region"() ({
      %run_scoped3A_122 = tpu.sem_alloc : memref<!tpu.dma_semaphore, #tpu.memory_space<semaphore_mem>>
      %dma_start3A = arith.constant 0 : i32
      %dma_start3A_123 = tpu.memref_slice %arg10[%run_scoped3A_45, %dma_start3A] : memref<16x20480xf32, #tpu.memory_space<vmem_shared>> -> memref<1x20480xf32, #tpu.memory_space<vmem_shared>>
      %dma_start3A_124 = tpu.memref_squeeze %dma_start3A_123 : memref<1x20480xf32, #tpu.memory_space<vmem_shared>> -> memref<20480xf32, #tpu.memory_space<vmem_shared>>
      %dma_start3A_125 = tpu.memref_slice %dma_start3A_124[%mul3A_16] : memref<20480xf32, #tpu.memory_space<vmem_shared>> -> memref<1280xf32, #tpu.memory_space<vmem_shared>>
      %dma_start3A_126 = arith.constant 0 : i32
      %dma_start3A_127 = tpu.memref_slice %arg10[%run_scoped3A_45, %dma_start3A_126] : memref<16x20480xf32, #tpu.memory_space<vmem_shared>> -> memref<1x20480xf32, #tpu.memory_space<vmem_shared>>
      %dma_start3A_128 = tpu.memref_squeeze %dma_start3A_127 : memref<1x20480xf32, #tpu.memory_space<vmem_shared>> -> memref<20480xf32, #tpu.memory_space<vmem_shared>>
      %dma_start3A_129 = tpu.memref_slice %dma_start3A_128[%mul3A_16] : memref<20480xf32, #tpu.memory_space<vmem_shared>> -> memref<1280xf32, #tpu.memory_space<vmem_shared>>
      tpu.enqueue_dma source(%dma_start3A_129 : memref<1280xf32, #tpu.memory_space<vmem_shared>>) target(%arg9 : memref<1280xf32, #tpu.memory_space<vmem>>) target_semaphore(%run_scoped3A_122 : memref<!tpu.dma_semaphore, #tpu.memory_space<semaphore_mem>>)
      %dma_wait3A = arith.constant 0 : i32
      %dma_wait3A_130 = tpu.memref_slice %arg10[%run_scoped3A_45, %dma_wait3A] : memref<16x20480xf32, #tpu.memory_space<vmem_shared>> -> memref<1x20480xf32, #tpu.memory_space<vmem_shared>>
      %dma_wait3A_131 = tpu.memref_squeeze %dma_wait3A_130 : memref<1x20480xf32, #tpu.memory_space<vmem_shared>> -> memref<20480xf32, #tpu.memory_space<vmem_shared>>
      %dma_wait3A_132 = tpu.memref_slice %dma_wait3A_131[%mul3A_16] : memref<20480xf32, #tpu.memory_space<vmem_shared>> -> memref<1280xf32, #tpu.memory_space<vmem_shared>>
      %dma_wait3A_133 = arith.constant 0 : i32
      %dma_wait3A_134 = tpu.memref_slice %arg10[%run_scoped3A_45, %dma_wait3A_133] : memref<16x20480xf32, #tpu.memory_space<vmem_shared>> -> memref<1x20480xf32, #tpu.memory_space<vmem_shared>>
      %dma_wait3A_135 = tpu.memref_squeeze %dma_wait3A_134 : memref<1x20480xf32, #tpu.memory_space<vmem_shared>> -> memref<20480xf32, #tpu.memory_space<vmem_shared>>
      %dma_wait3A_136 = tpu.memref_slice %dma_wait3A_135[%mul3A_16] : memref<20480xf32, #tpu.memory_space<vmem_shared>> -> memref<1280xf32, #tpu.memory_space<vmem_shared>>
      tpu.wait_dma2 semaphore(%run_scoped3A_122 : memref<!tpu.dma_semaphore, #tpu.memory_space<semaphore_mem>>) src(%dma_wait3A_136 : memref<1280xf32, #tpu.memory_space<vmem_shared>>) dst(%arg9 : memref<1280xf32, #tpu.memory_space<vmem>>)
      tpu.yield
    }) : () -> ()
    %scan3A_46 = arith.constant 0 : i32
    %scan3A_47 = arith.constant 0 : i32
    %scan3A_48 = arith.constant 80 : i32
    %scan3A_49 = arith.addi %scan3A_47, %scan3A_48 : i32
    %scan3A_50 = arith.constant 1 : i32
    scf.for %scan3A_122 = %scan3A_47 to %scan3A_49 step %scan3A_50  : i32 {
      %mul3A_123 = arith.constant 16 : i32
      %mul3A_124 = arith.muli %scan3A_122, %mul3A_123 : i32
      %get3A = arith.index_cast %mul3A_124 : i32 to index
      %get3A_125 = tpu.vector_load %arg8[%get3A] {strides = array<i32>} : memref<1280xf32, #tpu.memory_space<vmem>>, vector<16xf32>,
      %mul3A_126 = arith.constant 16 : i32
      %mul3A_127 = arith.muli %scan3A_122, %mul3A_126 : i32
      %get3A_128 = arith.index_cast %mul3A_127 : i32 to index
      %get3A_129 = tpu.vector_load %arg9[%get3A_128] {strides = array<i32>} : memref<1280xf32, #tpu.memory_space<vmem>>, vector<16xf32>,
      %add3A_130 = arith.addf %get3A_125, %get3A_129 : vector<16xf32>
      %mul3A_131 = arith.constant 16 : i32
      %mul3A_132 = arith.muli %scan3A_122, %mul3A_131 : i32
      %swap3A = arith.index_cast %mul3A_132 : i32 to index
      %swap3A_133 = tpu.vector_load %arg8[%swap3A] {strides = array<i32>} : memref<1280xf32, #tpu.memory_space<vmem>>, vector<16xf32>,
      tpu.vector_store %arg8[%swap3A], %add3A_130 {strides = array<i32>} : memref<1280xf32, #tpu.memory_space<vmem>>, vector<16xf32>,
    }
    %scan3A_51 = arith.constant 80 : i32
    %run_scoped3A_52 = arith.constant 6 : i32
    "tpu.region"() ({
      %run_scoped3A_122 = tpu.sem_alloc : memref<!tpu.dma_semaphore, #tpu.memory_space<semaphore_mem>>
      %dma_start3A = arith.constant 0 : i32
      %dma_start3A_123 = tpu.memref_slice %arg10[%run_scoped3A_52, %dma_start3A] : memref<16x20480xf32, #tpu.memory_space<vmem_shared>> -> memref<1x20480xf32, #tpu.memory_space<vmem_shared>>
      %dma_start3A_124 = tpu.memref_squeeze %dma_start3A_123 : memref<1x20480xf32, #tpu.memory_space<vmem_shared>> -> memref<20480xf32, #tpu.memory_space<vmem_shared>>
      %dma_start3A_125 = tpu.memref_slice %dma_start3A_124[%mul3A_16] : memref<20480xf32, #tpu.memory_space<vmem_shared>> -> memref<1280xf32, #tpu.memory_space<vmem_shared>>
      %dma_start3A_126 = arith.constant 0 : i32
      %dma_start3A_127 = tpu.memref_slice %arg10[%run_scoped3A_52, %dma_start3A_126] : memref<16x20480xf32, #tpu.memory_space<vmem_shared>> -> memref<1x20480xf32, #tpu.memory_space<vmem_shared>>
      %dma_start3A_128 = tpu.memref_squeeze %dma_start3A_127 : memref<1x20480xf32, #tpu.memory_space<vmem_shared>> -> memref<20480xf32, #tpu.memory_space<vmem_shared>>
      %dma_start3A_129 = tpu.memref_slice %dma_start3A_128[%mul3A_16] : memref<20480xf32, #tpu.memory_space<vmem_shared>> -> memref<1280xf32, #tpu.memory_space<vmem_shared>>
      tpu.enqueue_dma source(%dma_start3A_129 : memref<1280xf32, #tpu.memory_space<vmem_shared>>) target(%arg9 : memref<1280xf32, #tpu.memory_space<vmem>>) target_semaphore(%run_scoped3A_122 : memref<!tpu.dma_semaphore, #tpu.memory_space<semaphore_mem>>)
      %dma_wait3A = arith.constant 0 : i32
      %dma_wait3A_130 = tpu.memref_slice %arg10[%run_scoped3A_52, %dma_wait3A] : memref<16x20480xf32, #tpu.memory_space<vmem_shared>> -> memref<1x20480xf32, #tpu.memory_space<vmem_shared>>
      %dma_wait3A_131 = tpu.memref_squeeze %dma_wait3A_130 : memref<1x20480xf32, #tpu.memory_space<vmem_shared>> -> memref<20480xf32, #tpu.memory_space<vmem_shared>>
      %dma_wait3A_132 = tpu.memref_slice %dma_wait3A_131[%mul3A_16] : memref<20480xf32, #tpu.memory_space<vmem_shared>> -> memref<1280xf32, #tpu.memory_space<vmem_shared>>
      %dma_wait3A_133 = arith.constant 0 : i32
      %dma_wait3A_134 = tpu.memref_slice %arg10[%run_scoped3A_52, %dma_wait3A_133] : memref<16x20480xf32, #tpu.memory_space<vmem_shared>> -> memref<1x20480xf32, #tpu.memory_space<vmem_shared>>
      %dma_wait3A_135 = tpu.memref_squeeze %dma_wait3A_134 : memref<1x20480xf32, #tpu.memory_space<vmem_shared>> -> memref<20480xf32, #tpu.memory_space<vmem_shared>>
      %dma_wait3A_136 = tpu.memref_slice %dma_wait3A_135[%mul3A_16] : memref<20480xf32, #tpu.memory_space<vmem_shared>> -> memref<1280xf32, #tpu.memory_space<vmem_shared>>
      tpu.wait_dma2 semaphore(%run_scoped3A_122 : memref<!tpu.dma_semaphore, #tpu.memory_space<semaphore_mem>>) src(%dma_wait3A_136 : memref<1280xf32, #tpu.memory_space<vmem_shared>>) dst(%arg9 : memref<1280xf32, #tpu.memory_space<vmem>>)
      tpu.yield
    }) : () -> ()
    %scan3A_53 = arith.constant 0 : i32
    %scan3A_54 = arith.constant 0 : i32
    %scan3A_55 = arith.constant 80 : i32
    %scan3A_56 = arith.addi %scan3A_54, %scan3A_55 : i32
    %scan3A_57 = arith.constant 1 : i32
    scf.for %scan3A_122 = %scan3A_54 to %scan3A_56 step %scan3A_57  : i32 {
      %mul3A_123 = arith.constant 16 : i32
      %mul3A_124 = arith.muli %scan3A_122, %mul3A_123 : i32
      %get3A = arith.index_cast %mul3A_124 : i32 to index
      %get3A_125 = tpu.vector_load %arg8[%get3A] {strides = array<i32>} : memref<1280xf32, #tpu.memory_space<vmem>>, vector<16xf32>,
      %mul3A_126 = arith.constant 16 : i32
      %mul3A_127 = arith.muli %scan3A_122, %mul3A_126 : i32
      %get3A_128 = arith.index_cast %mul3A_127 : i32 to index
      %get3A_129 = tpu.vector_load %arg9[%get3A_128] {strides = array<i32>} : memref<1280xf32, #tpu.memory_space<vmem>>, vector<16xf32>,
      %add3A_130 = arith.addf %get3A_125, %get3A_129 : vector<16xf32>
      %mul3A_131 = arith.constant 16 : i32
      %mul3A_132 = arith.muli %scan3A_122, %mul3A_131 : i32
      %swap3A = arith.index_cast %mul3A_132 : i32 to index
      %swap3A_133 = tpu.vector_load %arg8[%swap3A] {strides = array<i32>} : memref<1280xf32, #tpu.memory_space<vmem>>, vector<16xf32>,
      tpu.vector_store %arg8[%swap3A], %add3A_130 {strides = array<i32>} : memref<1280xf32, #tpu.memory_space<vmem>>, vector<16xf32>,
    }
    %scan3A_58 = arith.constant 80 : i32
    %run_scoped3A_59 = arith.constant 7 : i32
    "tpu.region"() ({
      %run_scoped3A_122 = tpu.sem_alloc : memref<!tpu.dma_semaphore, #tpu.memory_space<semaphore_mem>>
      %dma_start3A = arith.constant 0 : i32
      %dma_start3A_123 = tpu.memref_slice %arg10[%run_scoped3A_59, %dma_start3A] : memref<16x20480xf32, #tpu.memory_space<vmem_shared>> -> memref<1x20480xf32, #tpu.memory_space<vmem_shared>>
      %dma_start3A_124 = tpu.memref_squeeze %dma_start3A_123 : memref<1x20480xf32, #tpu.memory_space<vmem_shared>> -> memref<20480xf32, #tpu.memory_space<vmem_shared>>
      %dma_start3A_125 = tpu.memref_slice %dma_start3A_124[%mul3A_16] : memref<20480xf32, #tpu.memory_space<vmem_shared>> -> memref<1280xf32, #tpu.memory_space<vmem_shared>>
      %dma_start3A_126 = arith.constant 0 : i32
      %dma_start3A_127 = tpu.memref_slice %arg10[%run_scoped3A_59, %dma_start3A_126] : memref<16x20480xf32, #tpu.memory_space<vmem_shared>> -> memref<1x20480xf32, #tpu.memory_space<vmem_shared>>
      %dma_start3A_128 = tpu.memref_squeeze %dma_start3A_127 : memref<1x20480xf32, #tpu.memory_space<vmem_shared>> -> memref<20480xf32, #tpu.memory_space<vmem_shared>>
      %dma_start3A_129 = tpu.memref_slice %dma_start3A_128[%mul3A_16] : memref<20480xf32, #tpu.memory_space<vmem_shared>> -> memref<1280xf32, #tpu.memory_space<vmem_shared>>
      tpu.enqueue_dma source(%dma_start3A_129 : memref<1280xf32, #tpu.memory_space<vmem_shared>>) target(%arg9 : memref<1280xf32, #tpu.memory_space<vmem>>) target_semaphore(%run_scoped3A_122 : memref<!tpu.dma_semaphore, #tpu.memory_space<semaphore_mem>>)
      %dma_wait3A = arith.constant 0 : i32
      %dma_wait3A_130 = tpu.memref_slice %arg10[%run_scoped3A_59, %dma_wait3A] : memref<16x20480xf32, #tpu.memory_space<vmem_shared>> -> memref<1x20480xf32, #tpu.memory_space<vmem_shared>>
      %dma_wait3A_131 = tpu.memref_squeeze %dma_wait3A_130 : memref<1x20480xf32, #tpu.memory_space<vmem_shared>> -> memref<20480xf32, #tpu.memory_space<vmem_shared>>
      %dma_wait3A_132 = tpu.memref_slice %dma_wait3A_131[%mul3A_16] : memref<20480xf32, #tpu.memory_space<vmem_shared>> -> memref<1280xf32, #tpu.memory_space<vmem_shared>>
      %dma_wait3A_133 = arith.constant 0 : i32
      %dma_wait3A_134 = tpu.memref_slice %arg10[%run_scoped3A_59, %dma_wait3A_133] : memref<16x20480xf32, #tpu.memory_space<vmem_shared>> -> memref<1x20480xf32, #tpu.memory_space<vmem_shared>>
      %dma_wait3A_135 = tpu.memref_squeeze %dma_wait3A_134 : memref<1x20480xf32, #tpu.memory_space<vmem_shared>> -> memref<20480xf32, #tpu.memory_space<vmem_shared>>
      %dma_wait3A_136 = tpu.memref_slice %dma_wait3A_135[%mul3A_16] : memref<20480xf32, #tpu.memory_space<vmem_shared>> -> memref<1280xf32, #tpu.memory_space<vmem_shared>>
      tpu.wait_dma2 semaphore(%run_scoped3A_122 : memref<!tpu.dma_semaphore, #tpu.memory_space<semaphore_mem>>) src(%dma_wait3A_136 : memref<1280xf32, #tpu.memory_space<vmem_shared>>) dst(%arg9 : memref<1280xf32, #tpu.memory_space<vmem>>)
      tpu.yield
    }) : () -> ()
    %scan3A_60 = arith.constant 0 : i32
    %scan3A_61 = arith.constant 0 : i32
    %scan3A_62 = arith.constant 80 : i32
    %scan3A_63 = arith.addi %scan3A_61, %scan3A_62 : i32
    %scan3A_64 = arith.constant 1 : i32
    scf.for %scan3A_122 = %scan3A_61 to %scan3A_63 step %scan3A_64  : i32 {
      %mul3A_123 = arith.constant 16 : i32
      %mul3A_124 = arith.muli %scan3A_122, %mul3A_123 : i32
      %get3A = arith.index_cast %mul3A_124 : i32 to index
      %get3A_125 = tpu.vector_load %arg8[%get3A] {strides = array<i32>} : memref<1280xf32, #tpu.memory_space<vmem>>, vector<16xf32>,
      %mul3A_126 = arith.constant 16 : i32
      %mul3A_127 = arith.muli %scan3A_122, %mul3A_126 : i32
      %get3A_128 = arith.index_cast %mul3A_127 : i32 to index
      %get3A_129 = tpu.vector_load %arg9[%get3A_128] {strides = array<i32>} : memref<1280xf32, #tpu.memory_space<vmem>>, vector<16xf32>,
      %add3A_130 = arith.addf %get3A_125, %get3A_129 : vector<16xf32>
      %mul3A_131 = arith.constant 16 : i32
      %mul3A_132 = arith.muli %scan3A_122, %mul3A_131 : i32
      %swap3A = arith.index_cast %mul3A_132 : i32 to index
      %swap3A_133 = tpu.vector_load %arg8[%swap3A] {strides = array<i32>} : memref<1280xf32, #tpu.memory_space<vmem>>, vector<16xf32>,
      tpu.vector_store %arg8[%swap3A], %add3A_130 {strides = array<i32>} : memref<1280xf32, #tpu.memory_space<vmem>>, vector<16xf32>,
    }
    %scan3A_65 = arith.constant 80 : i32
    %run_scoped3A_66 = arith.constant 8 : i32
    "tpu.region"() ({
      %run_scoped3A_122 = tpu.sem_alloc : memref<!tpu.dma_semaphore, #tpu.memory_space<semaphore_mem>>
      %dma_start3A = arith.constant 0 : i32
      %dma_start3A_123 = tpu.memref_slice %arg10[%run_scoped3A_66, %dma_start3A] : memref<16x20480xf32, #tpu.memory_space<vmem_shared>> -> memref<1x20480xf32, #tpu.memory_space<vmem_shared>>
      %dma_start3A_124 = tpu.memref_squeeze %dma_start3A_123 : memref<1x20480xf32, #tpu.memory_space<vmem_shared>> -> memref<20480xf32, #tpu.memory_space<vmem_shared>>
      %dma_start3A_125 = tpu.memref_slice %dma_start3A_124[%mul3A_16] : memref<20480xf32, #tpu.memory_space<vmem_shared>> -> memref<1280xf32, #tpu.memory_space<vmem_shared>>
      %dma_start3A_126 = arith.constant 0 : i32
      %dma_start3A_127 = tpu.memref_slice %arg10[%run_scoped3A_66, %dma_start3A_126] : memref<16x20480xf32, #tpu.memory_space<vmem_shared>> -> memref<1x20480xf32, #tpu.memory_space<vmem_shared>>
      %dma_start3A_128 = tpu.memref_squeeze %dma_start3A_127 : memref<1x20480xf32, #tpu.memory_space<vmem_shared>> -> memref<20480xf32, #tpu.memory_space<vmem_shared>>
      %dma_start3A_129 = tpu.memref_slice %dma_start3A_128[%mul3A_16] : memref<20480xf32, #tpu.memory_space<vmem_shared>> -> memref<1280xf32, #tpu.memory_space<vmem_shared>>
      tpu.enqueue_dma source(%dma_start3A_129 : memref<1280xf32, #tpu.memory_space<vmem_shared>>) target(%arg9 : memref<1280xf32, #tpu.memory_space<vmem>>) target_semaphore(%run_scoped3A_122 : memref<!tpu.dma_semaphore, #tpu.memory_space<semaphore_mem>>)
      %dma_wait3A = arith.constant 0 : i32
      %dma_wait3A_130 = tpu.memref_slice %arg10[%run_scoped3A_66, %dma_wait3A] : memref<16x20480xf32, #tpu.memory_space<vmem_shared>> -> memref<1x20480xf32, #tpu.memory_space<vmem_shared>>
      %dma_wait3A_131 = tpu.memref_squeeze %dma_wait3A_130 : memref<1x20480xf32, #tpu.memory_space<vmem_shared>> -> memref<20480xf32, #tpu.memory_space<vmem_shared>>
      %dma_wait3A_132 = tpu.memref_slice %dma_wait3A_131[%mul3A_16] : memref<20480xf32, #tpu.memory_space<vmem_shared>> -> memref<1280xf32, #tpu.memory_space<vmem_shared>>
      %dma_wait3A_133 = arith.constant 0 : i32
      %dma_wait3A_134 = tpu.memref_slice %arg10[%run_scoped3A_66, %dma_wait3A_133] : memref<16x20480xf32, #tpu.memory_space<vmem_shared>> -> memref<1x20480xf32, #tpu.memory_space<vmem_shared>>
      %dma_wait3A_135 = tpu.memref_squeeze %dma_wait3A_134 : memref<1x20480xf32, #tpu.memory_space<vmem_shared>> -> memref<20480xf32, #tpu.memory_space<vmem_shared>>
      %dma_wait3A_136 = tpu.memref_slice %dma_wait3A_135[%mul3A_16] : memref<20480xf32, #tpu.memory_space<vmem_shared>> -> memref<1280xf32, #tpu.memory_space<vmem_shared>>
      tpu.wait_dma2 semaphore(%run_scoped3A_122 : memref<!tpu.dma_semaphore, #tpu.memory_space<semaphore_mem>>) src(%dma_wait3A_136 : memref<1280xf32, #tpu.memory_space<vmem_shared>>) dst(%arg9 : memref<1280xf32, #tpu.memory_space<vmem>>)
      tpu.yield
    }) : () -> ()
    %scan3A_67 = arith.constant 0 : i32
    %scan3A_68 = arith.constant 0 : i32
    %scan3A_69 = arith.constant 80 : i32
    %scan3A_70 = arith.addi %scan3A_68, %scan3A_69 : i32
    %scan3A_71 = arith.constant 1 : i32
    scf.for %scan3A_122 = %scan3A_68 to %scan3A_70 step %scan3A_71  : i32 {
      %mul3A_123 = arith.constant 16 : i32
      %mul3A_124 = arith.muli %scan3A_122, %mul3A_123 : i32
      %get3A = arith.index_cast %mul3A_124 : i32 to index
      %get3A_125 = tpu.vector_load %arg8[%get3A] {strides = array<i32>} : memref<1280xf32, #tpu.memory_space<vmem>>, vector<16xf32>,
      %mul3A_126 = arith.constant 16 : i32
      %mul3A_127 = arith.muli %scan3A_122, %mul3A_126 : i32
      %get3A_128 = arith.index_cast %mul3A_127 : i32 to index
      %get3A_129 = tpu.vector_load %arg9[%get3A_128] {strides = array<i32>} : memref<1280xf32, #tpu.memory_space<vmem>>, vector<16xf32>,
      %add3A_130 = arith.addf %get3A_125, %get3A_129 : vector<16xf32>
      %mul3A_131 = arith.constant 16 : i32
      %mul3A_132 = arith.muli %scan3A_122, %mul3A_131 : i32
      %swap3A = arith.index_cast %mul3A_132 : i32 to index
      %swap3A_133 = tpu.vector_load %arg8[%swap3A] {strides = array<i32>} : memref<1280xf32, #tpu.memory_space<vmem>>, vector<16xf32>,
      tpu.vector_store %arg8[%swap3A], %add3A_130 {strides = array<i32>} : memref<1280xf32, #tpu.memory_space<vmem>>, vector<16xf32>,
    }
    %scan3A_72 = arith.constant 80 : i32
    %run_scoped3A_73 = arith.constant 9 : i32
    "tpu.region"() ({
      %run_scoped3A_122 = tpu.sem_alloc : memref<!tpu.dma_semaphore, #tpu.memory_space<semaphore_mem>>
      %dma_start3A = arith.constant 0 : i32
      %dma_start3A_123 = tpu.memref_slice %arg10[%run_scoped3A_73, %dma_start3A] : memref<16x20480xf32, #tpu.memory_space<vmem_shared>> -> memref<1x20480xf32, #tpu.memory_space<vmem_shared>>
      %dma_start3A_124 = tpu.memref_squeeze %dma_start3A_123 : memref<1x20480xf32, #tpu.memory_space<vmem_shared>> -> memref<20480xf32, #tpu.memory_space<vmem_shared>>
      %dma_start3A_125 = tpu.memref_slice %dma_start3A_124[%mul3A_16] : memref<20480xf32, #tpu.memory_space<vmem_shared>> -> memref<1280xf32, #tpu.memory_space<vmem_shared>>
      %dma_start3A_126 = arith.constant 0 : i32
      %dma_start3A_127 = tpu.memref_slice %arg10[%run_scoped3A_73, %dma_start3A_126] : memref<16x20480xf32, #tpu.memory_space<vmem_shared>> -> memref<1x20480xf32, #tpu.memory_space<vmem_shared>>
      %dma_start3A_128 = tpu.memref_squeeze %dma_start3A_127 : memref<1x20480xf32, #tpu.memory_space<vmem_shared>> -> memref<20480xf32, #tpu.memory_space<vmem_shared>>
      %dma_start3A_129 = tpu.memref_slice %dma_start3A_128[%mul3A_16] : memref<20480xf32, #tpu.memory_space<vmem_shared>> -> memref<1280xf32, #tpu.memory_space<vmem_shared>>
      tpu.enqueue_dma source(%dma_start3A_129 : memref<1280xf32, #tpu.memory_space<vmem_shared>>) target(%arg9 : memref<1280xf32, #tpu.memory_space<vmem>>) target_semaphore(%run_scoped3A_122 : memref<!tpu.dma_semaphore, #tpu.memory_space<semaphore_mem>>)
      %dma_wait3A = arith.constant 0 : i32
      %dma_wait3A_130 = tpu.memref_slice %arg10[%run_scoped3A_73, %dma_wait3A] : memref<16x20480xf32, #tpu.memory_space<vmem_shared>> -> memref<1x20480xf32, #tpu.memory_space<vmem_shared>>
      %dma_wait3A_131 = tpu.memref_squeeze %dma_wait3A_130 : memref<1x20480xf32, #tpu.memory_space<vmem_shared>> -> memref<20480xf32, #tpu.memory_space<vmem_shared>>
      %dma_wait3A_132 = tpu.memref_slice %dma_wait3A_131[%mul3A_16] : memref<20480xf32, #tpu.memory_space<vmem_shared>> -> memref<1280xf32, #tpu.memory_space<vmem_shared>>
      %dma_wait3A_133 = arith.constant 0 : i32
      %dma_wait3A_134 = tpu.memref_slice %arg10[%run_scoped3A_73, %dma_wait3A_133] : memref<16x20480xf32, #tpu.memory_space<vmem_shared>> -> memref<1x20480xf32, #tpu.memory_space<vmem_shared>>
      %dma_wait3A_135 = tpu.memref_squeeze %dma_wait3A_134 : memref<1x20480xf32, #tpu.memory_space<vmem_shared>> -> memref<20480xf32, #tpu.memory_space<vmem_shared>>
      %dma_wait3A_136 = tpu.memref_slice %dma_wait3A_135[%mul3A_16] : memref<20480xf32, #tpu.memory_space<vmem_shared>> -> memref<1280xf32, #tpu.memory_space<vmem_shared>>
      tpu.wait_dma2 semaphore(%run_scoped3A_122 : memref<!tpu.dma_semaphore, #tpu.memory_space<semaphore_mem>>) src(%dma_wait3A_136 : memref<1280xf32, #tpu.memory_space<vmem_shared>>) dst(%arg9 : memref<1280xf32, #tpu.memory_space<vmem>>)
      tpu.yield
    }) : () -> ()
    %scan3A_74 = arith.constant 0 : i32
    %scan3A_75 = arith.constant 0 : i32
    %scan3A_76 = arith.constant 80 : i32
    %scan3A_77 = arith.addi %scan3A_75, %scan3A_76 : i32
    %scan3A_78 = arith.constant 1 : i32
    scf.for %scan3A_122 = %scan3A_75 to %scan3A_77 step %scan3A_78  : i32 {
      %mul3A_123 = arith.constant 16 : i32
      %mul3A_124 = arith.muli %scan3A_122, %mul3A_123 : i32
      %get3A = arith.index_cast %mul3A_124 : i32 to index
      %get3A_125 = tpu.vector_load %arg8[%get3A] {strides = array<i32>} : memref<1280xf32, #tpu.memory_space<vmem>>, vector<16xf32>,
      %mul3A_126 = arith.constant 16 : i32
      %mul3A_127 = arith.muli %scan3A_122, %mul3A_126 : i32
      %get3A_128 = arith.index_cast %mul3A_127 : i32 to index
      %get3A_129 = tpu.vector_load %arg9[%get3A_128] {strides = array<i32>} : memref<1280xf32, #tpu.memory_space<vmem>>, vector<16xf32>,
      %add3A_130 = arith.addf %get3A_125, %get3A_129 : vector<16xf32>
      %mul3A_131 = arith.constant 16 : i32
      %mul3A_132 = arith.muli %scan3A_122, %mul3A_131 : i32
      %swap3A = arith.index_cast %mul3A_132 : i32 to index
      %swap3A_133 = tpu.vector_load %arg8[%swap3A] {strides = array<i32>} : memref<1280xf32, #tpu.memory_space<vmem>>, vector<16xf32>,
      tpu.vector_store %arg8[%swap3A], %add3A_130 {strides = array<i32>} : memref<1280xf32, #tpu.memory_space<vmem>>, vector<16xf32>,
    }
    %scan3A_79 = arith.constant 80 : i32
    %run_scoped3A_80 = arith.constant 10 : i32
    "tpu.region"() ({
      %run_scoped3A_122 = tpu.sem_alloc : memref<!tpu.dma_semaphore, #tpu.memory_space<semaphore_mem>>
      %dma_start3A = arith.constant 0 : i32
      %dma_start3A_123 = tpu.memref_slice %arg10[%run_scoped3A_80, %dma_start3A] : memref<16x20480xf32, #tpu.memory_space<vmem_shared>> -> memref<1x20480xf32, #tpu.memory_space<vmem_shared>>
      %dma_start3A_124 = tpu.memref_squeeze %dma_start3A_123 : memref<1x20480xf32, #tpu.memory_space<vmem_shared>> -> memref<20480xf32, #tpu.memory_space<vmem_shared>>
      %dma_start3A_125 = tpu.memref_slice %dma_start3A_124[%mul3A_16] : memref<20480xf32, #tpu.memory_space<vmem_shared>> -> memref<1280xf32, #tpu.memory_space<vmem_shared>>
      %dma_start3A_126 = arith.constant 0 : i32
      %dma_start3A_127 = tpu.memref_slice %arg10[%run_scoped3A_80, %dma_start3A_126] : memref<16x20480xf32, #tpu.memory_space<vmem_shared>> -> memref<1x20480xf32, #tpu.memory_space<vmem_shared>>
      %dma_start3A_128 = tpu.memref_squeeze %dma_start3A_127 : memref<1x20480xf32, #tpu.memory_space<vmem_shared>> -> memref<20480xf32, #tpu.memory_space<vmem_shared>>
      %dma_start3A_129 = tpu.memref_slice %dma_start3A_128[%mul3A_16] : memref<20480xf32, #tpu.memory_space<vmem_shared>> -> memref<1280xf32, #tpu.memory_space<vmem_shared>>
      tpu.enqueue_dma source(%dma_start3A_129 : memref<1280xf32, #tpu.memory_space<vmem_shared>>) target(%arg9 : memref<1280xf32, #tpu.memory_space<vmem>>) target_semaphore(%run_scoped3A_122 : memref<!tpu.dma_semaphore, #tpu.memory_space<semaphore_mem>>)
      %dma_wait3A = arith.constant 0 : i32
      %dma_wait3A_130 = tpu.memref_slice %arg10[%run_scoped3A_80, %dma_wait3A] : memref<16x20480xf32, #tpu.memory_space<vmem_shared>> -> memref<1x20480xf32, #tpu.memory_space<vmem_shared>>
      %dma_wait3A_131 = tpu.memref_squeeze %dma_wait3A_130 : memref<1x20480xf32, #tpu.memory_space<vmem_shared>> -> memref<20480xf32, #tpu.memory_space<vmem_shared>>
      %dma_wait3A_132 = tpu.memref_slice %dma_wait3A_131[%mul3A_16] : memref<20480xf32, #tpu.memory_space<vmem_shared>> -> memref<1280xf32, #tpu.memory_space<vmem_shared>>
      %dma_wait3A_133 = arith.constant 0 : i32
      %dma_wait3A_134 = tpu.memref_slice %arg10[%run_scoped3A_80, %dma_wait3A_133] : memref<16x20480xf32, #tpu.memory_space<vmem_shared>> -> memref<1x20480xf32, #tpu.memory_space<vmem_shared>>
      %dma_wait3A_135 = tpu.memref_squeeze %dma_wait3A_134 : memref<1x20480xf32, #tpu.memory_space<vmem_shared>> -> memref<20480xf32, #tpu.memory_space<vmem_shared>>
      %dma_wait3A_136 = tpu.memref_slice %dma_wait3A_135[%mul3A_16] : memref<20480xf32, #tpu.memory_space<vmem_shared>> -> memref<1280xf32, #tpu.memory_space<vmem_shared>>
      tpu.wait_dma2 semaphore(%run_scoped3A_122 : memref<!tpu.dma_semaphore, #tpu.memory_space<semaphore_mem>>) src(%dma_wait3A_136 : memref<1280xf32, #tpu.memory_space<vmem_shared>>) dst(%arg9 : memref<1280xf32, #tpu.memory_space<vmem>>)
      tpu.yield
    }) : () -> ()
    %scan3A_81 = arith.constant 0 : i32
    %scan3A_82 = arith.constant 0 : i32
    %scan3A_83 = arith.constant 80 : i32
    %scan3A_84 = arith.addi %scan3A_82, %scan3A_83 : i32
    %scan3A_85 = arith.constant 1 : i32
    scf.for %scan3A_122 = %scan3A_82 to %scan3A_84 step %scan3A_85  : i32 {
      %mul3A_123 = arith.constant 16 : i32
      %mul3A_124 = arith.muli %scan3A_122, %mul3A_123 : i32
      %get3A = arith.index_cast %mul3A_124 : i32 to index
      %get3A_125 = tpu.vector_load %arg8[%get3A] {strides = array<i32>} : memref<1280xf32, #tpu.memory_space<vmem>>, vector<16xf32>,
      %mul3A_126 = arith.constant 16 : i32
      %mul3A_127 = arith.muli %scan3A_122, %mul3A_126 : i32
      %get3A_128 = arith.index_cast %mul3A_127 : i32 to index
      %get3A_129 = tpu.vector_load %arg9[%get3A_128] {strides = array<i32>} : memref<1280xf32, #tpu.memory_space<vmem>>, vector<16xf32>,
      %add3A_130 = arith.addf %get3A_125, %get3A_129 : vector<16xf32>
      %mul3A_131 = arith.constant 16 : i32
      %mul3A_132 = arith.muli %scan3A_122, %mul3A_131 : i32
      %swap3A = arith.index_cast %mul3A_132 : i32 to index
      %swap3A_133 = tpu.vector_load %arg8[%swap3A] {strides = array<i32>} : memref<1280xf32, #tpu.memory_space<vmem>>, vector<16xf32>,
      tpu.vector_store %arg8[%swap3A], %add3A_130 {strides = array<i32>} : memref<1280xf32, #tpu.memory_space<vmem>>, vector<16xf32>,
    }
    %scan3A_86 = arith.constant 80 : i32
    %run_scoped3A_87 = arith.constant 11 : i32
    "tpu.region"() ({
      %run_scoped3A_122 = tpu.sem_alloc : memref<!tpu.dma_semaphore, #tpu.memory_space<semaphore_mem>>
      %dma_start3A = arith.constant 0 : i32
      %dma_start3A_123 = tpu.memref_slice %arg10[%run_scoped3A_87, %dma_start3A] : memref<16x20480xf32, #tpu.memory_space<vmem_shared>> -> memref<1x20480xf32, #tpu.memory_space<vmem_shared>>
      %dma_start3A_124 = tpu.memref_squeeze %dma_start3A_123 : memref<1x20480xf32, #tpu.memory_space<vmem_shared>> -> memref<20480xf32, #tpu.memory_space<vmem_shared>>
      %dma_start3A_125 = tpu.memref_slice %dma_start3A_124[%mul3A_16] : memref<20480xf32, #tpu.memory_space<vmem_shared>> -> memref<1280xf32, #tpu.memory_space<vmem_shared>>
      %dma_start3A_126 = arith.constant 0 : i32
      %dma_start3A_127 = tpu.memref_slice %arg10[%run_scoped3A_87, %dma_start3A_126] : memref<16x20480xf32, #tpu.memory_space<vmem_shared>> -> memref<1x20480xf32, #tpu.memory_space<vmem_shared>>
      %dma_start3A_128 = tpu.memref_squeeze %dma_start3A_127 : memref<1x20480xf32, #tpu.memory_space<vmem_shared>> -> memref<20480xf32, #tpu.memory_space<vmem_shared>>
      %dma_start3A_129 = tpu.memref_slice %dma_start3A_128[%mul3A_16] : memref<20480xf32, #tpu.memory_space<vmem_shared>> -> memref<1280xf32, #tpu.memory_space<vmem_shared>>
      tpu.enqueue_dma source(%dma_start3A_129 : memref<1280xf32, #tpu.memory_space<vmem_shared>>) target(%arg9 : memref<1280xf32, #tpu.memory_space<vmem>>) target_semaphore(%run_scoped3A_122 : memref<!tpu.dma_semaphore, #tpu.memory_space<semaphore_mem>>)
      %dma_wait3A = arith.constant 0 : i32
      %dma_wait3A_130 = tpu.memref_slice %arg10[%run_scoped3A_87, %dma_wait3A] : memref<16x20480xf32, #tpu.memory_space<vmem_shared>> -> memref<1x20480xf32, #tpu.memory_space<vmem_shared>>
      %dma_wait3A_131 = tpu.memref_squeeze %dma_wait3A_130 : memref<1x20480xf32, #tpu.memory_space<vmem_shared>> -> memref<20480xf32, #tpu.memory_space<vmem_shared>>
      %dma_wait3A_132 = tpu.memref_slice %dma_wait3A_131[%mul3A_16] : memref<20480xf32, #tpu.memory_space<vmem_shared>> -> memref<1280xf32, #tpu.memory_space<vmem_shared>>
      %dma_wait3A_133 = arith.constant 0 : i32
      %dma_wait3A_134 = tpu.memref_slice %arg10[%run_scoped3A_87, %dma_wait3A_133] : memref<16x20480xf32, #tpu.memory_space<vmem_shared>> -> memref<1x20480xf32, #tpu.memory_space<vmem_shared>>
      %dma_wait3A_135 = tpu.memref_squeeze %dma_wait3A_134 : memref<1x20480xf32, #tpu.memory_space<vmem_shared>> -> memref<20480xf32, #tpu.memory_space<vmem_shared>>
      %dma_wait3A_136 = tpu.memref_slice %dma_wait3A_135[%mul3A_16] : memref<20480xf32, #tpu.memory_space<vmem_shared>> -> memref<1280xf32, #tpu.memory_space<vmem_shared>>
      tpu.wait_dma2 semaphore(%run_scoped3A_122 : memref<!tpu.dma_semaphore, #tpu.memory_space<semaphore_mem>>) src(%dma_wait3A_136 : memref<1280xf32, #tpu.memory_space<vmem_shared>>) dst(%arg9 : memref<1280xf32, #tpu.memory_space<vmem>>)
      tpu.yield
    }) : () -> ()
    %scan3A_88 = arith.constant 0 : i32
    %scan3A_89 = arith.constant 0 : i32
    %scan3A_90 = arith.constant 80 : i32
    %scan3A_91 = arith.addi %scan3A_89, %scan3A_90 : i32
    %scan3A_92 = arith.constant 1 : i32
    scf.for %scan3A_122 = %scan3A_89 to %scan3A_91 step %scan3A_92  : i32 {
      %mul3A_123 = arith.constant 16 : i32
      %mul3A_124 = arith.muli %scan3A_122, %mul3A_123 : i32
      %get3A = arith.index_cast %mul3A_124 : i32 to index
      %get3A_125 = tpu.vector_load %arg8[%get3A] {strides = array<i32>} : memref<1280xf32, #tpu.memory_space<vmem>>, vector<16xf32>,
      %mul3A_126 = arith.constant 16 : i32
      %mul3A_127 = arith.muli %scan3A_122, %mul3A_126 : i32
      %get3A_128 = arith.index_cast %mul3A_127 : i32 to index
      %get3A_129 = tpu.vector_load %arg9[%get3A_128] {strides = array<i32>} : memref<1280xf32, #tpu.memory_space<vmem>>, vector<16xf32>,
      %add3A_130 = arith.addf %get3A_125, %get3A_129 : vector<16xf32>
      %mul3A_131 = arith.constant 16 : i32
      %mul3A_132 = arith.muli %scan3A_122, %mul3A_131 : i32
      %swap3A = arith.index_cast %mul3A_132 : i32 to index
      %swap3A_133 = tpu.vector_load %arg8[%swap3A] {strides = array<i32>} : memref<1280xf32, #tpu.memory_space<vmem>>, vector<16xf32>,
      tpu.vector_store %arg8[%swap3A], %add3A_130 {strides = array<i32>} : memref<1280xf32, #tpu.memory_space<vmem>>, vector<16xf32>,
    }
    %scan3A_93 = arith.constant 80 : i32
    %run_scoped3A_94 = arith.constant 12 : i32
    "tpu.region"() ({
      %run_scoped3A_122 = tpu.sem_alloc : memref<!tpu.dma_semaphore, #tpu.memory_space<semaphore_mem>>
      %dma_start3A = arith.constant 0 : i32
      %dma_start3A_123 = tpu.memref_slice %arg10[%run_scoped3A_94, %dma_start3A] : memref<16x20480xf32, #tpu.memory_space<vmem_shared>> -> memref<1x20480xf32, #tpu.memory_space<vmem_shared>>
      %dma_start3A_124 = tpu.memref_squeeze %dma_start3A_123 : memref<1x20480xf32, #tpu.memory_space<vmem_shared>> -> memref<20480xf32, #tpu.memory_space<vmem_shared>>
      %dma_start3A_125 = tpu.memref_slice %dma_start3A_124[%mul3A_16] : memref<20480xf32, #tpu.memory_space<vmem_shared>> -> memref<1280xf32, #tpu.memory_space<vmem_shared>>
      %dma_start3A_126 = arith.constant 0 : i32
      %dma_start3A_127 = tpu.memref_slice %arg10[%run_scoped3A_94, %dma_start3A_126] : memref<16x20480xf32, #tpu.memory_space<vmem_shared>> -> memref<1x20480xf32, #tpu.memory_space<vmem_shared>>
      %dma_start3A_128 = tpu.memref_squeeze %dma_start3A_127 : memref<1x20480xf32, #tpu.memory_space<vmem_shared>> -> memref<20480xf32, #tpu.memory_space<vmem_shared>>
      %dma_start3A_129 = tpu.memref_slice %dma_start3A_128[%mul3A_16] : memref<20480xf32, #tpu.memory_space<vmem_shared>> -> memref<1280xf32, #tpu.memory_space<vmem_shared>>
      tpu.enqueue_dma source(%dma_start3A_129 : memref<1280xf32, #tpu.memory_space<vmem_shared>>) target(%arg9 : memref<1280xf32, #tpu.memory_space<vmem>>) target_semaphore(%run_scoped3A_122 : memref<!tpu.dma_semaphore, #tpu.memory_space<semaphore_mem>>)
      %dma_wait3A = arith.constant 0 : i32
      %dma_wait3A_130 = tpu.memref_slice %arg10[%run_scoped3A_94, %dma_wait3A] : memref<16x20480xf32, #tpu.memory_space<vmem_shared>> -> memref<1x20480xf32, #tpu.memory_space<vmem_shared>>
      %dma_wait3A_131 = tpu.memref_squeeze %dma_wait3A_130 : memref<1x20480xf32, #tpu.memory_space<vmem_shared>> -> memref<20480xf32, #tpu.memory_space<vmem_shared>>
      %dma_wait3A_132 = tpu.memref_slice %dma_wait3A_131[%mul3A_16] : memref<20480xf32, #tpu.memory_space<vmem_shared>> -> memref<1280xf32, #tpu.memory_space<vmem_shared>>
      %dma_wait3A_133 = arith.constant 0 : i32
      %dma_wait3A_134 = tpu.memref_slice %arg10[%run_scoped3A_94, %dma_wait3A_133] : memref<16x20480xf32, #tpu.memory_space<vmem_shared>> -> memref<1x20480xf32, #tpu.memory_space<vmem_shared>>
      %dma_wait3A_135 = tpu.memref_squeeze %dma_wait3A_134 : memref<1x20480xf32, #tpu.memory_space<vmem_shared>> -> memref<20480xf32, #tpu.memory_space<vmem_shared>>
      %dma_wait3A_136 = tpu.memref_slice %dma_wait3A_135[%mul3A_16] : memref<20480xf32, #tpu.memory_space<vmem_shared>> -> memref<1280xf32, #tpu.memory_space<vmem_shared>>
      tpu.wait_dma2 semaphore(%run_scoped3A_122 : memref<!tpu.dma_semaphore, #tpu.memory_space<semaphore_mem>>) src(%dma_wait3A_136 : memref<1280xf32, #tpu.memory_space<vmem_shared>>) dst(%arg9 : memref<1280xf32, #tpu.memory_space<vmem>>)
      tpu.yield
    }) : () -> ()
    %scan3A_95 = arith.constant 0 : i32
    %scan3A_96 = arith.constant 0 : i32
    %scan3A_97 = arith.constant 80 : i32
    %scan3A_98 = arith.addi %scan3A_96, %scan3A_97 : i32
    %scan3A_99 = arith.constant 1 : i32
    scf.for %scan3A_122 = %scan3A_96 to %scan3A_98 step %scan3A_99  : i32 {
      %mul3A_123 = arith.constant 16 : i32
      %mul3A_124 = arith.muli %scan3A_122, %mul3A_123 : i32
      %get3A = arith.index_cast %mul3A_124 : i32 to index
      %get3A_125 = tpu.vector_load %arg8[%get3A] {strides = array<i32>} : memref<1280xf32, #tpu.memory_space<vmem>>, vector<16xf32>,
      %mul3A_126 = arith.constant 16 : i32
      %mul3A_127 = arith.muli %scan3A_122, %mul3A_126 : i32
      %get3A_128 = arith.index_cast %mul3A_127 : i32 to index
      %get3A_129 = tpu.vector_load %arg9[%get3A_128] {strides = array<i32>} : memref<1280xf32, #tpu.memory_space<vmem>>, vector<16xf32>,
      %add3A_130 = arith.addf %get3A_125, %get3A_129 : vector<16xf32>
      %mul3A_131 = arith.constant 16 : i32
      %mul3A_132 = arith.muli %scan3A_122, %mul3A_131 : i32
      %swap3A = arith.index_cast %mul3A_132 : i32 to index
      %swap3A_133 = tpu.vector_load %arg8[%swap3A] {strides = array<i32>} : memref<1280xf32, #tpu.memory_space<vmem>>, vector<16xf32>,
      tpu.vector_store %arg8[%swap3A], %add3A_130 {strides = array<i32>} : memref<1280xf32, #tpu.memory_space<vmem>>, vector<16xf32>,
    }
    %scan3A_100 = arith.constant 80 : i32
    %run_scoped3A_101 = arith.constant 13 : i32
    "tpu.region"() ({
      %run_scoped3A_122 = tpu.sem_alloc : memref<!tpu.dma_semaphore, #tpu.memory_space<semaphore_mem>>
      %dma_start3A = arith.constant 0 : i32
      %dma_start3A_123 = tpu.memref_slice %arg10[%run_scoped3A_101, %dma_start3A] : memref<16x20480xf32, #tpu.memory_space<vmem_shared>> -> memref<1x20480xf32, #tpu.memory_space<vmem_shared>>
      %dma_start3A_124 = tpu.memref_squeeze %dma_start3A_123 : memref<1x20480xf32, #tpu.memory_space<vmem_shared>> -> memref<20480xf32, #tpu.memory_space<vmem_shared>>
      %dma_start3A_125 = tpu.memref_slice %dma_start3A_124[%mul3A_16] : memref<20480xf32, #tpu.memory_space<vmem_shared>> -> memref<1280xf32, #tpu.memory_space<vmem_shared>>
      %dma_start3A_126 = arith.constant 0 : i32
      %dma_start3A_127 = tpu.memref_slice %arg10[%run_scoped3A_101, %dma_start3A_126] : memref<16x20480xf32, #tpu.memory_space<vmem_shared>> -> memref<1x20480xf32, #tpu.memory_space<vmem_shared>>
      %dma_start3A_128 = tpu.memref_squeeze %dma_start3A_127 : memref<1x20480xf32, #tpu.memory_space<vmem_shared>> -> memref<20480xf32, #tpu.memory_space<vmem_shared>>
      %dma_start3A_129 = tpu.memref_slice %dma_start3A_128[%mul3A_16] : memref<20480xf32, #tpu.memory_space<vmem_shared>> -> memref<1280xf32, #tpu.memory_space<vmem_shared>>
      tpu.enqueue_dma source(%dma_start3A_129 : memref<1280xf32, #tpu.memory_space<vmem_shared>>) target(%arg9 : memref<1280xf32, #tpu.memory_space<vmem>>) target_semaphore(%run_scoped3A_122 : memref<!tpu.dma_semaphore, #tpu.memory_space<semaphore_mem>>)
      %dma_wait3A = arith.constant 0 : i32
      %dma_wait3A_130 = tpu.memref_slice %arg10[%run_scoped3A_101, %dma_wait3A] : memref<16x20480xf32, #tpu.memory_space<vmem_shared>> -> memref<1x20480xf32, #tpu.memory_space<vmem_shared>>
      %dma_wait3A_131 = tpu.memref_squeeze %dma_wait3A_130 : memref<1x20480xf32, #tpu.memory_space<vmem_shared>> -> memref<20480xf32, #tpu.memory_space<vmem_shared>>
      %dma_wait3A_132 = tpu.memref_slice %dma_wait3A_131[%mul3A_16] : memref<20480xf32, #tpu.memory_space<vmem_shared>> -> memref<1280xf32, #tpu.memory_space<vmem_shared>>
      %dma_wait3A_133 = arith.constant 0 : i32
      %dma_wait3A_134 = tpu.memref_slice %arg10[%run_scoped3A_101, %dma_wait3A_133] : memref<16x20480xf32, #tpu.memory_space<vmem_shared>> -> memref<1x20480xf32, #tpu.memory_space<vmem_shared>>
      %dma_wait3A_135 = tpu.memref_squeeze %dma_wait3A_134 : memref<1x20480xf32, #tpu.memory_space<vmem_shared>> -> memref<20480xf32, #tpu.memory_space<vmem_shared>>
      %dma_wait3A_136 = tpu.memref_slice %dma_wait3A_135[%mul3A_16] : memref<20480xf32, #tpu.memory_space<vmem_shared>> -> memref<1280xf32, #tpu.memory_space<vmem_shared>>
      tpu.wait_dma2 semaphore(%run_scoped3A_122 : memref<!tpu.dma_semaphore, #tpu.memory_space<semaphore_mem>>) src(%dma_wait3A_136 : memref<1280xf32, #tpu.memory_space<vmem_shared>>) dst(%arg9 : memref<1280xf32, #tpu.memory_space<vmem>>)
      tpu.yield
    }) : () -> ()
    %scan3A_102 = arith.constant 0 : i32
    %scan3A_103 = arith.constant 0 : i32
    %scan3A_104 = arith.constant 80 : i32
    %scan3A_105 = arith.addi %scan3A_103, %scan3A_104 : i32
    %scan3A_106 = arith.constant 1 : i32
    scf.for %scan3A_122 = %scan3A_103 to %scan3A_105 step %scan3A_106  : i32 {
      %mul3A_123 = arith.constant 16 : i32
      %mul3A_124 = arith.muli %scan3A_122, %mul3A_123 : i32
      %get3A = arith.index_cast %mul3A_124 : i32 to index
      %get3A_125 = tpu.vector_load %arg8[%get3A] {strides = array<i32>} : memref<1280xf32, #tpu.memory_space<vmem>>, vector<16xf32>,
      %mul3A_126 = arith.constant 16 : i32
      %mul3A_127 = arith.muli %scan3A_122, %mul3A_126 : i32
      %get3A_128 = arith.index_cast %mul3A_127 : i32 to index
      %get3A_129 = tpu.vector_load %arg9[%get3A_128] {strides = array<i32>} : memref<1280xf32, #tpu.memory_space<vmem>>, vector<16xf32>,
      %add3A_130 = arith.addf %get3A_125, %get3A_129 : vector<16xf32>
      %mul3A_131 = arith.constant 16 : i32
      %mul3A_132 = arith.muli %scan3A_122, %mul3A_131 : i32
      %swap3A = arith.index_cast %mul3A_132 : i32 to index
      %swap3A_133 = tpu.vector_load %arg8[%swap3A] {strides = array<i32>} : memref<1280xf32, #tpu.memory_space<vmem>>, vector<16xf32>,
      tpu.vector_store %arg8[%swap3A], %add3A_130 {strides = array<i32>} : memref<1280xf32, #tpu.memory_space<vmem>>, vector<16xf32>,
    }
    %scan3A_107 = arith.constant 80 : i32
    %run_scoped3A_108 = arith.constant 14 : i32
    "tpu.region"() ({
      %run_scoped3A_122 = tpu.sem_alloc : memref<!tpu.dma_semaphore, #tpu.memory_space<semaphore_mem>>
      %dma_start3A = arith.constant 0 : i32
      %dma_start3A_123 = tpu.memref_slice %arg10[%run_scoped3A_108, %dma_start3A] : memref<16x20480xf32, #tpu.memory_space<vmem_shared>> -> memref<1x20480xf32, #tpu.memory_space<vmem_shared>>
      %dma_start3A_124 = tpu.memref_squeeze %dma_start3A_123 : memref<1x20480xf32, #tpu.memory_space<vmem_shared>> -> memref<20480xf32, #tpu.memory_space<vmem_shared>>
      %dma_start3A_125 = tpu.memref_slice %dma_start3A_124[%mul3A_16] : memref<20480xf32, #tpu.memory_space<vmem_shared>> -> memref<1280xf32, #tpu.memory_space<vmem_shared>>
      %dma_start3A_126 = arith.constant 0 : i32
      %dma_start3A_127 = tpu.memref_slice %arg10[%run_scoped3A_108, %dma_start3A_126] : memref<16x20480xf32, #tpu.memory_space<vmem_shared>> -> memref<1x20480xf32, #tpu.memory_space<vmem_shared>>
      %dma_start3A_128 = tpu.memref_squeeze %dma_start3A_127 : memref<1x20480xf32, #tpu.memory_space<vmem_shared>> -> memref<20480xf32, #tpu.memory_space<vmem_shared>>
      %dma_start3A_129 = tpu.memref_slice %dma_start3A_128[%mul3A_16] : memref<20480xf32, #tpu.memory_space<vmem_shared>> -> memref<1280xf32, #tpu.memory_space<vmem_shared>>
      tpu.enqueue_dma source(%dma_start3A_129 : memref<1280xf32, #tpu.memory_space<vmem_shared>>) target(%arg9 : memref<1280xf32, #tpu.memory_space<vmem>>) target_semaphore(%run_scoped3A_122 : memref<!tpu.dma_semaphore, #tpu.memory_space<semaphore_mem>>)
      %dma_wait3A = arith.constant 0 : i32
      %dma_wait3A_130 = tpu.memref_slice %arg10[%run_scoped3A_108, %dma_wait3A] : memref<16x20480xf32, #tpu.memory_space<vmem_shared>> -> memref<1x20480xf32, #tpu.memory_space<vmem_shared>>
      %dma_wait3A_131 = tpu.memref_squeeze %dma_wait3A_130 : memref<1x20480xf32, #tpu.memory_space<vmem_shared>> -> memref<20480xf32, #tpu.memory_space<vmem_shared>>
      %dma_wait3A_132 = tpu.memref_slice %dma_wait3A_131[%mul3A_16] : memref<20480xf32, #tpu.memory_space<vmem_shared>> -> memref<1280xf32, #tpu.memory_space<vmem_shared>>
      %dma_wait3A_133 = arith.constant 0 : i32
      %dma_wait3A_134 = tpu.memref_slice %arg10[%run_scoped3A_108, %dma_wait3A_133] : memref<16x20480xf32, #tpu.memory_space<vmem_shared>> -> memref<1x20480xf32, #tpu.memory_space<vmem_shared>>
      %dma_wait3A_135 = tpu.memref_squeeze %dma_wait3A_134 : memref<1x20480xf32, #tpu.memory_space<vmem_shared>> -> memref<20480xf32, #tpu.memory_space<vmem_shared>>
      %dma_wait3A_136 = tpu.memref_slice %dma_wait3A_135[%mul3A_16] : memref<20480xf32, #tpu.memory_space<vmem_shared>> -> memref<1280xf32, #tpu.memory_space<vmem_shared>>
      tpu.wait_dma2 semaphore(%run_scoped3A_122 : memref<!tpu.dma_semaphore, #tpu.memory_space<semaphore_mem>>) src(%dma_wait3A_136 : memref<1280xf32, #tpu.memory_space<vmem_shared>>) dst(%arg9 : memref<1280xf32, #tpu.memory_space<vmem>>)
      tpu.yield
    }) : () -> ()
    %scan3A_109 = arith.constant 0 : i32
    %scan3A_110 = arith.constant 0 : i32
    %scan3A_111 = arith.constant 80 : i32
    %scan3A_112 = arith.addi %scan3A_110, %scan3A_111 : i32
    %scan3A_113 = arith.constant 1 : i32
    scf.for %scan3A_122 = %scan3A_110 to %scan3A_112 step %scan3A_113  : i32 {
      %mul3A_123 = arith.constant 16 : i32
      %mul3A_124 = arith.muli %scan3A_122, %mul3A_123 : i32
      %get3A = arith.index_cast %mul3A_124 : i32 to index
      %get3A_125 = tpu.vector_load %arg8[%get3A] {strides = array<i32>} : memref<1280xf32, #tpu.memory_space<vmem>>, vector<16xf32>,
      %mul3A_126 = arith.constant 16 : i32
      %mul3A_127 = arith.muli %scan3A_122, %mul3A_126 : i32
      %get3A_128 = arith.index_cast %mul3A_127 : i32 to index
      %get3A_129 = tpu.vector_load %arg9[%get3A_128] {strides = array<i32>} : memref<1280xf32, #tpu.memory_space<vmem>>, vector<16xf32>,
      %add3A_130 = arith.addf %get3A_125, %get3A_129 : vector<16xf32>
      %mul3A_131 = arith.constant 16 : i32
      %mul3A_132 = arith.muli %scan3A_122, %mul3A_131 : i32
      %swap3A = arith.index_cast %mul3A_132 : i32 to index
      %swap3A_133 = tpu.vector_load %arg8[%swap3A] {strides = array<i32>} : memref<1280xf32, #tpu.memory_space<vmem>>, vector<16xf32>,
      tpu.vector_store %arg8[%swap3A], %add3A_130 {strides = array<i32>} : memref<1280xf32, #tpu.memory_space<vmem>>, vector<16xf32>,
    }
    %scan3A_114 = arith.constant 80 : i32
    %run_scoped3A_115 = arith.constant 15 : i32
    "tpu.region"() ({
      %run_scoped3A_122 = tpu.sem_alloc : memref<!tpu.dma_semaphore, #tpu.memory_space<semaphore_mem>>
      %dma_start3A = arith.constant 0 : i32
      %dma_start3A_123 = tpu.memref_slice %arg10[%run_scoped3A_115, %dma_start3A] : memref<16x20480xf32, #tpu.memory_space<vmem_shared>> -> memref<1x20480xf32, #tpu.memory_space<vmem_shared>>
      %dma_start3A_124 = tpu.memref_squeeze %dma_start3A_123 : memref<1x20480xf32, #tpu.memory_space<vmem_shared>> -> memref<20480xf32, #tpu.memory_space<vmem_shared>>
      %dma_start3A_125 = tpu.memref_slice %dma_start3A_124[%mul3A_16] : memref<20480xf32, #tpu.memory_space<vmem_shared>> -> memref<1280xf32, #tpu.memory_space<vmem_shared>>
      %dma_start3A_126 = arith.constant 0 : i32
      %dma_start3A_127 = tpu.memref_slice %arg10[%run_scoped3A_115, %dma_start3A_126] : memref<16x20480xf32, #tpu.memory_space<vmem_shared>> -> memref<1x20480xf32, #tpu.memory_space<vmem_shared>>
      %dma_start3A_128 = tpu.memref_squeeze %dma_start3A_127 : memref<1x20480xf32, #tpu.memory_space<vmem_shared>> -> memref<20480xf32, #tpu.memory_space<vmem_shared>>
      %dma_start3A_129 = tpu.memref_slice %dma_start3A_128[%mul3A_16] : memref<20480xf32, #tpu.memory_space<vmem_shared>> -> memref<1280xf32, #tpu.memory_space<vmem_shared>>
      tpu.enqueue_dma source(%dma_start3A_129 : memref<1280xf32, #tpu.memory_space<vmem_shared>>) target(%arg9 : memref<1280xf32, #tpu.memory_space<vmem>>) target_semaphore(%run_scoped3A_122 : memref<!tpu.dma_semaphore, #tpu.memory_space<semaphore_mem>>)
      %dma_wait3A = arith.constant 0 : i32
      %dma_wait3A_130 = tpu.memref_slice %arg10[%run_scoped3A_115, %dma_wait3A] : memref<16x20480xf32, #tpu.memory_space<vmem_shared>> -> memref<1x20480xf32, #tpu.memory_space<vmem_shared>>
      %dma_wait3A_131 = tpu.memref_squeeze %dma_wait3A_130 : memref<1x20480xf32, #tpu.memory_space<vmem_shared>> -> memref<20480xf32, #tpu.memory_space<vmem_shared>>
      %dma_wait3A_132 = tpu.memref_slice %dma_wait3A_131[%mul3A_16] : memref<20480xf32, #tpu.memory_space<vmem_shared>> -> memref<1280xf32, #tpu.memory_space<vmem_shared>>
      %dma_wait3A_133 = arith.constant 0 : i32
      %dma_wait3A_134 = tpu.memref_slice %arg10[%run_scoped3A_115, %dma_wait3A_133] : memref<16x20480xf32, #tpu.memory_space<vmem_shared>> -> memref<1x20480xf32, #tpu.memory_space<vmem_shared>>
      %dma_wait3A_135 = tpu.memref_squeeze %dma_wait3A_134 : memref<1x20480xf32, #tpu.memory_space<vmem_shared>> -> memref<20480xf32, #tpu.memory_space<vmem_shared>>
      %dma_wait3A_136 = tpu.memref_slice %dma_wait3A_135[%mul3A_16] : memref<20480xf32, #tpu.memory_space<vmem_shared>> -> memref<1280xf32, #tpu.memory_space<vmem_shared>>
      tpu.wait_dma2 semaphore(%run_scoped3A_122 : memref<!tpu.dma_semaphore, #tpu.memory_space<semaphore_mem>>) src(%dma_wait3A_136 : memref<1280xf32, #tpu.memory_space<vmem_shared>>) dst(%arg9 : memref<1280xf32, #tpu.memory_space<vmem>>)
      tpu.yield
    }) : () -> ()
    %scan3A_116 = arith.constant 0 : i32
    %scan3A_117 = arith.constant 0 : i32
    %scan3A_118 = arith.constant 80 : i32
    %scan3A_119 = arith.addi %scan3A_117, %scan3A_118 : i32
    %scan3A_120 = arith.constant 1 : i32
    scf.for %scan3A_122 = %scan3A_117 to %scan3A_119 step %scan3A_120  : i32 {
      %mul3A_123 = arith.constant 16 : i32
      %mul3A_124 = arith.muli %scan3A_122, %mul3A_123 : i32
      %get3A = arith.index_cast %mul3A_124 : i32 to index
      %get3A_125 = tpu.vector_load %arg8[%get3A] {strides = array<i32>} : memref<1280xf32, #tpu.memory_space<vmem>>, vector<16xf32>,
      %mul3A_126 = arith.constant 16 : i32
      %mul3A_127 = arith.muli %scan3A_122, %mul3A_126 : i32
      %get3A_128 = arith.index_cast %mul3A_127 : i32 to index
      %get3A_129 = tpu.vector_load %arg9[%get3A_128] {strides = array<i32>} : memref<1280xf32, #tpu.memory_space<vmem>>, vector<16xf32>,
      %add3A_130 = arith.addf %get3A_125, %get3A_129 : vector<16xf32>
      %mul3A_131 = arith.constant 16 : i32
      %mul3A_132 = arith.muli %scan3A_122, %mul3A_131 : i32
      %swap3A = arith.index_cast %mul3A_132 : i32 to index
      %swap3A_133 = tpu.vector_load %arg8[%swap3A] {strides = array<i32>} : memref<1280xf32, #tpu.memory_space<vmem>>, vector<16xf32>,
      tpu.vector_store %arg8[%swap3A], %add3A_130 {strides = array<i32>} : memref<1280xf32, #tpu.memory_space<vmem>>, vector<16xf32>,
    }
    %scan3A_121 = arith.constant 80 : i32
    "tpu.region"() ({
      %run_scoped3A_122 = tpu.sem_alloc : memref<!tpu.dma_semaphore, #tpu.memory_space<semaphore_mem>>
      %dma_start3A = arith.constant 0 : i32
      %dma_start3A_123 = tpu.memref_slice %arg4[%arg0, %dma_start3A] : memref<2x20480xf32, #tpu.memory_space<hbm>> -> memref<1x20480xf32, #tpu.memory_space<hbm>>
      %dma_start3A_124 = tpu.memref_squeeze %dma_start3A_123 : memref<1x20480xf32, #tpu.memory_space<hbm>> -> memref<20480xf32, #tpu.memory_space<hbm>>
      %dma_start3A_125 = tpu.memref_slice %dma_start3A_124[%mul3A_16] : memref<20480xf32, #tpu.memory_space<hbm>> -> memref<1280xf32, #tpu.memory_space<hbm>>
      %dma_start3A_126 = arith.constant 0 : i32
      %dma_start3A_127 = tpu.memref_slice %arg4[%arg0, %dma_start3A_126] : memref<2x20480xf32, #tpu.memory_space<hbm>> -> memref<1x20480xf32, #tpu.memory_space<hbm>>
      %dma_start3A_128 = tpu.memref_squeeze %dma_start3A_127 : memref<1x20480xf32, #tpu.memory_space<hbm>> -> memref<20480xf32, #tpu.memory_space<hbm>>
      %dma_start3A_129 = tpu.memref_slice %dma_start3A_128[%mul3A_16] : memref<20480xf32, #tpu.memory_space<hbm>> -> memref<1280xf32, #tpu.memory_space<hbm>>
      tpu.enqueue_dma source(%arg8 : memref<1280xf32, #tpu.memory_space<vmem>>) target(%dma_start3A_129 : memref<1280xf32, #tpu.memory_space<hbm>>) target_semaphore(%run_scoped3A_122 : memref<!tpu.dma_semaphore, #tpu.memory_space<semaphore_mem>>)
      %dma_wait3A = arith.constant 0 : i32
      %dma_wait3A_130 = tpu.memref_slice %arg4[%arg0, %dma_wait3A] : memref<2x20480xf32, #tpu.memory_space<hbm>> -> memref<1x20480xf32, #tpu.memory_space<hbm>>
      %dma_wait3A_131 = tpu.memref_squeeze %dma_wait3A_130 : memref<1x20480xf32, #tpu.memory_space<hbm>> -> memref<20480xf32, #tpu.memory_space<hbm>>
      %dma_wait3A_132 = tpu.memref_slice %dma_wait3A_131[%mul3A_16] : memref<20480xf32, #tpu.memory_space<hbm>> -> memref<1280xf32, #tpu.memory_space<hbm>>
      %dma_wait3A_133 = arith.constant 0 : i32
      %dma_wait3A_134 = tpu.memref_slice %arg4[%arg0, %dma_wait3A_133] : memref<2x20480xf32, #tpu.memory_space<hbm>> -> memref<1x20480xf32, #tpu.memory_space<hbm>>
      %dma_wait3A_135 = tpu.memref_squeeze %dma_wait3A_134 : memref<1x20480xf32, #tpu.memory_space<hbm>> -> memref<20480xf32, #tpu.memory_space<hbm>>
      %dma_wait3A_136 = tpu.memref_slice %dma_wait3A_135[%mul3A_16] : memref<20480xf32, #tpu.memory_space<hbm>> -> memref<1280xf32, #tpu.memory_space<hbm>>
      tpu.wait_dma2 semaphore(%run_scoped3A_122 : memref<!tpu.dma_semaphore, #tpu.memory_space<semaphore_mem>>) src(%arg8 : memref<1280xf32, #tpu.memory_space<vmem>>) dst(%dma_wait3A_136 : memref<1280xf32, #tpu.memory_space<hbm>>)
      tpu.yield
    }) : () -> ()
    return
  }
}

module attributes {stable_mosaic.version = 14 : i64} {
  func.func @_norm_body(%arg0: i32, %arg1: memref<1000x128xf32, #tpu.memory_space<vmem>>, %arg2: memref<2x1000x2xf32, #tpu.memory_space<vmem>>, %arg3: memref<1000x128xf32, #tpu.memory_space<vmem>>, %arg4: memref<1000x1xf32, #tpu.memory_space<vmem>>) attributes {dimension_semantics = [#tpu.dimension_semantics<arbitrary>], iteration_bounds = array<i64: 10>, scalar_prefetch = 0 : i64, scratch_operands = 0 : i64, tpu.core_type = #tpu.core_type<tc>, window_params = [{transform_indices = @transform_0, window_bounds = array<i64: 1000, 128>}, {transform_indices = @transform_1, window_bounds = array<i64: 2, 1000, 2>}, {transform_indices = @transform_2, window_bounds = array<i64: 1000, 128>}, {transform_indices = @transform_3, window_bounds = array<i64: 1000, 1>}]} {
    %get3A = arith.constant 0 : index
    %get3A_0 = arith.constant 0 : index
    %get3A_1 = arith.constant 0 : index
    %get3A_2 = vector.load %arg2[%get3A, %get3A_0, %get3A_1] : memref<2x1000x2xf32, #tpu.memory_space<vmem>>, vector<1x1000x2xf32>
    %get3A_3 = vector.shape_cast %get3A_2 : vector<1x1000x2xf32> to vector<1000x2xf32>
    %get3A_4 = arith.constant 1 : index
    %get3A_5 = arith.constant 0 : index
    %get3A_6 = arith.constant 0 : index
    %get3A_7 = vector.load %arg2[%get3A_4, %get3A_5, %get3A_6] : memref<2x1000x2xf32, #tpu.memory_space<vmem>>, vector<1x1000x2xf32>
    %get3A_8 = vector.shape_cast %get3A_7 : vector<1x1000x2xf32> to vector<1000x2xf32>
    %add3A = arith.addf %get3A_3, %get3A_8 : vector<1000x2xf32>
    %max3A = arith.constant 1.000000e+00 : f32
    %max3A_9 = vector.broadcast %max3A : f32 to vector<1000x2xf32>
    %max3A_10 = arith.maximumf %add3A, %max3A_9 : vector<1000x2xf32>
    %rsqrt3A = math.rsqrt %max3A_10 : vector<1000x2xf32>
    %get3A_11 = arith.constant 0 : index
    %get3A_12 = arith.constant 0 : index
    %get3A_13 = vector.load %arg1[%get3A_11, %get3A_12] : memref<1000x128xf32, #tpu.memory_space<vmem>>, vector<1000x128xf32>
    %slice3A = vector.extract_strided_slice %rsqrt3A {offsets = [0, 0], sizes = [1000, 1], strides = [1, 1]} : vector<1000x2xf32> to vector<1000x1xf32>
    %mul3A = vector.broadcast %slice3A : vector<1000x1xf32> to vector<1000x128xf32>
    %mul3A_14 = arith.mulf %get3A_13, %mul3A : vector<1000x128xf32>
    %swap3A = arith.constant 0 : index
    %swap3A_15 = arith.constant 0 : index
    %swap3A_16 = vector.load %arg3[%swap3A, %swap3A_15] : memref<1000x128xf32, #tpu.memory_space<vmem>>, vector<1000x128xf32>
    tpu.vector_store %arg3[%swap3A, %swap3A_15], %mul3A_14 {strides = array<i32>} : memref<1000x128xf32, #tpu.memory_space<vmem>>, vector<1000x128xf32>,
    %slice3A_17 = vector.extract_strided_slice %rsqrt3A {offsets = [0, 1], sizes = [1000, 1], strides = [1, 1]} : vector<1000x2xf32> to vector<1000x1xf32>
    %swap3A_18 = arith.constant 0 : index
    %swap3A_19 = arith.constant 0 : index
    %swap3A_20 = vector.load %arg4[%swap3A_18, %swap3A_19] : memref<1000x1xf32, #tpu.memory_space<vmem>>, vector<1000x1xf32>
    tpu.vector_store %arg4[%swap3A_18, %swap3A_19], %slice3A_17 {strides = array<i32>} : memref<1000x1xf32, #tpu.memory_space<vmem>>, vector<1000x1xf32>,
    return
  }
  func.func @transform_0(%arg0: i32) -> (i32, i32) {
    %c0_i32 = arith.constant 0 : i32
    %c0_i32_0 = arith.constant 0 : i32
    return %arg0, %c0_i32 : i32, i32
  }
  func.func @transform_1(%arg0: i32) -> (i32, i32, i32) {
    %c0_i32 = arith.constant 0 : i32
    %c0_i32_0 = arith.constant 0 : i32
    %c0_i32_1 = arith.constant 0 : i32
    return %c0_i32, %arg0, %c0_i32_0 : i32, i32, i32
  }
  func.func @transform_2(%arg0: i32) -> (i32, i32) {
    %c0_i32 = arith.constant 0 : i32
    %c0_i32_0 = arith.constant 0 : i32
    return %arg0, %c0_i32 : i32, i32
  }
  func.func @transform_3(%arg0: i32) -> (i32, i32) {
    %c0_i32 = arith.constant 0 : i32
    %c0_i32_0 = arith.constant 0 : i32
    return %arg0, %c0_i32 : i32, i32
  }
}

module attributes {stable_mosaic.version = 14 : i64} {
  func.func @_out_body(%arg0: i32, %arg1: memref<2x1000x128xf32, #tpu.memory_space<vmem>>, %arg2: memref<1000x1xf32, #tpu.memory_space<vmem>>, %arg3: memref<128x128xf32, #tpu.memory_space<vmem>>, %arg4: memref<1x128xf32, #tpu.memory_space<vmem>>, %arg5: memref<1000x128xf32, #tpu.memory_space<vmem>>) attributes {dimension_semantics = [#tpu.dimension_semantics<arbitrary>], iteration_bounds = array<i64: 10>, scalar_prefetch = 0 : i64, scratch_operands = 0 : i64, tpu.core_type = #tpu.core_type<tc>, window_params = [{transform_indices = @transform_0, window_bounds = array<i64: 2, 1000, 128>}, {transform_indices = @transform_1, window_bounds = array<i64: 1000, 1>}, {pipeline_mode = #tpu.pipeline_mode<synchronous>, transform_indices = @transform_2, window_bounds = array<i64: 128, 128>}, {pipeline_mode = #tpu.pipeline_mode<synchronous>, transform_indices = @transform_3, window_bounds = array<i64: 1, 128>}, {transform_indices = @transform_4, window_bounds = array<i64: 1000, 128>}]} {
    %get3A = arith.constant 0 : index
    %get3A_0 = arith.constant 0 : index
    %get3A_1 = arith.constant 0 : index
    %get3A_2 = vector.load %arg1[%get3A, %get3A_0, %get3A_1] : memref<2x1000x128xf32, #tpu.memory_space<vmem>>, vector<1x1000x128xf32>
    %get3A_3 = vector.shape_cast %get3A_2 : vector<1x1000x128xf32> to vector<1000x128xf32>
    %get3A_4 = arith.constant 1 : index
    %get3A_5 = arith.constant 0 : index
    %get3A_6 = arith.constant 0 : index
    %get3A_7 = vector.load %arg1[%get3A_4, %get3A_5, %get3A_6] : memref<2x1000x128xf32, #tpu.memory_space<vmem>>, vector<1x1000x128xf32>
    %get3A_8 = vector.shape_cast %get3A_7 : vector<1x1000x128xf32> to vector<1000x128xf32>
    %add3A = arith.addf %get3A_3, %get3A_8 : vector<1000x128xf32>
    %get3A_9 = arith.constant 0 : index
    %get3A_10 = arith.constant 0 : index
    %get3A_11 = vector.load %arg2[%get3A_9, %get3A_10] : memref<1000x1xf32, #tpu.memory_space<vmem>>, vector<1000x1xf32>
    %mul3A = vector.broadcast %get3A_11 : vector<1000x1xf32> to vector<1000x128xf32>
    %mul3A_12 = arith.mulf %add3A, %mul3A : vector<1000x128xf32>
    %get3A_13 = arith.constant 0 : index
    %get3A_14 = arith.constant 0 : index
    %get3A_15 = vector.load %arg3[%get3A_13, %get3A_14] : memref<128x128xf32, #tpu.memory_space<vmem>>, vector<128x128xf32>
    %dot_general3A = arith.constant dense<0.000000e+00> : vector<1000x128xf32>
    %dot_general3A_16 = tpu.matmul %mul3A_12, %get3A_15, %dot_general3A {dimension_numbers = #tpu.dot_dimension_numbers<[1], [0], [0], [1], [0, 0, 1, 1], [], []>, transpose_lhs_hint = false} : vector<1000x128xf32>, vector<128x128xf32>, vector<1000x128xf32> -> vector<1000x128xf32>
    %get3A_17 = arith.constant 0 : index
    %get3A_18 = arith.constant 0 : index
    %get3A_19 = vector.load %arg4[%get3A_17, %get3A_18] : memref<1x128xf32, #tpu.memory_space<vmem>>, vector<1x128xf32>
    %add3A_20 = vector.broadcast %get3A_19 : vector<1x128xf32> to vector<1000x128xf32>
    %add3A_21 = arith.addf %dot_general3A_16, %add3A_20 : vector<1000x128xf32>
    %swap3A = arith.constant 0 : index
    %swap3A_22 = arith.constant 0 : index
    %swap3A_23 = vector.load %arg5[%swap3A, %swap3A_22] : memref<1000x128xf32, #tpu.memory_space<vmem>>, vector<1000x128xf32>
    tpu.vector_store %arg5[%swap3A, %swap3A_22], %add3A_21 {strides = array<i32>} : memref<1000x128xf32, #tpu.memory_space<vmem>>, vector<1000x128xf32>,
    return
  }
  func.func @transform_0(%arg0: i32) -> (i32, i32, i32) {
    %c0_i32 = arith.constant 0 : i32
    %c0_i32_0 = arith.constant 0 : i32
    %c0_i32_1 = arith.constant 0 : i32
    return %c0_i32, %arg0, %c0_i32_0 : i32, i32, i32
  }
  func.func @transform_1(%arg0: i32) -> (i32, i32) {
    %c0_i32 = arith.constant 0 : i32
    %c0_i32_0 = arith.constant 0 : i32
    return %arg0, %c0_i32 : i32, i32
  }
  func.func @transform_2(%arg0: i32) -> (i32, i32) {
    %c0_i32 = arith.constant 0 : i32
    %c0_i32_0 = arith.constant 0 : i32
    %c0_i32_1 = arith.constant 0 : i32
    return %c0_i32, %c0_i32_0 : i32, i32
  }
  func.func @transform_3(%arg0: i32) -> (i32, i32) {
    %c0_i32 = arith.constant 0 : i32
    %c0_i32_0 = arith.constant 0 : i32
    %c0_i32_1 = arith.constant 0 : i32
    return %c0_i32, %c0_i32_0 : i32, i32
  }
  func.func @transform_4(%arg0: i32) -> (i32, i32) {
    %c0_i32 = arith.constant 0 : i32
    %c0_i32_0 = arith.constant 0 : i32
    return %arg0, %c0_i32 : i32, i32
  }
}

</mosaic_0001>

<sc_bundles>
// kernel: kernel.6.cloned.1.call-start
scs
__scs_entry_jumppad:
0x0: {  	(pc) =	sbr.rel $0x88, $3  }
0x1: {  	(tag) =	ssettag $0x0;
	lr =	simm.s32 $0x1  }
0x2: {  	[smem:$0x3F9D] =	sst lr;
	_ =	strace $0xD0000000  }
0x3: {  	_ = 	snop  }
0x4: {  	_ = 	snop  }
0x5: {  	_ = 	snop  }
0x6: {  	_ = 	snop  }
0x7: {  	_ = 	snop  }
__scs_overlays_trampoline_lowered:
0x8: {  	[smem:$0x3FAC] =	sst s0  }
0x9: {  	[smem:$0x3FAD] =	sst s1  }
0xa: {  	[smem:$0x3FAE] =	sst s2  }
0xb: {  	[smem:$0x3FAF] =	sst s3  }
0xc: {  	[smem:$0x3FB0] =	sst s4  }
0xd: {  	[smem:$0x3FB1] =	sst s5  }
0xe: {  	[smem:$0x3FB2] =	sst s6  }
0xf: {  	[smem:$0x3FB3] =	sst s7  }
0x10: {  	[smem:$0x3FB4] =	sst s8  }
0x11: {  	[smem:$0x3FB5] =	sst s9;
	s0 =	simm.s32 @!p0 $0x0  }
0x12: {  	s1 =	sld [smem:$0x3F9B];
	s0 =	simm.s32 @p0 $0x1  }
0x13: {  	[smem:$0x3FB6] =	sst s0;
	s0 =	simm.s32 @!p1 $0x0  }
0x14: {  	s2 =	sld [smem:$0x3F9A];
	s0 =	simm.s32 @p1 $0x1  }
0x15: {  	[smem:$0x3FB7] =	sst s0;
	s0 =	simm.s32 @!p2 $0x0  }
0x16: {  	s3 =	sld [smem:$0x3FDB];
	s0 =	simm.s32 @p2 $0x1  }
0x17: {  	s4 =	simm.s32 $0x1BF5;
	[smem:$0x3FB9] =	sst s0  }
0x18: {  	s0 =	sld [smem:$0x3F9C];
	_ =	swait.ge [sflag:s4], $0x0  }
0x19: {  	s7 =	sld [smem:$0x3F9D]  }
0x1a: {  	s8 =	sadd.s32 $0xFFFFE003, lr  }
0x1b: {  	s9 =	sadd.s32 $0xFFFFFEF7, lr;
	s5 =	simm.s32 $0xFFFFFFFF;
	p2 =	slt.u32 s8, $0xFFFFF086  }
0x1c: {  	p1 =	slt.u32 s9, $0xF7A;
	s5 =	simm.s32 @!p2 $0x0  }
0x1d: {  	s5 =	simm.s32 @p1 $0x1;
	p0 =	seq.s32 s7, s2  }
0x1e: {  	s7 =	smul.u32 @!p0 $0xF7A, s2;
	p2 =	seq.s32 @!p0 s5, $0x0  }
0x1f: {  	s9 =	smul.u32 $0xF7A, s1;
	s8 =	simm.s32 @!p0 $0x1BF5;
	p2 =	por !p2, p0  }
0x20: {  	[sflag:s8] =	ssyncset.s32 @!p0 $0xFFFFF086;
	s6 =	sadd.s32 @!p0 s3, s7;
	s7 =	simm.s32 @!p0 $0x108  }
0x21: {  	s3 =	sadd.s32 s3, s9;
	s6 =	sadd.s32 @!p0 $0x88, s6;
	s7 =	simm.s32 @p2 $0x1082  }
0x22: {  	[simem:s7], [sflag:s8] =	dma.local @!p0 [hbm:s6], $0xF7A  }
0x23: {  	s9 =	sor.u32 $0xD0000000, s2;
	s6 =	simm.s32 $0x108;
	_ =	swait.ge @!p0 [sflag:s8], $0x0  }
0x24: {  	s3 =	sadd.s32 $0x88, s3;
	s6 =	simm.s32 @!p1 $0x1082;
	[sflag:s4] =	ssyncset.s32 $0xFFFFF086  }
0x25: {  	[simem:s6], [sflag:s4] =	dma.local [hbm:s3], $0xF7A  }
0x26: {  	[smem:$0x3F9D] =	sst s1;
	(tag) =	ssettag s2;
	_ =	strace s9  }
0x27: {  	s1 =	sld [smem:$0x3FAD]  }
0x28: {  	s2 =	sld [smem:$0x3FAE]  }
0x29: {  	s4 =	sld [smem:$0x3FB0]  }
0x2a: {  	p0 =	seq.s32 s5, $0x0;
	s5 =	sld [smem:$0x3FB1]  }
0x2b: {  	s6 =	sld [smem:$0x3FB2]  }
0x2c: {  	s7 =	sld [smem:$0x3FB3]  }
0x2d: {  	s3 =	simm.s32 $0x108;
	s8 =	sld [smem:$0x3FB4]  }
0x2e: {  	s3 =	simm.s32 @!p0 $0x1082;
	s9 =	sld [smem:$0x3FB5]  }
0x2f: {  	lr =	sadd.s32 s0, s3;
	s0 =	sld [smem:$0x3FAC]  }
0x30: {  	s3 =	sld [smem:$0x3FAF]  }
0x31: {  	[smem:$0x3FB8] =	sst s10  }
0x32: {  	s10 =	sld [smem:$0x3FB6];
	_ =	sdelay $0x3  }
0x33: {  	p0 =	seq.s32 s10, $0x1;
	s10 =	sld [smem:$0x3FB8];
	_ =	sdelay $0x3  }
0x34: {  	[smem:$0x3FB8] =	sst s10  }
0x35: {  	s10 =	sld [smem:$0x3FB7];
	_ =	sdelay $0x3  }
0x36: {  	p1 =	seq.s32 s10, $0x1;
	s10 =	sld [smem:$0x3FB8];
	_ =	sdelay $0x3  }
0x37: {  	[smem:$0x3FB8] =	sst s10  }
0x38: {  	s10 =	sld [smem:$0x3FB9]  }
0x39: {  	_ = 	snop;
	(pc) =	sbr.ind lr, $3  }
0x3a: {  	_ = 	snop  }
0x3b: {  	_ = 	snop  }
0x3c: {  	p2 =	seq.s32 s10, $0x1;
	s10 =	sld [smem:$0x3FB8]  }
0x3d: {  	_ =	shalt  }
0x3e: {  	_ =	shalt  }
0x3f: {  	_ =	shalt  }
0x40: {  	_ =	shalt  }
0x41: {  	_ =	shalt  }
0x42: {  	_ =	shalt  }
0x43: {  	_ =	shalt  }
0x44: {  	_ =	shalt  }
0x45: {  	_ =	shalt  }
0x46: {  	_ =	shalt  }
0x47: {  	_ =	shalt  }
0x48: {  	_ =	shalt  }
0x49: {  	_ =	shalt  }
0x4a: {  	_ =	shalt  }
0x4b: {  	_ =	shalt  }
0x4c: {  	_ =	shalt  }
0x4d: {  	_ =	shalt  }
0x4e: {  	_ =	shalt  }
0x4f: {  	_ =	shalt  }
0x50: {  	_ =	shalt  }
0x51: {  	_ =	shalt  }
0x52: {  	_ =	shalt  }
0x53: {  	_ =	shalt  }
0x54: {  	_ =	shalt  }
0x55: {  	_ =	shalt  }
0x56: {  	_ =	shalt  }
0x57: {  	_ =	shalt  }
0x58: {  	_ =	shalt  }
0x59: {  	_ =	shalt  }
0x5a: {  	_ =	shalt  }
0x5b: {  	_ =	shalt  }
0x5c: {  	_ =	shalt  }
0x5d: {  	_ =	shalt  }
0x5e: {  	_ =	shalt  }
0x5f: {  	_ =	shalt  }
0x60: {  	_ =	shalt  }
0x61: {  	_ =	shalt  }
0x62: {  	_ =	shalt  }
0x63: {  	_ =	shalt  }
0x64: {  	_ =	shalt  }
0x65: {  	_ =	shalt  }
0x66: {  	_ =	shalt  }
0x67: {  	_ =	shalt  }
0x68: {  	_ =	shalt  }
0x69: {  	_ =	shalt  }
0x6a: {  	_ =	shalt  }
0x6b: {  	_ =	shalt  }
0x6c: {  	_ =	shalt  }
0x6d: {  	_ =	shalt  }
0x6e: {  	_ =	shalt  }
0x6f: {  	_ =	shalt  }
0x70: {  	_ =	shalt  }
0x71: {  	_ =	shalt  }
0x72: {  	_ =	shalt  }
0x73: {  	_ =	shalt  }
0x74: {  	_ =	shalt  }
0x75: {  	_ =	shalt  }
0x76: {  	_ =	shalt  }
0x77: {  	_ =	shalt  }
0x78: {  	_ =	shalt  }
0x79: {  	_ =	shalt  }
0x7a: {  	_ =	shalt  }
0x7b: {  	_ =	shalt  }
0x7c: {  	_ =	shalt  }
0x7d: {  	_ =	shalt  }
0x7e: {  	_ =	shalt  }
0x7f: {  	_ =	shalt  }
0x80: {  	_ =	shalt  }
0x81: {  	_ =	shalt  }
0x82: {  	_ =	shalt  }
0x83: {  	_ =	shalt  }
0x84: {  	_ =	shalt  }
0x85: {  	_ =	shalt  }
0x86: {  	_ =	shalt  }
0x87: {  	_ =	shalt  }
.Lfunc_end0:
.L_simem_size_0:
called_computation_lowered:
.L_overlay_start_0:
0x88: {  	s2 =	sld [smem:$0x3FD9]  }
0x89: {  	s3 =	sld [smem:$0x3FFE];
	_ =	sdelay $0x1  }
0x8a: {  	s1 =	srdreg.scid  }
0x8b: {  	s0 =	sand.u32 $0x1, s1  }
0x8c: {  	s17 =	sshll.u32 s0, $0xA;
	s2 =	sadd.s32 s3, s2  }
0x8d: {  	s2 =	sadd.s32 s2, s17  }
0x8e: {  	[smem:$0x3FC4] =	sst s2  }
0x8f: {  	_ = 	snop  }
0x90: {  	s2 =	sld [smem:$0x3FD0];
	(tm) =	ssettm $0x1  }
0x91: {  	s18 =	sld [smem:$0x3FFB];
	_ =	sdelay $0x3  }
0x92: {  	_ =	strace s18  }
0x93: {  	s3 =	sld [smem:$0x3FFC];
	_ =	sdelay $0x3  }
0x94: {  	_ =	strace s3  }
0x95: {  	s3 =	sld [smem:$0x3FFD];
	_ =	sdelay $0x3  }
0x96: {  	_ =	strace s3  }
0x97: {  	_ =	strace $0x8FFFFFFF  }
0x98: {  	s19 =	sld [smem:$0x3FDB];
	_ =	sdelay $0x1  }
0x99: {  	s4 =	simm.s32 $_scs_section_size  }
0x9a: {  	s5 =	simm.s32 $_size__tile_overlayer_lowered;
	s6 =	simm.s32 $_tile_overlayer_lowered  }
0x9b: {  	s22 =	simm.s32 $0x1BFF;
	s21 =	sshll.u32 s6, $0x1;
	s3 =	sadd.s32 s4, s19  }
0x9c: {  	s7 =	simm.s32 $0x0;
	s20 =	sshll.u32 s5, $0x1;
	s5 =	sadd.s32 s21, s3  }
0x9d: {  	[timem:s7], [sflag:s22] =	dma.local [hbm:s5], s20  }
0x9e: {  	_ =	swait.ge [sflag:s22], s20  }
0x9f: {  	s4 =	ssub.s32 $0x0, s20;
	[sflag:s22] =	ssyncset.done $0x0  }
0xa0: {  	[sflag:s22] =	ssyncadd.s32 s4;
	_ =	sdelay $0x1  }
0xa1: {  	s23 =	simm.s32 $0x1B8B  }
0xa2: {  	_ =	swait.ge [sflag:s23], $0x1  }
0xa3: {  	[sflag:s23] =	ssyncset.done $0x0  }
0xa4: {  	s25 =	simm.s32 $0x1B8E;
	s24 =	sld [smem:$0x3FFE];
	[sflag:s23] =	ssyncadd.s32 $0xFFFFFFFF  }
0xa5: {  	s26 =	simm.s32 $execute0_lowered;
	[smem:$0x3FD2] =	sst s25  }
0xa6: {  	s5 =	sshll.u32 s26, $0x1;
	_ =	strace $0x80000046;
	[dreg:$0x1] =	wrdreg $0xFFFFFFFF  }
0xa7: {  	s28 =	simm.s32 $_size_execute0_lowered;
	s3 =	sadd.s32 s3, s5;
	[dreg:$0x0] =	wrdreg $0x0  }
0xa8: {  	s5 =	sshll.u32 s28, $0x1;
	[dreg:$0x2] =	wrdreg s3  }
0xa9: {  	[dreg:$0x3] =	wrdreg s5  }
0xaa: {  	[dreg:$0x4] =	wrdreg $0xC0  }
0xab: {  	_ =	task [dreg:s7], $0x5FFFF  }
0xac: {  	[dreg:$0x1] =	wrdreg $0xFFFFFFFF  }
0xad: {  	[dreg:$0x0] =	wrdreg $0x60  }
0xae: {  	[dreg:$0x2] =	wrdreg s2  }
0xaf: {  	[dreg:$0x3] =	wrdreg s24  }
0xb0: {  	[dreg:$0x4] =	wrdreg $0xAA000  }
0xb1: {  	[dreg:$0x5] =	wrdreg $0x9  }
0xb2: {  	_ =	task.clear_ibuf [dreg:s7], $0x6FFFF;
	_ =	strace $0x90000046  }
0xb3: {  	s29 =	simm.s32 $0x9;
	_ =	strace $0x80000048  }
0xb4: {  	_ =	swait.ge [sflag:s29], $0x1  }
0xb5: {  	[sflag:s29] =	ssyncadd.s32 $0xFFFFFFFF  }
0xb6: {  	_ =	strace $0x90000048  }
0xb7: {  	_ =	sfence  }
0xb8: {  	s30 =	sld [smem:$0x0];
	_ =	sdelay $0x2  }
0xb9: {  	s31 =	sshll.u32 s1, $0xD;
	s1 =	sshrl.u32 s1, $0x2  }
0xba: {  	s3 =	sand.u32 $0x4000, s31;
	s1 =	sadd.s32 s1, s30  }
0xbb: {  	s0 =	sor.u32 s3, s0;
	s1 =	sshll.u32 s1, $0x11  }
0xbc: {  	s0 =	sor.u32 s1, s0  }
0xbd: {  	s0 =	sadd.s32 $0x8F2B, s0  }
0xbe: {  	[sflag:s0] =	ssyncadd.remote.s32 $0x1  }
0xbf: {  	_ =	sfence.sel $0xFFFF  }
0xc0: {  	[dreg:$0x0] =	wrdreg $0xFFFFFFFF;
	(pc) =	sbr.abs _section_cstart, $3  }
0xc1: {  	[dreg:$0x1] =	wrdreg $0xFFFFFFFF  }
0xc2: {  	_ =	task.clear_ibuf [dreg:s7], $0x2FFFF;
	_ =	strace $0x9FFFFFFF  }
0xc3: {  	(tm) =	ssettm $0x7FFFFFFF  }
tec
execute0_lowered:
.L_overlay_start_1:
0x0: {  	(tag) =	ssettag $0x1  }
0x1: {  	s0 =	rddreg [dreg:$0x0]  }
0x2: {  	s1 =	srdreg.scid;
	s3 =	rddreg [dreg:$0x1]  }
0x3: {  	s4 =	rddreg [dreg:$0x2];
	s2 =	stileid.u32;
	s7 =	simm.s32 $0x0  }
0x4: {  	s28 =	simm.s32 $0x80;
	s29 =	simm.s32 $0x400;
	s30 =	simm.s32 $0xA000  }
0x5: {  	s31 =	simm.s32 $0xA500;
	s1 =	sand.u32 $0x1, s1;
	s23 =	smul.u32 $0x2800, s2  }
0x6: {  	s22 =	sshrl.u32 s2, $0x3;
	s26 =	smul.u32 $0x140, s2;
	s5 =	sshll.u32 s1, $0x4  }
0x7: {  	[smem:$0x7FF] =	sst s7;
	s7 =	smul.u32 $0xA0000, s22;
	s6 =	sor.u32 s2, s5  }
0x8: {  	s24 =	sshll.u32 s2, $0x7;
	s1 =	ssub.s32 $0x2, s1;
	s6 =	smul.u32 $0x500, s6  }
0x9: {  	_ =	strace $0x80000047;
	s9 =	sshrl.u32 s1, $0x1;
	s22 =	sadd.s32 s5, s3  }
0xa: {  	s1 =	ssub.s32 s1, s9;
	s25 =	sshrl.u32 s7, $0x2;
	s8 =	sadd.s32 s6, s3  }
0xb: {  	s3 =	sadd.s32 s0, s6;
	s0 =	sand.u32 $0x380, s24;
	s6 =	sadd.s32 s25, s4  }
0xc: {  	s4 =	sadd.s32 s23, s4;
	s24 =	sadd.s32 $0x15400, s22;
	s22 =	smax.u32 s1, $0x1  }
0xd: {  	s23 =	simm.s32 $0x1;
	s1 =	simm.s32 $0x0;
	s5 =	sadd.s32 $0xB400, s8  }
0xe: {  	s6 =	sadd.s32 s0, s6;
	s7 =	sadd.s32 $0x80, s4;
	s8 =	sadd.s32 $0x100, s4  }
0xf: {  	s9 =	sadd.s32 $0x180, s4;
	s10 =	sadd.s32 $0x200, s4;
	s11 =	sadd.s32 $0x280, s4  }
0x10: {  	s12 =	sadd.s32 $0x300, s4;
	s13 =	sadd.s32 $0x380, s4;
	s14 =	sadd.s32 $0x28000, s4  }
0x11: {  	s15 =	sadd.s32 $0x28080, s4;
	s16 =	sadd.s32 $0x28100, s4;
	s17 =	sadd.s32 $0x28180, s4  }
0x12: {  	s18 =	sadd.s32 $0x28200, s4;
	s19 =	sadd.s32 $0x28280, s4;
	s20 =	sadd.s32 $0x28300, s4  }
0x13: {  	v0 =	vimm.f32 $0.0e+00;
	s21 =	sadd.s32 $0x28380, s4;
	s24 =	sadd.s32 s26, s24;
	s26 =	simm.s32 $0x5000  }
.LBB2_1:
0x14: {  	s0 =	simm.s32 $0x0  }
0x15: {  	[tilespmem:s0], [sflag:$0x1] =	stream.linear.gather [hbm4b:s3+s0], $0x2800, $0x38;
	[tilespmem:$0xFA00] =	vst v63  }
0x16: {  	_ =	swait.ge [sflag:s23], $0x2800  }
0x17: {  	[sflag:s23] =	ssyncset.done $0x0  }
0x18: {  	s2 =	simm.s32 $0x2800;
	[sflag:s23] =	ssyncadd.s32 $0xFFFFD800  }
0x19: {  	[tilespmem:s2], [sflag:$0x1] =	stream.linear.gather [hbm4b:s5+s0], $0x2800, $0x38;
	[tilespmem:$0xFA00] =	vst v63  }
0x1a: {  	_ =	swait.ge [sflag:s23], $0x2800  }
0x1b: {  	[sflag:s23] =	ssyncset.done $0x0  }
0x1c: {  	s0 =	simm.s32 $0x0;
	[sflag:s23] =	ssyncadd.s32 $0xFFFFD800  }
.LBB2_2:
0x1d: {  	p0 =	sne.s32 s0, $0x13FC0  }
.Ltmp0:
0x1e: {  	_ = 	snop;
	(pc) =	sbr.rel @p0 .LBB2_2-.Ltmp0, $3  }
0x1f: {  	_ =	sdelay $0x1  }
0x20: {  	s25 =	sshra.s32 s0, $0x2  }
0x21: {  	s0 =	sadd.s32 $0x40, s0;
	[tilespmem:s25+$0x5000] =	vst v0  }
0x22: {  	s25 =	simm.s32 $0x0  }
.LBB2_4:
0x23: {  	s0 =	sshra.s32 s25, $0x2  }
0x24: {  	v1 =	vld [tilespmem:s0+$0x0];
	_ =	sdelay $0x4  }
0x25: {  	v1 =	vshll.u32 v1, $0x1  }
0x26: {  	(xrf1) =	vunique.msk.u32 $0xffff, v1;
	_ =	sdelay $0xd  }
0x27: {  	_, v2, vm0 =	vpop (xrf1);
	_ =	sdelay $0x3  }
0x28: {  	v2 =	vcvt.s32.f32 v2;
	_ =	sdelay $0x1  }
0x29: {  	[tilespmem:v1+s26+$0x0] =	vst.idx.add.f32.msk vm0, v2  }
0x2a: {  	v1 =	vld [tilespmem:s0+$0x2800];
	_ =	sdelay $0x4  }
0x2b: {  	v1 =	vshll.u32 v1, $0x1  }
0x2c: {  	v1 =	vor.u32 $0x1, v1  }
0x2d: {  	(xrf1) =	vunique.msk.u32 $0xffff, v1;
	_ =	sdelay $0xd  }
0x2e: {  	_, v2, vm0 =	vpop (xrf1);
	_ =	sdelay $0x3  }
0x2f: {  	v2 =	vcvt.s32.f32 v2;
	_ =	sdelay $0x1  }
0x30: {  	[tilespmem:v1+s26+$0x0] =	vst.idx.add.f32.msk vm0, v2  }
0x31: {  	v1 =	vld [tilespmem:s0+$0x10];
	_ =	sdelay $0x4  }
0x32: {  	v1 =	vshll.u32 v1, $0x1  }
0x33: {  	(xrf1) =	vunique.msk.u32 $0xffff, v1;
	_ =	sdelay $0xd  }
0x34: {  	_, v2, vm0 =	vpop (xrf1);
	_ =	sdelay $0x3  }
0x35: {  	v2 =	vcvt.s32.f32 v2;
	_ =	sdelay $0x1  }
0x36: {  	[tilespmem:v1+s26+$0x0] =	vst.idx.add.f32.msk vm0, v2  }
0x37: {  	v1 =	vld [tilespmem:s0+$0x2810];
	_ =	sdelay $0x4  }
0x38: {  	v1 =	vshll.u32 v1, $0x1  }
0x39: {  	v1 =	vor.u32 $0x1, v1  }
0x3a: {  	(xrf1) =	vunique.msk.u32 $0xffff, v1;
	_ =	sdelay $0xd  }
0x3b: {  	_, v2, vm0 =	vpop (xrf1);
	_ =	sdelay $0x3  }
0x3c: {  	v2 =	vcvt.s32.f32 v2;
	_ =	sdelay $0x1  }
0x3d: {  	[tilespmem:v1+s26+$0x0] =	vst.idx.add.f32.msk vm0, v2  }
0x3e: {  	v1 =	vld [tilespmem:s0+$0x20];
	_ =	sdelay $0x4  }
0x3f: {  	v1 =	vshll.u32 v1, $0x1  }
0x40: {  	(xrf1) =	vunique.msk.u32 $0xffff, v1;
	_ =	sdelay $0xd  }
0x41: {  	_, v2, vm0 =	vpop (xrf1);
	_ =	sdelay $0x3  }
0x42: {  	v2 =	vcvt.s32.f32 v2;
	_ =	sdelay $0x1  }
0x43: {  	[tilespmem:v1+s26+$0x0] =	vst.idx.add.f32.msk vm0, v2  }
0x44: {  	v1 =	vld [tilespmem:s0+$0x2820];
	_ =	sdelay $0x4  }
0x45: {  	v1 =	vshll.u32 v1, $0x1  }
0x46: {  	v1 =	vor.u32 $0x1, v1  }
0x47: {  	(xrf1) =	vunique.msk.u32 $0xffff, v1;
	_ =	sdelay $0xd  }
0x48: {  	_, v2, vm0 =	vpop (xrf1);
	_ =	sdelay $0x3  }
0x49: {  	v2 =	vcvt.s32.f32 v2;
	_ =	sdelay $0x1  }
0x4a: {  	[tilespmem:v1+s26+$0x0] =	vst.idx.add.f32.msk vm0, v2  }
0x4b: {  	v1 =	vld [tilespmem:s0+$0x30];
	_ =	sdelay $0x4  }
0x4c: {  	v1 =	vshll.u32 v1, $0x1  }
0x4d: {  	(xrf1) =	vunique.msk.u32 $0xffff, v1;
	_ =	sdelay $0xd  }
0x4e: {  	_, v2, vm0 =	vpop (xrf1);
	_ =	sdelay $0x3  }
0x4f: {  	v2 =	vcvt.s32.f32 v2;
	_ =	sdelay $0x1  }
0x50: {  	[tilespmem:v1+s26+$0x0] =	vst.idx.add.f32.msk vm0, v2  }
0x51: {  	v1 =	vld [tilespmem:s0+$0x2830];
	_ =	sdelay $0x4  }
0x52: {  	v1 =	vshll.u32 v1, $0x1  }
0x53: {  	v1 =	vor.u32 $0x1, v1  }
0x54: {  	(xrf1) =	vunique.msk.u32 $0xffff, v1;
	_ =	sdelay $0xd  }
0x55: {  	_, v2, vm0 =	vpop (xrf1);
	_ =	sdelay $0x3  }
0x56: {  	v2 =	vcvt.s32.f32 v2;
	_ =	sdelay $0x1  }
0x57: {  	[tilespmem:v1+s26+$0x0] =	vst.idx.add.f32.msk vm0, v2  }
0x58: {  	v1 =	vld [tilespmem:s0+$0x40];
	_ =	sdelay $0x4  }
0x59: {  	v1 =	vshll.u32 v1, $0x1  }
0x5a: {  	(xrf1) =	vunique.msk.u32 $0xffff, v1;
	_ =	sdelay $0xd  }
0x5b: {  	_, v2, vm0 =	vpop (xrf1);
	_ =	sdelay $0x3  }
0x5c: {  	v2 =	vcvt.s32.f32 v2;
	_ =	sdelay $0x1  }
0x5d: {  	[tilespmem:v1+s26+$0x0] =	vst.idx.add.f32.msk vm0, v2  }
0x5e: {  	v1 =	vld [tilespmem:s0+$0x2840];
	_ =	sdelay $0x4  }
0x5f: {  	v1 =	vshll.u32 v1, $0x1  }
0x60: {  	v1 =	vor.u32 $0x1, v1  }
0x61: {  	(xrf1) =	vunique.msk.u32 $0xffff, v1;
	_ =	sdelay $0xd  }
0x62: {  	_, v2, vm0 =	vpop (xrf1);
	_ =	sdelay $0x3  }
0x63: {  	v2 =	vcvt.s32.f32 v2;
	_ =	sdelay $0x1  }
0x64: {  	[tilespmem:v1+s26+$0x0] =	vst.idx.add.f32.msk vm0, v2  }
0x65: {  	v1 =	vld [tilespmem:s0+$0x50];
	_ =	sdelay $0x4  }
0x66: {  	v1 =	vshll.u32 v1, $0x1  }
0x67: {  	(xrf1) =	vunique.msk.u32 $0xffff, v1;
	_ =	sdelay $0xd  }
0x68: {  	_, v2, vm0 =	vpop (xrf1);
	_ =	sdelay $0x3  }
0x69: {  	v2 =	vcvt.s32.f32 v2;
	_ =	sdelay $0x1  }
0x6a: {  	[tilespmem:v1+s26+$0x0] =	vst.idx.add.f32.msk vm0, v2  }
0x6b: {  	v1 =	vld [tilespmem:s0+$0x2850];
	_ =	sdelay $0x4  }
0x6c: {  	v1 =	vshll.u32 v1, $0x1  }
0x6d: {  	v1 =	vor.u32 $0x1, v1  }
0x6e: {  	(xrf1) =	vunique.msk.u32 $0xffff, v1;
	_ =	sdelay $0xd  }
0x6f: {  	_, v2, vm0 =	vpop (xrf1);
	_ =	sdelay $0x3  }
0x70: {  	v2 =	vcvt.s32.f32 v2;
	_ =	sdelay $0x1  }
0x71: {  	[tilespmem:v1+s26+$0x0] =	vst.idx.add.f32.msk vm0, v2  }
0x72: {  	v1 =	vld [tilespmem:s0+$0x60];
	_ =	sdelay $0x4  }
0x73: {  	v1 =	vshll.u32 v1, $0x1  }
0x74: {  	(xrf1) =	vunique.msk.u32 $0xffff, v1;
	_ =	sdelay $0xd  }
0x75: {  	_, v2, vm0 =	vpop (xrf1);
	_ =	sdelay $0x3  }
0x76: {  	v2 =	vcvt.s32.f32 v2;
	_ =	sdelay $0x1  }
0x77: {  	[tilespmem:v1+s26+$0x0] =	vst.idx.add.f32.msk vm0, v2  }
0x78: {  	v1 =	vld [tilespmem:s0+$0x2860];
	_ =	sdelay $0x4  }
0x79: {  	v1 =	vshll.u32 v1, $0x1  }
0x7a: {  	v1 =	vor.u32 $0x1, v1  }
0x7b: {  	(xrf1) =	vunique.msk.u32 $0xffff, v1;
	_ =	sdelay $0xd  }
0x7c: {  	_, v2, vm0 =	vpop (xrf1);
	_ =	sdelay $0x3  }
0x7d: {  	v2 =	vcvt.s32.f32 v2;
	_ =	sdelay $0x1  }
0x7e: {  	[tilespmem:v1+s26+$0x0] =	vst.idx.add.f32.msk vm0, v2  }
0x7f: {  	v1 =	vld [tilespmem:s0+$0x70];
	_ =	sdelay $0x4  }
0x80: {  	v1 =	vshll.u32 v1, $0x1  }
0x81: {  	(xrf1) =	vunique.msk.u32 $0xffff, v1;
	_ =	sdelay $0xd  }
0x82: {  	_, v2, vm0 =	vpop (xrf1);
	_ =	sdelay $0x3  }
0x83: {  	v2 =	vcvt.s32.f32 v2;
	_ =	sdelay $0x1  }
0x84: {  	[tilespmem:v1+s26+$0x0] =	vst.idx.add.f32.msk vm0, v2  }
0x85: {  	v1 =	vld [tilespmem:s0+$0x2870];
	_ =	sdelay $0x4  }
0x86: {  	v1 =	vshll.u32 v1, $0x1  }
0x87: {  	v1 =	vor.u32 $0x1, v1  }
0x88: {  	(xrf1) =	vunique.msk.u32 $0xffff, v1;
	_ =	sdelay $0xd  }
0x89: {  	_, v2, vm0 =	vpop (xrf1)  }
0x8a: {  	p0 =	sne.s32 s25, $0x9E00  }
.Ltmp1:
0x8b: {  	_ = 	snop;
	(pc) =	sbr.rel @p0 .LBB2_4-.Ltmp1, $3  }
0x8c: {  	_ = 	snop  }
0x8d: {  	v2 =	vcvt.s32.f32 v2;
	_ =	sdelay $0x1  }
0x8e: {  	s25 =	sadd.s32 $0x200, s25;
	[tilespmem:v1+s26+$0x0] =	vst.idx.add.f32.msk vm0, v2  }
0x8f: {  	[spmem:s6] =	stream.strided.scatter [tilespmem:s26], [sflag:$0x1], $0x5000, s29, s28, $0x38;
	[tilespmem:$0xFA00] =	vst v63  }
0x90: {  	_ =	swait.ge [sflag:s23], $0x5000  }
0x91: {  	[sflag:s23] =	ssyncset.done $0x0  }
0x92: {  	[sflag:s23] =	ssyncadd.s32 $0xFFFFB000  }
0x93: {  	[bflag:$0x0] =	sbarrier.arrive $0xFFFF  }
0x94: {  	[tilespmem:s30], [sflag:$0x1] =	stream.strided.gather [spmem:s4], $0x500, s29, s28, $0x38;
	[tilespmem:$0xFA00] =	vst v63  }
0x95: {  	_ =	swait.ge [sflag:s23], $0x500  }
0x96: {  	[sflag:s23] =	ssyncset.done $0x0  }
0x97: {  	[sflag:s23] =	ssyncadd.s32 $0xFFFFFB00  }
0x98: {  	[tilespmem:s31], [sflag:$0x1] =	stream.strided.gather [spmem:s7], $0x500, s29, s28, $0x38;
	[tilespmem:$0xFA00] =	vst v63  }
0x99: {  	_ =	swait.ge [sflag:s23], $0x500  }
0x9a: {  	[sflag:s23] =	ssyncset.done $0x0  }
0x9b: {  	s0 =	simm.s32 $0x0;
	[sflag:s23] =	ssyncadd.s32 $0xFFFFFB00  }
0x9c: {  	s25 =	simm.s32 $0x40;
	v1 =	vld [tilespmem:s0+$0xA500]  }
.LBB2_6:
0x9d: {  	p0 =	sne.s32 s25, $0x13C0;
	v2 =	vld [tilespmem:s0+$0xA000];
	_ =	sdelay $0x2  }
.Ltmp2:
0x9e: {  	(pc) =	sbr.rel @p0 .LBB2_6-.Ltmp2, $4  }
0x9f: {  	_ = 	snop  }
0xa0: {  	v2 =	vadd.f32 v1, v2  }
0xa1: {  	s2 =	sshra.s32 s25, $0x2  }
0xa2: {  	s25 =	sadd.s32 $0x40, s25;
	v1 =	vld [tilespmem:s2+$0xA500];
	[tilespmem:s0+$0xA000] =	vst v2;
	s0 =	smov.u32 s2  }
0xa3: {  	v2 =	vld [tilespmem:s0+$0xA000];
	_ =	sdelay $0x4  }
0xa4: {  	v1 =	vadd.f32 v1, v2;
	_ =	sdelay $0x1  }
0xa5: {  	[tilespmem:s0+$0xA000] =	vst v1  }
0xa6: {  	[tilespmem:s31], [sflag:$0x1] =	stream.strided.gather [spmem:s8], $0x500, s29, s28, $0x38;
	[tilespmem:$0xFA00] =	vst v63  }
0xa7: {  	_ =	swait.ge [sflag:s23], $0x500  }
0xa8: {  	[sflag:s23] =	ssyncset.done $0x0  }
0xa9: {  	s0 =	simm.s32 $0x0;
	[sflag:s23] =	ssyncadd.s32 $0xFFFFFB00  }
0xaa: {  	s25 =	simm.s32 $0x40;
	v1 =	vld [tilespmem:s0+$0xA500]  }
.LBB2_8:
0xab: {  	p0 =	sne.s32 s25, $0x13C0;
	v2 =	vld [tilespmem:s0+$0xA000];
	_ =	sdelay $0x2  }
.Ltmp3:
0xac: {  	(pc) =	sbr.rel @p0 .LBB2_8-.Ltmp3, $4  }
0xad: {  	_ = 	snop  }
0xae: {  	v2 =	vadd.f32 v1, v2  }
0xaf: {  	s2 =	sshra.s32 s25, $0x2  }
0xb0: {  	s25 =	sadd.s32 $0x40, s25;
	v1 =	vld [tilespmem:s2+$0xA500];
	[tilespmem:s0+$0xA000] =	vst v2;
	s0 =	smov.u32 s2  }
0xb1: {  	v2 =	vld [tilespmem:s0+$0xA000];
	_ =	sdelay $0x4  }
0xb2: {  	v1 =	vadd.f32 v1, v2;
	_ =	sdelay $0x1  }
0xb3: {  	[tilespmem:s0+$0xA000] =	vst v1  }
0xb4: {  	[tilespmem:s31], [sflag:$0x1] =	stream.strided.gather [spmem:s9], $0x500, s29, s28, $0x38;
	[tilespmem:$0xFA00] =	vst v63  }
0xb5: {  	_ =	swait.ge [sflag:s23], $0x500  }
0xb6: {  	[sflag:s23] =	ssyncset.done $0x0  }
0xb7: {  	s0 =	simm.s32 $0x0;
	[sflag:s23] =	ssyncadd.s32 $0xFFFFFB00  }
0xb8: {  	s25 =	simm.s32 $0x40;
	v1 =	vld [tilespmem:s0+$0xA500]  }
.LBB2_10:
0xb9: {  	p0 =	sne.s32 s25, $0x13C0;
	v2 =	vld [tilespmem:s0+$0xA000];
	_ =	sdelay $0x2  }
.Ltmp4:
0xba: {  	(pc) =	sbr.rel @p0 .LBB2_10-.Ltmp4, $4  }
0xbb: {  	_ = 	snop  }
0xbc: {  	v2 =	vadd.f32 v1, v2  }
0xbd: {  	s2 =	sshra.s32 s25, $0x2  }
0xbe: {  	s25 =	sadd.s32 $0x40, s25;
	v1 =	vld [tilespmem:s2+$0xA500];
	[tilespmem:s0+$0xA000] =	vst v2;
	s0 =	smov.u32 s2  }
0xbf: {  	v2 =	vld [tilespmem:s0+$0xA000];
	_ =	sdelay $0x4  }
0xc0: {  	v1 =	vadd.f32 v1, v2;
	_ =	sdelay $0x1  }
0xc1: {  	[tilespmem:s0+$0xA000] =	vst v1  }
0xc2: {  	[tilespmem:s31], [sflag:$0x1] =	stream.strided.gather [spmem:s10], $0x500, s29, s28, $0x38;
	[tilespmem:$0xFA00] =	vst v63  }
0xc3: {  	_ =	swait.ge [sflag:s23], $0x500  }
0xc4: {  	[sflag:s23] =	ssyncset.done $0x0  }
0xc5: {  	s0 =	simm.s32 $0x0;
	[sflag:s23] =	ssyncadd.s32 $0xFFFFFB00  }
0xc6: {  	s25 =	simm.s32 $0x40;
	v1 =	vld [tilespmem:s0+$0xA500]  }
.LBB2_12:
0xc7: {  	p0 =	sne.s32 s25, $0x13C0;
	v2 =	vld [tilespmem:s0+$0xA000];
	_ =	sdelay $0x2  }
.Ltmp5:
0xc8: {  	(pc) =	sbr.rel @p0 .LBB2_12-.Ltmp5, $4  }
0xc9: {  	_ = 	snop  }
0xca: {  	v2 =	vadd.f32 v1, v2  }
0xcb: {  	s2 =	sshra.s32 s25, $0x2  }
0xcc: {  	s25 =	sadd.s32 $0x40, s25;
	v1 =	vld [tilespmem:s2+$0xA500];
	[tilespmem:s0+$0xA000] =	vst v2;
	s0 =	smov.u32 s2  }
0xcd: {  	v2 =	vld [tilespmem:s0+$0xA000];
	_ =	sdelay $0x4  }
0xce: {  	v1 =	vadd.f32 v1, v2;
	_ =	sdelay $0x1  }
0xcf: {  	[tilespmem:s0+$0xA000] =	vst v1  }
0xd0: {  	[tilespmem:s31], [sflag:$0x1] =	stream.strided.gather [spmem:s11], $0x500, s29, s28, $0x38;
	[tilespmem:$0xFA00] =	vst v63  }
0xd1: {  	_ =	swait.ge [sflag:s23], $0x500  }
0xd2: {  	[sflag:s23] =	ssyncset.done $0x0  }
0xd3: {  	s0 =	simm.s32 $0x0;
	[sflag:s23] =	ssyncadd.s32 $0xFFFFFB00  }
0xd4: {  	s25 =	simm.s32 $0x40;
	v1 =	vld [tilespmem:s0+$0xA500]  }
.LBB2_14:
0xd5: {  	p0 =	sne.s32 s25, $0x13C0;
	v2 =	vld [tilespmem:s0+$0xA000];
	_ =	sdelay $0x2  }
.Ltmp6:
0xd6: {  	(pc) =	sbr.rel @p0 .LBB2_14-.Ltmp6, $4  }
0xd7: {  	_ = 	snop  }
0xd8: {  	v2 =	vadd.f32 v1, v2  }
0xd9: {  	s2 =	sshra.s32 s25, $0x2  }
0xda: {  	s25 =	sadd.s32 $0x40, s25;
	v1 =	vld [tilespmem:s2+$0xA500];
	[tilespmem:s0+$0xA000] =	vst v2;
	s0 =	smov.u32 s2  }
0xdb: {  	v2 =	vld [tilespmem:s0+$0xA000];
	_ =	sdelay $0x4  }
0xdc: {  	v1 =	vadd.f32 v1, v2;
	_ =	sdelay $0x1  }
0xdd: {  	[tilespmem:s0+$0xA000] =	vst v1  }
0xde: {  	[tilespmem:s31], [sflag:$0x1] =	stream.strided.gather [spmem:s12], $0x500, s29, s28, $0x38;
	[tilespmem:$0xFA00] =	vst v63  }
0xdf: {  	_ =	swait.ge [sflag:s23], $0x500  }
0xe0: {  	[sflag:s23] =	ssyncset.done $0x0  }
0xe1: {  	s0 =	simm.s32 $0x0;
	[sflag:s23] =	ssyncadd.s32 $0xFFFFFB00  }
0xe2: {  	s25 =	simm.s32 $0x40;
	v1 =	vld [tilespmem:s0+$0xA500]  }
.LBB2_16:
0xe3: {  	p0 =	sne.s32 s25, $0x13C0;
	v2 =	vld [tilespmem:s0+$0xA000];
	_ =	sdelay $0x2  }
.Ltmp7:
0xe4: {  	(pc) =	sbr.rel @p0 .LBB2_16-.Ltmp7, $4  }
0xe5: {  	_ = 	snop  }
0xe6: {  	v2 =	vadd.f32 v1, v2  }
0xe7: {  	s2 =	sshra.s32 s25, $0x2  }
0xe8: {  	s25 =	sadd.s32 $0x40, s25;
	v1 =	vld [tilespmem:s2+$0xA500];
	[tilespmem:s0+$0xA000] =	vst v2;
	s0 =	smov.u32 s2  }
0xe9: {  	v2 =	vld [tilespmem:s0+$0xA000];
	_ =	sdelay $0x4  }
0xea: {  	v1 =	vadd.f32 v1, v2;
	_ =	sdelay $0x1  }
0xeb: {  	[tilespmem:s0+$0xA000] =	vst v1  }
0xec: {  	[tilespmem:s31], [sflag:$0x1] =	stream.strided.gather [spmem:s13], $0x500, s29, s28, $0x38;
	[tilespmem:$0xFA00] =	vst v63  }
0xed: {  	_ =	swait.ge [sflag:s23], $0x500  }
0xee: {  	[sflag:s23] =	ssyncset.done $0x0  }
0xef: {  	s0 =	simm.s32 $0x0;
	[sflag:s23] =	ssyncadd.s32 $0xFFFFFB00  }
0xf0: {  	s25 =	simm.s32 $0x40;
	v1 =	vld [tilespmem:s0+$0xA500]  }
.LBB2_18:
0xf1: {  	p0 =	sne.s32 s25, $0x13C0;
	v2 =	vld [tilespmem:s0+$0xA000];
	_ =	sdelay $0x2  }
.Ltmp8:
0xf2: {  	(pc) =	sbr.rel @p0 .LBB2_18-.Ltmp8, $4  }
0xf3: {  	_ = 	snop  }
0xf4: {  	v2 =	vadd.f32 v1, v2  }
0xf5: {  	s2 =	sshra.s32 s25, $0x2  }
0xf6: {  	s25 =	sadd.s32 $0x40, s25;
	v1 =	vld [tilespmem:s2+$0xA500];
	[tilespmem:s0+$0xA000] =	vst v2;
	s0 =	smov.u32 s2  }
0xf7: {  	v2 =	vld [tilespmem:s0+$0xA000];
	_ =	sdelay $0x4  }
0xf8: {  	v1 =	vadd.f32 v1, v2;
	_ =	sdelay $0x1  }
0xf9: {  	[tilespmem:s0+$0xA000] =	vst v1  }
0xfa: {  	[tilespmem:s31], [sflag:$0x1] =	stream.strided.gather [spmem:s14], $0x500, s29, s28, $0x38;
	[tilespmem:$0xFA00] =	vst v63  }
0xfb: {  	_ =	swait.ge [sflag:s23], $0x500  }
0xfc: {  	[sflag:s23] =	ssyncset.done $0x0  }
0xfd: {  	s0 =	simm.s32 $0x0;
	[sflag:s23] =	ssyncadd.s32 $0xFFFFFB00  }
0xfe: {  	s25 =	simm.s32 $0x40;
	v1 =	vld [tilespmem:s0+$0xA500]  }
.LBB2_20:
0xff: {  	p0 =	sne.s32 s25, $0x13C0;
	v2 =	vld [tilespmem:s0+$0xA000];
	_ =	sdelay $0x2  }
.Ltmp9:
0x100: {  	(pc) =	sbr.rel @p0 .LBB2_20-.Ltmp9, $4  }
0x101: {  	_ = 	snop  }
0x102: {  	v2 =	vadd.f32 v1, v2  }
0x103: {  	s2 =	sshra.s32 s25, $0x2  }
0x104: {  	s25 =	sadd.s32 $0x40, s25;
	v1 =	vld [tilespmem:s2+$0xA500];
	[tilespmem:s0+$0xA000] =	vst v2;
	s0 =	smov.u32 s2  }
0x105: {  	v2 =	vld [tilespmem:s0+$0xA000];
	_ =	sdelay $0x4  }
0x106: {  	v1 =	vadd.f32 v1, v2;
	_ =	sdelay $0x1  }
0x107: {  	[tilespmem:s0+$0xA000] =	vst v1  }
0x108: {  	[tilespmem:s31], [sflag:$0x1] =	stream.strided.gather [spmem:s15], $0x500, s29, s28, $0x38;
	[tilespmem:$0xFA00] =	vst v63  }
0x109: {  	_ =	swait.ge [sflag:s23], $0x500  }
0x10a: {  	[sflag:s23] =	ssyncset.done $0x0  }
0x10b: {  	s0 =	simm.s32 $0x0;
	[sflag:s23] =	ssyncadd.s32 $0xFFFFFB00  }
0x10c: {  	s25 =	simm.s32 $0x40;
	v1 =	vld [tilespmem:s0+$0xA500]  }
.LBB2_22:
0x10d: {  	p0 =	sne.s32 s25, $0x13C0;
	v2 =	vld [tilespmem:s0+$0xA000];
	_ =	sdelay $0x2  }
.Ltmp10:
0x10e: {  	(pc) =	sbr.rel @p0 .LBB2_22-.Ltmp10, $4  }
0x10f: {  	_ = 	snop  }
0x110: {  	v2 =	vadd.f32 v1, v2  }
0x111: {  	s2 =	sshra.s32 s25, $0x2  }
0x112: {  	s25 =	sadd.s32 $0x40, s25;
	v1 =	vld [tilespmem:s2+$0xA500];
	[tilespmem:s0+$0xA000] =	vst v2;
	s0 =	smov.u32 s2  }
0x113: {  	v2 =	vld [tilespmem:s0+$0xA000];
	_ =	sdelay $0x4  }
0x114: {  	v1 =	vadd.f32 v1, v2;
	_ =	sdelay $0x1  }
0x115: {  	[tilespmem:s0+$0xA000] =	vst v1  }
0x116: {  	[tilespmem:s31], [sflag:$0x1] =	stream.strided.gather [spmem:s16], $0x500, s29, s28, $0x38;
	[tilespmem:$0xFA00] =	vst v63  }
0x117: {  	_ =	swait.ge [sflag:s23], $0x500  }
0x118: {  	[sflag:s23] =	ssyncset.done $0x0  }
0x119: {  	s0 =	simm.s32 $0x0;
	[sflag:s23] =	ssyncadd.s32 $0xFFFFFB00  }
0x11a: {  	s25 =	simm.s32 $0x40;
	v1 =	vld [tilespmem:s0+$0xA500]  }
.LBB2_24:
0x11b: {  	p0 =	sne.s32 s25, $0x13C0;
	v2 =	vld [tilespmem:s0+$0xA000];
	_ =	sdelay $0x2  }
.Ltmp11:
0x11c: {  	(pc) =	sbr.rel @p0 .LBB2_24-.Ltmp11, $4  }
0x11d: {  	_ = 	snop  }
0x11e: {  	v2 =	vadd.f32 v1, v2  }
0x11f: {  	s2 =	sshra.s32 s25, $0x2  }
0x120: {  	s25 =	sadd.s32 $0x40, s25;
	v1 =	vld [tilespmem:s2+$0xA500];
	[tilespmem:s0+$0xA000] =	vst v2;
	s0 =	smov.u32 s2  }
0x121: {  	v2 =	vld [tilespmem:s0+$0xA000];
	_ =	sdelay $0x4  }
0x122: {  	v1 =	vadd.f32 v1, v2;
	_ =	sdelay $0x1  }
0x123: {  	[tilespmem:s0+$0xA000] =	vst v1  }
0x124: {  	[tilespmem:s31], [sflag:$0x1] =	stream.strided.gather [spmem:s17], $0x500, s29, s28, $0x38;
	[tilespmem:$0xFA00] =	vst v63  }
0x125: {  	_ =	swait.ge [sflag:s23], $0x500  }
0x126: {  	[sflag:s23] =	ssyncset.done $0x0  }
0x127: {  	s0 =	simm.s32 $0x0;
	[sflag:s23] =	ssyncadd.s32 $0xFFFFFB00  }
0x128: {  	s25 =	simm.s32 $0x40;
	v1 =	vld [tilespmem:s0+$0xA500]  }
.LBB2_26:
0x129: {  	p0 =	sne.s32 s25, $0x13C0;
	v2 =	vld [tilespmem:s0+$0xA000];
	_ =	sdelay $0x2  }
.Ltmp12:
0x12a: {  	(pc) =	sbr.rel @p0 .LBB2_26-.Ltmp12, $4  }
0x12b: {  	_ = 	snop  }
0x12c: {  	v2 =	vadd.f32 v1, v2  }
0x12d: {  	s2 =	sshra.s32 s25, $0x2  }
0x12e: {  	s25 =	sadd.s32 $0x40, s25;
	v1 =	vld [tilespmem:s2+$0xA500];
	[tilespmem:s0+$0xA000] =	vst v2;
	s0 =	smov.u32 s2  }
0x12f: {  	v2 =	vld [tilespmem:s0+$0xA000];
	_ =	sdelay $0x4  }
0x130: {  	v1 =	vadd.f32 v1, v2;
	_ =	sdelay $0x1  }
0x131: {  	[tilespmem:s0+$0xA000] =	vst v1  }
0x132: {  	[tilespmem:s31], [sflag:$0x1] =	stream.strided.gather [spmem:s18], $0x500, s29, s28, $0x38;
	[tilespmem:$0xFA00] =	vst v63  }
0x133: {  	_ =	swait.ge [sflag:s23], $0x500  }
0x134: {  	[sflag:s23] =	ssyncset.done $0x0  }
0x135: {  	s0 =	simm.s32 $0x0;
	[sflag:s23] =	ssyncadd.s32 $0xFFFFFB00  }
0x136: {  	s25 =	simm.s32 $0x40;
	v1 =	vld [tilespmem:s0+$0xA500]  }
.LBB2_28:
0x137: {  	p0 =	sne.s32 s25, $0x13C0;
	v2 =	vld [tilespmem:s0+$0xA000];
	_ =	sdelay $0x2  }
.Ltmp13:
0x138: {  	(pc) =	sbr.rel @p0 .LBB2_28-.Ltmp13, $4  }
0x139: {  	_ = 	snop  }
0x13a: {  	v2 =	vadd.f32 v1, v2  }
0x13b: {  	s2 =	sshra.s32 s25, $0x2  }
0x13c: {  	s25 =	sadd.s32 $0x40, s25;
	v1 =	vld [tilespmem:s2+$0xA500];
	[tilespmem:s0+$0xA000] =	vst v2;
	s0 =	smov.u32 s2  }
0x13d: {  	v2 =	vld [tilespmem:s0+$0xA000];
	_ =	sdelay $0x4  }
0x13e: {  	v1 =	vadd.f32 v1, v2;
	_ =	sdelay $0x1  }
0x13f: {  	[tilespmem:s0+$0xA000] =	vst v1  }
0x140: {  	[tilespmem:s31], [sflag:$0x1] =	stream.strided.gather [spmem:s19], $0x500, s29, s28, $0x38;
	[tilespmem:$0xFA00] =	vst v63  }
0x141: {  	_ =	swait.ge [sflag:s23], $0x500  }
0x142: {  	[sflag:s23] =	ssyncset.done $0x0  }
0x143: {  	s0 =	simm.s32 $0x0;
	[sflag:s23] =	ssyncadd.s32 $0xFFFFFB00  }
0x144: {  	s25 =	simm.s32 $0x40;
	v1 =	vld [tilespmem:s0+$0xA500]  }
.LBB2_30:
0x145: {  	p0 =	sne.s32 s25, $0x13C0;
	v2 =	vld [tilespmem:s0+$0xA000];
	_ =	sdelay $0x2  }
.Ltmp14:
0x146: {  	(pc) =	sbr.rel @p0 .LBB2_30-.Ltmp14, $4  }
0x147: {  	_ = 	snop  }
0x148: {  	v2 =	vadd.f32 v1, v2  }
0x149: {  	s2 =	sshra.s32 s25, $0x2  }
0x14a: {  	s25 =	sadd.s32 $0x40, s25;
	v1 =	vld [tilespmem:s2+$0xA500];
	[tilespmem:s0+$0xA000] =	vst v2;
	s0 =	smov.u32 s2  }
0x14b: {  	v2 =	vld [tilespmem:s0+$0xA000];
	_ =	sdelay $0x4  }
0x14c: {  	v1 =	vadd.f32 v1, v2;
	_ =	sdelay $0x1  }
0x14d: {  	[tilespmem:s0+$0xA000] =	vst v1  }
0x14e: {  	[tilespmem:s31], [sflag:$0x1] =	stream.strided.gather [spmem:s20], $0x500, s29, s28, $0x38;
	[tilespmem:$0xFA00] =	vst v63  }
0x14f: {  	_ =	swait.ge [sflag:s23], $0x500  }
0x150: {  	[sflag:s23] =	ssyncset.done $0x0  }
0x151: {  	s0 =	simm.s32 $0x0;
	[sflag:s23] =	ssyncadd.s32 $0xFFFFFB00  }
0x152: {  	s25 =	simm.s32 $0x40;
	v1 =	vld [tilespmem:s0+$0xA500]  }
.LBB2_32:
0x153: {  	p0 =	sne.s32 s25, $0x13C0;
	v2 =	vld [tilespmem:s0+$0xA000];
	_ =	sdelay $0x2  }
.Ltmp15:
0x154: {  	(pc) =	sbr.rel @p0 .LBB2_32-.Ltmp15, $4  }
0x155: {  	_ = 	snop  }
0x156: {  	v2 =	vadd.f32 v1, v2  }
0x157: {  	s2 =	sshra.s32 s25, $0x2  }
0x158: {  	s25 =	sadd.s32 $0x40, s25;
	v1 =	vld [tilespmem:s2+$0xA500];
	[tilespmem:s0+$0xA000] =	vst v2;
	s0 =	smov.u32 s2  }
0x159: {  	v2 =	vld [tilespmem:s0+$0xA000];
	_ =	sdelay $0x4  }
0x15a: {  	v1 =	vadd.f32 v1, v2;
	_ =	sdelay $0x1  }
0x15b: {  	[tilespmem:s0+$0xA000] =	vst v1  }
0x15c: {  	[tilespmem:s31], [sflag:$0x1] =	stream.strided.gather [spmem:s21], $0x500, s29, s28, $0x38;
	[tilespmem:$0xFA00] =	vst v63  }
0x15d: {  	_ =	swait.ge [sflag:s23], $0x500  }
0x15e: {  	[sflag:s23] =	ssyncset.done $0x0  }
0x15f: {  	s0 =	simm.s32 $0x0;
	[sflag:s23] =	ssyncadd.s32 $0xFFFFFB00  }
0x160: {  	s25 =	simm.s32 $0x40;
	v1 =	vld [tilespmem:s0+$0xA500]  }
.LBB2_34:
0x161: {  	p0 =	sne.s32 s25, $0x13C0;
	v2 =	vld [tilespmem:s0+$0xA000];
	_ =	sdelay $0x2  }
.Ltmp16:
0x162: {  	(pc) =	sbr.rel @p0 .LBB2_34-.Ltmp16, $4  }
0x163: {  	_ = 	snop  }
0x164: {  	v2 =	vadd.f32 v1, v2  }
0x165: {  	s2 =	sshra.s32 s25, $0x2  }
0x166: {  	s25 =	sadd.s32 $0x40, s25;
	v1 =	vld [tilespmem:s2+$0xA500];
	[tilespmem:s0+$0xA000] =	vst v2;
	s0 =	smov.u32 s2  }
0x167: {  	v2 =	vld [tilespmem:s0+$0xA000];
	_ =	sdelay $0x4  }
0x168: {  	s1 =	sadd.s32 $0x1, s1;
	v1 =	vadd.f32 v1, v2  }
0x169: {  	p0 =	sne.s32 s1, s22  }
.Ltmp17:
0x16a: {  	s25 =	simm.s32 $0x100;
	[tilespmem:s0+$0xA000] =	vst v1;
	(pc) =	sbr.rel @p0 .LBB2_1-.Ltmp17, $4  }
0x16b: {  	[hbm4b:s24+s28] =	stream.strided.scatter [tilespmem:s30], [sflag:$0x1], $0x500, s25, s28, $0x38;
	[tilespmem:$0xFA00] =	vst v63  }
0x16c: {  	_ =	swait.ge [sflag:s23], $0x500  }
0x16d: {  	[sflag:s23] =	ssyncset.done $0x0  }
0x16e: {  	[sflag:s23] =	ssyncadd.s32 $0xFFFFFB00  }
0x16f: {  	_ =	sfence.sel $0x180000  }
0x170: {  	[bflag:$0x0] =	sbarrier.arrive $0xFFFF  }
0x171: {  	_ =	strace $0x90000047  }
0x172: {  	s0 =	stileid.u32;
	[bflag:$0x2] =	sbarrier.arrive $0xFFFF  }
0x173: {  	p0 =	sne.s32 s0, $0x0;
	s0 =	rddreg [dreg:$0x3]  }
0x174: {  	s0 =	sadd.s32 @!p0 $0x100000, s0  }
0x175: {  	[sflag:s0] =	ssyncadd.tile.s32 @!p0 $0x1;
	_ =	shalt  }
.Lfunc_end2:
_tile_overlayer_lowered:
.L_overlay_start_2:
0x176: {  	(tag) =	ssettag $0x2  }
0x177: {  	s0 =	rddreg [dreg:$0x0];
	s2 =	stileid.u32  }
0x178: {  	s1 =	rddreg [dreg:$0x1];
	p0 =	sne.s32 s2, $0x0  }
0x179: {  	s3 =	rddreg [dreg:$0x2];
	[bflag:$0x3] =	sbarrier.arrive $0xFFFF;
	s2 =	simm.s32 @!p0 $0x1C01  }
0x17a: {  	[timem:s3], [sflag:s2] =	dma.local @!p0 [hbm:s0], s1  }
0x17b: {  	s0 =	simm.s32 @!p0 $0x1  }
0x17c: {  	_ =	swait.ge @!p0 [sflag:s0], s1  }
0x17d: {  	s1 =	ssub.s32 @!p0 $0x0, s1;
	[sflag:s0] =	ssyncset.done @!p0 $0x0  }
0x17e: {  	[sflag:s0] =	ssyncadd.s32 @!p0 s1  }
0x17f: {  	[bflag:$0x3] =	sbarrier.arrive $0xFFFF  }
0x180: {  	_ =	shalt  }

// kernel: kernel.9.cloned.1.call-start
scs
__scs_entry_jumppad:
0x0: {  	(pc) =	sbr.rel $0x88, $3  }
0x1: {  	(tag) =	ssettag $0x0;
	lr =	simm.s32 $0x1  }
0x2: {  	[smem:$0x3F9D] =	sst lr;
	_ =	strace $0xD0000000  }
0x3: {  	_ = 	snop  }
0x4: {  	_ = 	snop  }
0x5: {  	_ = 	snop  }
0x6: {  	_ = 	snop  }
0x7: {  	_ = 	snop  }
__scs_overlays_trampoline_lowered:
0x8: {  	[smem:$0x3FAC] =	sst s0  }
0x9: {  	[smem:$0x3FAD] =	sst s1  }
0xa: {  	[smem:$0x3FAE] =	sst s2  }
0xb: {  	[smem:$0x3FAF] =	sst s3  }
0xc: {  	[smem:$0x3FB0] =	sst s4  }
0xd: {  	[smem:$0x3FB1] =	sst s5  }
0xe: {  	[smem:$0x3FB2] =	sst s6  }
0xf: {  	[smem:$0x3FB3] =	sst s7  }
0x10: {  	[smem:$0x3FB4] =	sst s8  }
0x11: {  	[smem:$0x3FB5] =	sst s9;
	s0 =	simm.s32 @!p0 $0x0  }
0x12: {  	s1 =	sld [smem:$0x3F9B];
	s0 =	simm.s32 @p0 $0x1  }
0x13: {  	[smem:$0x3FB6] =	sst s0;
	s0 =	simm.s32 @!p1 $0x0  }
0x14: {  	s2 =	sld [smem:$0x3F9A];
	s0 =	simm.s32 @p1 $0x1  }
0x15: {  	[smem:$0x3FB7] =	sst s0;
	s0 =	simm.s32 @!p2 $0x0  }
0x16: {  	s3 =	sld [smem:$0x3FDB];
	s0 =	simm.s32 @p2 $0x1  }
0x17: {  	s4 =	simm.s32 $0x1BF5;
	[smem:$0x3FB9] =	sst s0  }
0x18: {  	s0 =	sld [smem:$0x3F9C];
	_ =	swait.ge [sflag:s4], $0x0  }
0x19: {  	s7 =	sld [smem:$0x3F9D]  }
0x1a: {  	s8 =	sadd.s32 $0xFFFFE003, lr  }
0x1b: {  	s9 =	sadd.s32 $0xFFFFFEF7, lr;
	s5 =	simm.s32 $0xFFFFFFFF;
	p2 =	slt.u32 s8, $0xFFFFF086  }
0x1c: {  	p1 =	slt.u32 s9, $0xF7A;
	s5 =	simm.s32 @!p2 $0x0  }
0x1d: {  	s5 =	simm.s32 @p1 $0x1;
	p0 =	seq.s32 s7, s2  }
0x1e: {  	s7 =	smul.u32 @!p0 $0xF7A, s2;
	p2 =	seq.s32 @!p0 s5, $0x0  }
0x1f: {  	s9 =	smul.u32 $0xF7A, s1;
	s8 =	simm.s32 @!p0 $0x1BF5;
	p2 =	por !p2, p0  }
0x20: {  	[sflag:s8] =	ssyncset.s32 @!p0 $0xFFFFF086;
	s6 =	sadd.s32 @!p0 s3, s7;
	s7 =	simm.s32 @!p0 $0x108  }
0x21: {  	s3 =	sadd.s32 s3, s9;
	s6 =	sadd.s32 @!p0 $0x88, s6;
	s7 =	simm.s32 @p2 $0x1082  }
0x22: {  	[simem:s7], [sflag:s8] =	dma.local @!p0 [hbm:s6], $0xF7A  }
0x23: {  	s9 =	sor.u32 $0xD0000000, s2;
	s6 =	simm.s32 $0x108;
	_ =	swait.ge @!p0 [sflag:s8], $0x0  }
0x24: {  	s3 =	sadd.s32 $0x88, s3;
	s6 =	simm.s32 @!p1 $0x1082;
	[sflag:s4] =	ssyncset.s32 $0xFFFFF086  }
0x25: {  	[simem:s6], [sflag:s4] =	dma.local [hbm:s3], $0xF7A  }
0x26: {  	[smem:$0x3F9D] =	sst s1;
	(tag) =	ssettag s2;
	_ =	strace s9  }
0x27: {  	s1 =	sld [smem:$0x3FAD]  }
0x28: {  	s2 =	sld [smem:$0x3FAE]  }
0x29: {  	s4 =	sld [smem:$0x3FB0]  }
0x2a: {  	p0 =	seq.s32 s5, $0x0;
	s5 =	sld [smem:$0x3FB1]  }
0x2b: {  	s6 =	sld [smem:$0x3FB2]  }
0x2c: {  	s7 =	sld [smem:$0x3FB3]  }
0x2d: {  	s3 =	simm.s32 $0x108;
	s8 =	sld [smem:$0x3FB4]  }
0x2e: {  	s3 =	simm.s32 @!p0 $0x1082;
	s9 =	sld [smem:$0x3FB5]  }
0x2f: {  	lr =	sadd.s32 s0, s3;
	s0 =	sld [smem:$0x3FAC]  }
0x30: {  	s3 =	sld [smem:$0x3FAF]  }
0x31: {  	[smem:$0x3FB8] =	sst s10  }
0x32: {  	s10 =	sld [smem:$0x3FB6];
	_ =	sdelay $0x3  }
0x33: {  	p0 =	seq.s32 s10, $0x1;
	s10 =	sld [smem:$0x3FB8];
	_ =	sdelay $0x3  }
0x34: {  	[smem:$0x3FB8] =	sst s10  }
0x35: {  	s10 =	sld [smem:$0x3FB7];
	_ =	sdelay $0x3  }
0x36: {  	p1 =	seq.s32 s10, $0x1;
	s10 =	sld [smem:$0x3FB8];
	_ =	sdelay $0x3  }
0x37: {  	[smem:$0x3FB8] =	sst s10  }
0x38: {  	s10 =	sld [smem:$0x3FB9]  }
0x39: {  	_ = 	snop;
	(pc) =	sbr.ind lr, $3  }
0x3a: {  	_ = 	snop  }
0x3b: {  	_ = 	snop  }
0x3c: {  	p2 =	seq.s32 s10, $0x1;
	s10 =	sld [smem:$0x3FB8]  }
0x3d: {  	_ =	shalt  }
0x3e: {  	_ =	shalt  }
0x3f: {  	_ =	shalt  }
0x40: {  	_ =	shalt  }
0x41: {  	_ =	shalt  }
0x42: {  	_ =	shalt  }
0x43: {  	_ =	shalt  }
0x44: {  	_ =	shalt  }
0x45: {  	_ =	shalt  }
0x46: {  	_ =	shalt  }
0x47: {  	_ =	shalt  }
0x48: {  	_ =	shalt  }
0x49: {  	_ =	shalt  }
0x4a: {  	_ =	shalt  }
0x4b: {  	_ =	shalt  }
0x4c: {  	_ =	shalt  }
0x4d: {  	_ =	shalt  }
0x4e: {  	_ =	shalt  }
0x4f: {  	_ =	shalt  }
0x50: {  	_ =	shalt  }
0x51: {  	_ =	shalt  }
0x52: {  	_ =	shalt  }
0x53: {  	_ =	shalt  }
0x54: {  	_ =	shalt  }
0x55: {  	_ =	shalt  }
0x56: {  	_ =	shalt  }
0x57: {  	_ =	shalt  }
0x58: {  	_ =	shalt  }
0x59: {  	_ =	shalt  }
0x5a: {  	_ =	shalt  }
0x5b: {  	_ =	shalt  }
0x5c: {  	_ =	shalt  }
0x5d: {  	_ =	shalt  }
0x5e: {  	_ =	shalt  }
0x5f: {  	_ =	shalt  }
0x60: {  	_ =	shalt  }
0x61: {  	_ =	shalt  }
0x62: {  	_ =	shalt  }
0x63: {  	_ =	shalt  }
0x64: {  	_ =	shalt  }
0x65: {  	_ =	shalt  }
0x66: {  	_ =	shalt  }
0x67: {  	_ =	shalt  }
0x68: {  	_ =	shalt  }
0x69: {  	_ =	shalt  }
0x6a: {  	_ =	shalt  }
0x6b: {  	_ =	shalt  }
0x6c: {  	_ =	shalt  }
0x6d: {  	_ =	shalt  }
0x6e: {  	_ =	shalt  }
0x6f: {  	_ =	shalt  }
0x70: {  	_ =	shalt  }
0x71: {  	_ =	shalt  }
0x72: {  	_ =	shalt  }
0x73: {  	_ =	shalt  }
0x74: {  	_ =	shalt  }
0x75: {  	_ =	shalt  }
0x76: {  	_ =	shalt  }
0x77: {  	_ =	shalt  }
0x78: {  	_ =	shalt  }
0x79: {  	_ =	shalt  }
0x7a: {  	_ =	shalt  }
0x7b: {  	_ =	shalt  }
0x7c: {  	_ =	shalt  }
0x7d: {  	_ =	shalt  }
0x7e: {  	_ =	shalt  }
0x7f: {  	_ =	shalt  }
0x80: {  	_ =	shalt  }
0x81: {  	_ =	shalt  }
0x82: {  	_ =	shalt  }
0x83: {  	_ =	shalt  }
0x84: {  	_ =	shalt  }
0x85: {  	_ =	shalt  }
0x86: {  	_ =	shalt  }
0x87: {  	_ =	shalt  }
.Lfunc_end0:
.L_simem_size_0:
called_computation.1_lowered:
.L_overlay_start_0:
0x88: {  	s2 =	sld [smem:$0x3FD9]  }
0x89: {  	s3 =	sld [smem:$0x3FFE];
	_ =	sdelay $0x1  }
0x8a: {  	s1 =	srdreg.scid  }
0x8b: {  	s0 =	sand.u32 $0x1, s1  }
0x8c: {  	s17 =	sshll.u32 s0, $0xA;
	s2 =	sadd.s32 s3, s2  }
0x8d: {  	s2 =	sadd.s32 s2, s17  }
0x8e: {  	[smem:$0x3FC4] =	sst s2  }
0x8f: {  	_ = 	snop  }
0x90: {  	s2 =	sld [smem:$0x3FD0];
	(tm) =	ssettm $0x1  }
0x91: {  	s18 =	sld [smem:$0x3FFB];
	_ =	sdelay $0x3  }
0x92: {  	_ =	strace s18  }
0x93: {  	s3 =	sld [smem:$0x3FFC];
	_ =	sdelay $0x3  }
0x94: {  	_ =	strace s3  }
0x95: {  	s3 =	sld [smem:$0x3FFD];
	_ =	sdelay $0x3  }
0x96: {  	_ =	strace s3  }
0x97: {  	_ =	strace $0x8FFFFFFF  }
0x98: {  	s19 =	sld [smem:$0x3FDB];
	_ =	sdelay $0x1  }
0x99: {  	s4 =	simm.s32 $_scs_section_size  }
0x9a: {  	s5 =	simm.s32 $_size__tile_overlayer_lowered;
	s6 =	simm.s32 $_tile_overlayer_lowered  }
0x9b: {  	s22 =	simm.s32 $0x1BFF;
	s21 =	sshll.u32 s6, $0x1;
	s3 =	sadd.s32 s4, s19  }
0x9c: {  	s7 =	simm.s32 $0x0;
	s20 =	sshll.u32 s5, $0x1;
	s5 =	sadd.s32 s21, s3  }
0x9d: {  	[timem:s7], [sflag:s22] =	dma.local [hbm:s5], s20  }
0x9e: {  	_ =	swait.ge [sflag:s22], s20  }
0x9f: {  	s4 =	ssub.s32 $0x0, s20;
	[sflag:s22] =	ssyncset.done $0x0  }
0xa0: {  	[sflag:s22] =	ssyncadd.s32 s4;
	_ =	sdelay $0x1  }
0xa1: {  	s23 =	simm.s32 $0x1B8B  }
0xa2: {  	_ =	swait.ge [sflag:s23], $0x1  }
0xa3: {  	[sflag:s23] =	ssyncset.done $0x0  }
0xa4: {  	s25 =	simm.s32 $0x1B8E;
	s24 =	sld [smem:$0x3FFE];
	[sflag:s23] =	ssyncadd.s32 $0xFFFFFFFF  }
0xa5: {  	s26 =	simm.s32 $execute0_lowered;
	[smem:$0x3FD2] =	sst s25  }
0xa6: {  	s5 =	sshll.u32 s26, $0x1;
	_ =	strace $0x80000049;
	[dreg:$0x1] =	wrdreg $0xFFFFFFFF  }
0xa7: {  	s28 =	simm.s32 $_size_execute0_lowered;
	s3 =	sadd.s32 s3, s5;
	[dreg:$0x0] =	wrdreg $0x0  }
0xa8: {  	s5 =	sshll.u32 s28, $0x1;
	[dreg:$0x2] =	wrdreg s3  }
0xa9: {  	[dreg:$0x3] =	wrdreg s5  }
0xaa: {  	[dreg:$0x4] =	wrdreg $0xC0  }
0xab: {  	_ =	task [dreg:s7], $0x5FFFF  }
0xac: {  	[dreg:$0x1] =	wrdreg $0xFFFFFFFF  }
0xad: {  	[dreg:$0x0] =	wrdreg $0x60  }
0xae: {  	[dreg:$0x2] =	wrdreg s2  }
0xaf: {  	[dreg:$0x3] =	wrdreg s24  }
0xb0: {  	[dreg:$0x4] =	wrdreg $0xB0000  }
0xb1: {  	[dreg:$0x5] =	wrdreg $0x9  }
0xb2: {  	_ =	task.clear_ibuf [dreg:s7], $0x6FFFF;
	_ =	strace $0x90000049  }
0xb3: {  	s29 =	simm.s32 $0x9;
	_ =	strace $0x8000004B  }
0xb4: {  	_ =	swait.ge [sflag:s29], $0x1  }
0xb5: {  	[sflag:s29] =	ssyncadd.s32 $0xFFFFFFFF  }
0xb6: {  	_ =	strace $0x9000004B  }
0xb7: {  	_ =	sfence  }
0xb8: {  	s30 =	sld [smem:$0x0];
	_ =	sdelay $0x2  }
0xb9: {  	s31 =	sshll.u32 s1, $0xD;
	s1 =	sshrl.u32 s1, $0x2  }
0xba: {  	s3 =	sand.u32 $0x4000, s31;
	s1 =	sadd.s32 s1, s30  }
0xbb: {  	s0 =	sor.u32 s3, s0;
	s1 =	sshll.u32 s1, $0x11  }
0xbc: {  	s0 =	sor.u32 s1, s0  }
0xbd: {  	s0 =	sadd.s32 $0x8F2B, s0  }
0xbe: {  	[sflag:s0] =	ssyncadd.remote.s32 $0x1  }
0xbf: {  	_ =	sfence.sel $0xFFFF  }
0xc0: {  	[dreg:$0x0] =	wrdreg $0xFFFFFFFF;
	(pc) =	sbr.abs _section_cstart, $3  }
0xc1: {  	[dreg:$0x1] =	wrdreg $0xFFFFFFFF  }
0xc2: {  	_ =	task.clear_ibuf [dreg:s7], $0x2FFFF;
	_ =	strace $0x9FFFFFFF  }
0xc3: {  	(tm) =	ssettm $0x7FFFFFFF  }
tec
execute0_lowered:
.L_overlay_start_1:
0x0: {  	(tag) =	ssettag $0x1  }
0x1: {  	s1 =	rddreg [dreg:$0x0]  }
0x2: {  	s0 =	srdreg.scid;
	s8 =	rddreg [dreg:$0x1]  }
0x3: {  	s14 =	stileid.u32;
	s3 =	rddreg [dreg:$0x2]  }
0x4: {  	s4 =	simm.s32 $0x0;
	s17 =	simm.s32 $0x40;
	s18 =	simm.s32 $0x5000  }
0x5: {  	s19 =	simm.s32 $0x7000;
	s20 =	simm.s32 $0x80;
	s21 =	simm.s32 $0x9000  }
0x6: {  	s22 =	simm.s32 $0x1;
	s23 =	simm.s32 $0x2;
	s24 =	simm.s32 $0x3  }
0x7: {  	s28 =	simm.s32 $0x4F40;
	s29 =	simm.s32 $0x4F80;
	s30 =	simm.s32 $0x4FC0  }
0x8: {  	s31 =	simm.s32 $0x0;
	s0 =	sand.u32 $0x1, s0;
	s5 =	smul.u32 $0x2700, s14  }
0x9: {  	[smem:$0x7FF] =	sst s4;
	s7 =	smul.u32 $0x4E000, s14;
	s26 =	sshll.u32 s14, $0x6  }
0xa: {  	s15 =	sadd.s32 $0x138000, s3;
	p0 =	sne.s32 s14, $0xF;
	s2 =	sshll.u32 s0, $0x4  }
0xb: {  	s6 =	smul.u32 $0x27100, s0;
	_ =	strace $0x8000004A;
	s0 =	ssub.s32 $0x2, s0  }
0xc: {  	s15 =	sshrl.u32 @!p0 s15, $0x3;
	s2 =	sor.u32 s14, s2;
	s9 =	sadd.s32 s5, s8  }
0xd: {  	s25 =	sshrl.u32 s0, $0x1;
	s7 =	sshrl.u32 s7, $0x2;
	s14 =	simm.s32 $0x4  }
0xe: {  	s2 =	smul.u32 $0x500, s2;
	s11 =	sadd.s32 s6, s8;
	s0 =	ssub.s32 s0, s25  }
0xf: {  	s13 =	sadd.s32 s7, s3;
	s6 =	sadd.s32 $0x15400, s9;
	s7 =	sor.u32 $0x1C04, s26  }
0x10: {  	s25 =	simm.s32 $0x4F00;
	s26 =	simm.s32 $0x27C0;
	s11 =	sadd.s32 $0x3C600, s11  }
0x11: {  	s12 =	smax.u32 s0, $0x1;
	s13 =	sshrl.u32 s13, $0x3;
	s2 =	sadd.s32 s2, s8  }
0x12: {  	s8 =	sadd.s32 $0x3C400, s8;
	s9 =	sadd.s32 $0x1400, s2;
	s10 =	sadd.s32 $0xB400, s2  }
.LBB2_1:
0x13: {  	[spmem:s13], [sflag:s7] =	dma.local [hbm:s6], $0x2700  }
0x14: {  	_ =	swait.ge [sflag:s14], $0x2700  }
0x15: {  	[sflag:s14] =	ssyncset.done $0x0  }
0x16: {  	s0 =	simm.s32 @!p0 $0x4;
	[sflag:s14] =	ssyncadd.s32 $0xFFFFD900  }
0x17: {  	[spmem:s15], [sflag:s7] =	dma.local @!p0 [hbm:s8], $0x180  }
0x18: {  	_ =	swait.ge @!p0 [sflag:s0], $0x180  }
0x19: {  	[sflag:s0] =	ssyncset.done @!p0 $0x0  }
0x1a: {  	[sflag:s0] =	ssyncadd.s32 @!p0 $0xFFFFFE80  }
0x1b: {  	[tilespmem:s4], [sflag:$0x4] =	stream.linear.gather [hbm4b:s9+s4], $0x2800, $0x38;
	[tilespmem:$0x1E8C0] =	vst v63  }
0x1c: {  	_ =	swait.ge [sflag:s14], $0x2800  }
0x1d: {  	[sflag:s14] =	ssyncset.done $0x0  }
0x1e: {  	s2 =	simm.s32 $0x2800;
	[sflag:s14] =	ssyncadd.s32 $0xFFFFD800  }
0x1f: {  	[tilespmem:s2], [sflag:$0x4] =	stream.linear.gather [hbm4b:s10+s4], $0x2800, $0x38;
	[tilespmem:$0x1E8C0] =	vst v63  }
0x20: {  	_ =	swait.ge [sflag:s14], $0x2800  }
0x21: {  	[sflag:s14] =	ssyncset.done $0x0  }
0x22: {  	[sflag:s14] =	ssyncadd.s32 $0xFFFFD800  }
0x23: {  	[bflag:$0x0] =	sbarrier.arrive $0xFFFF  }
0x24: {  	[tilespmem:s18], [sflag:$0x1] =	stream.indirect.gather [hbm4b:s1+s17], $0x80, s4, s17, $0xb8;
	[tilespmem:$0x1E8C0] =	vst v63  }
0x25: {  	_ = 	snop  }
0x26: {  	[tilespmem:s19], [sflag:$0x2] =	stream.indirect.gather [hbm4b:s1+s17], $0x80, s17, s17, $0xb8;
	[tilespmem:$0x1E8C0] =	vst v63  }
0x27: {  	_ = 	snop  }
0x28: {  	[tilespmem:s21], [sflag:$0x3] =	stream.indirect.gather [hbm4b:s1+s17], $0x80, s20, s17, $0xb8;
	[tilespmem:$0x1E8C0] =	vst v63  }
0x29: {  	_ =	swait.ge [sflag:s22], $0x2000  }
0x2a: {  	[sflag:s22] =	ssyncset.done $0x0  }
0x2b: {  	s16 =	simm.s32 $0x2800;
	[sflag:s22] =	ssyncadd.s32 $0xFFFFE000  }
0x2c: {  	[spmem:s3] =	stream.indirect.scatter.add.f32 [tilespmem:s18], [sflag:$0x4], $0x80, s16, s17, $0xb8;
	[tilespmem:$0x1E8C0] =	vst v63  }
0x2d: {  	_ =	swait.ge [sflag:s14], $0x2000  }
0x2e: {  	[sflag:s14] =	ssyncset.done $0x0  }
0x2f: {  	s2 =	simm.s32 $0xC0;
	[sflag:s14] =	ssyncadd.s32 $0xFFFFE000  }
0x30: {  	[tilespmem:s18], [sflag:$0x1] =	stream.indirect.gather [hbm4b:s1+s17], $0x80, s2, s17, $0xb8;
	[tilespmem:$0x1E8C0] =	vst v63  }
0x31: {  	_ =	swait.ge [sflag:s23], $0x2000  }
0x32: {  	[sflag:s23] =	ssyncset.done $0x0  }
0x33: {  	s16 =	simm.s32 $0x2840;
	[sflag:s23] =	ssyncadd.s32 $0xFFFFE000  }
0x34: {  	[spmem:s3] =	stream.indirect.scatter.add.f32 [tilespmem:s19], [sflag:$0x4], $0x80, s16, s17, $0xb8;
	[tilespmem:$0x1E8C0] =	vst v63  }
0x35: {  	_ =	swait.ge [sflag:s14], $0x2000  }
0x36: {  	[sflag:s14] =	ssyncset.done $0x0  }
0x37: {  	s2 =	simm.s32 $0x100;
	[sflag:s14] =	ssyncadd.s32 $0xFFFFE000  }
0x38: {  	[tilespmem:s19], [sflag:$0x2] =	stream.indirect.gather [hbm4b:s1+s17], $0x80, s2, s17, $0xb8;
	[tilespmem:$0x1E8C0] =	vst v63  }
0x39: {  	_ =	swait.ge [sflag:s24], $0x2000  }
0x3a: {  	[sflag:s24] =	ssyncset.done $0x0  }
0x3b: {  	s16 =	simm.s32 $0x2880;
	[sflag:s24] =	ssyncadd.s32 $0xFFFFE000  }
0x3c: {  	[spmem:s3] =	stream.indirect.scatter.add.f32 [tilespmem:s21], [sflag:$0x4], $0x80, s16, s17, $0xb8;
	[tilespmem:$0x1E8C0] =	vst v63  }
0x3d: {  	_ =	swait.ge [sflag:s14], $0x2000  }
0x3e: {  	[sflag:s14] =	ssyncset.done $0x0  }
0x3f: {  	s2 =	simm.s32 $0x140;
	[sflag:s14] =	ssyncadd.s32 $0xFFFFE000  }
0x40: {  	[tilespmem:s21], [sflag:$0x3] =	stream.indirect.gather [hbm4b:s1+s17], $0x80, s2, s17, $0xb8;
	[tilespmem:$0x1E8C0] =	vst v63  }
0x41: {  	_ =	swait.ge [sflag:s22], $0x2000  }
0x42: {  	[sflag:s22] =	ssyncset.done $0x0  }
0x43: {  	s16 =	simm.s32 $0x28C0;
	[sflag:s22] =	ssyncadd.s32 $0xFFFFE000  }
0x44: {  	[spmem:s3] =	stream.indirect.scatter.add.f32 [tilespmem:s18], [sflag:$0x4], $0x80, s16, s17, $0xb8;
	[tilespmem:$0x1E8C0] =	vst v63  }
0x45: {  	_ =	swait.ge [sflag:s14], $0x2000  }
0x46: {  	[sflag:s14] =	ssyncset.done $0x0  }
0x47: {  	s2 =	simm.s32 $0x180;
	[sflag:s14] =	ssyncadd.s32 $0xFFFFE000  }
0x48: {  	[tilespmem:s18], [sflag:$0x1] =	stream.indirect.gather [hbm4b:s1+s17], $0x80, s2, s17, $0xb8;
	[tilespmem:$0x1E8C0] =	vst v63  }
0x49: {  	_ =	swait.ge [sflag:s23], $0x2000  }
0x4a: {  	[sflag:s23] =	ssyncset.done $0x0  }
0x4b: {  	s16 =	simm.s32 $0x2900;
	[sflag:s23] =	ssyncadd.s32 $0xFFFFE000  }
0x4c: {  	[spmem:s3] =	stream.indirect.scatter.add.f32 [tilespmem:s19], [sflag:$0x4], $0x80, s16, s17, $0xb8;
	[tilespmem:$0x1E8C0] =	vst v63  }
0x4d: {  	_ =	swait.ge [sflag:s14], $0x2000  }
0x4e: {  	[sflag:s14] =	ssyncset.done $0x0  }
0x4f: {  	s2 =	simm.s32 $0x1C0;
	[sflag:s14] =	ssyncadd.s32 $0xFFFFE000  }
0x50: {  	[tilespmem:s19], [sflag:$0x2] =	stream.indirect.gather [hbm4b:s1+s17], $0x80, s2, s17, $0xb8;
	[tilespmem:$0x1E8C0] =	vst v63  }
0x51: {  	_ =	swait.ge [sflag:s24], $0x2000  }
0x52: {  	[sflag:s24] =	ssyncset.done $0x0  }
0x53: {  	s16 =	simm.s32 $0x2940;
	[sflag:s24] =	ssyncadd.s32 $0xFFFFE000  }
0x54: {  	[spmem:s3] =	stream.indirect.scatter.add.f32 [tilespmem:s21], [sflag:$0x4], $0x80, s16, s17, $0xb8;
	[tilespmem:$0x1E8C0] =	vst v63  }
0x55: {  	_ =	swait.ge [sflag:s14], $0x2000  }
0x56: {  	[sflag:s14] =	ssyncset.done $0x0  }
0x57: {  	s0 =	simm.s32 $0x200;
	s2 =	simm.s32 $0x600;
	[sflag:s14] =	ssyncadd.s32 $0xFFFFE000  }
.LBB2_2:
0x58: {  	[tilespmem:s21], [sflag:$0x3] =	stream.indirect.gather [hbm4b:s1+s17], $0x80, s0, s17, $0xb8;
	[tilespmem:$0x1E8C0] =	vst v63  }
0x59: {  	s0 =	smov.u32 s2  }
0x5a: {  	p1 =	sne.s32 s2, $0x9600;
	s2 =	sadd.s32 $0x600, s2;
	_ =	swait.ge [sflag:s22], $0x2000  }
0x5b: {  	s0 =	sshra.s32 s0, $0x2;
	[sflag:s22] =	ssyncset.done $0x0  }
0x5c: {  	s16 =	sadd.s32 $0x2800, s0;
	[sflag:s22] =	ssyncadd.s32 $0xFFFFE000  }
0x5d: {  	[spmem:s3] =	stream.indirect.scatter.add.f32 [tilespmem:s18], [sflag:$0x4], $0x80, s16, s17, $0xb8;
	[tilespmem:$0x1E8C0] =	vst v63  }
0x5e: {  	_ =	swait.ge [sflag:s14], $0x2000  }
0x5f: {  	[sflag:s14] =	ssyncset.done $0x0  }
0x60: {  	s16 =	sadd.s32 $0xC0, s0;
	[sflag:s14] =	ssyncadd.s32 $0xFFFFE000  }
0x61: {  	[tilespmem:s18], [sflag:$0x1] =	stream.indirect.gather [hbm4b:s1+s17], $0x80, s16, s17, $0xb8;
	[tilespmem:$0x1E8C0] =	vst v63  }
0x62: {  	_ =	swait.ge [sflag:s23], $0x2000  }
0x63: {  	[sflag:s23] =	ssyncset.done $0x0  }
0x64: {  	s16 =	sadd.s32 $0x2840, s0;
	[sflag:s23] =	ssyncadd.s32 $0xFFFFE000  }
0x65: {  	[spmem:s3] =	stream.indirect.scatter.add.f32 [tilespmem:s19], [sflag:$0x4], $0x80, s16, s17, $0xb8;
	[tilespmem:$0x1E8C0] =	vst v63  }
0x66: {  	_ =	swait.ge [sflag:s14], $0x2000  }
0x67: {  	[sflag:s14] =	ssyncset.done $0x0  }
0x68: {  	s16 =	sadd.s32 $0x100, s0;
	[sflag:s14] =	ssyncadd.s32 $0xFFFFE000  }
0x69: {  	[tilespmem:s19], [sflag:$0x2] =	stream.indirect.gather [hbm4b:s1+s17], $0x80, s16, s17, $0xb8;
	[tilespmem:$0x1E8C0] =	vst v63  }
0x6a: {  	_ =	swait.ge [sflag:s24], $0x2000  }
0x6b: {  	[sflag:s24] =	ssyncset.done $0x0  }
0x6c: {  	s16 =	sadd.s32 $0x2880, s0;
	[sflag:s24] =	ssyncadd.s32 $0xFFFFE000  }
0x6d: {  	[spmem:s3] =	stream.indirect.scatter.add.f32 [tilespmem:s21], [sflag:$0x4], $0x80, s16, s17, $0xb8;
	[tilespmem:$0x1E8C0] =	vst v63  }
0x6e: {  	_ =	swait.ge [sflag:s14], $0x2000  }
0x6f: {  	[sflag:s14] =	ssyncset.done $0x0  }
0x70: {  	s16 =	sadd.s32 $0x140, s0;
	[sflag:s14] =	ssyncadd.s32 $0xFFFFE000  }
0x71: {  	[tilespmem:s21], [sflag:$0x3] =	stream.indirect.gather [hbm4b:s1+s17], $0x80, s16, s17, $0xb8;
	[tilespmem:$0x1E8C0] =	vst v63  }
0x72: {  	_ =	swait.ge [sflag:s22], $0x2000  }
0x73: {  	[sflag:s22] =	ssyncset.done $0x0  }
0x74: {  	s16 =	sadd.s32 $0x28C0, s0;
	[sflag:s22] =	ssyncadd.s32 $0xFFFFE000  }
0x75: {  	[spmem:s3] =	stream.indirect.scatter.add.f32 [tilespmem:s18], [sflag:$0x4], $0x80, s16, s17, $0xb8;
	[tilespmem:$0x1E8C0] =	vst v63  }
0x76: {  	_ =	swait.ge [sflag:s14], $0x2000  }
0x77: {  	[sflag:s14] =	ssyncset.done $0x0  }
0x78: {  	s16 =	sadd.s32 $0x180, s0;
	[sflag:s14] =	ssyncadd.s32 $0xFFFFE000  }
0x79: {  	[tilespmem:s18], [sflag:$0x1] =	stream.indirect.gather [hbm4b:s1+s17], $0x80, s16, s17, $0xb8;
	[tilespmem:$0x1E8C0] =	vst v63  }
0x7a: {  	_ =	swait.ge [sflag:s23], $0x2000  }
0x7b: {  	[sflag:s23] =	ssyncset.done $0x0  }
0x7c: {  	s16 =	sadd.s32 $0x2900, s0;
	[sflag:s23] =	ssyncadd.s32 $0xFFFFE000  }
0x7d: {  	[spmem:s3] =	stream.indirect.scatter.add.f32 [tilespmem:s19], [sflag:$0x4], $0x80, s16, s17, $0xb8;
	[tilespmem:$0x1E8C0] =	vst v63  }
0x7e: {  	_ =	swait.ge [sflag:s14], $0x2000  }
0x7f: {  	[sflag:s14] =	ssyncset.done $0x0  }
0x80: {  	s16 =	sadd.s32 $0x1C0, s0;
	[sflag:s14] =	ssyncadd.s32 $0xFFFFE000  }
0x81: {  	[tilespmem:s19], [sflag:$0x2] =	stream.indirect.gather [hbm4b:s1+s17], $0x80, s16, s17, $0xb8;
	[tilespmem:$0x1E8C0] =	vst v63  }
0x82: {  	_ =	swait.ge [sflag:s24], $0x2000  }
0x83: {  	[sflag:s24] =	ssyncset.done $0x0  }
.Ltmp0:
0x84: {  	s16 =	sadd.s32 $0x2940, s0;
	[sflag:s24] =	ssyncadd.s32 $0xFFFFE000;
	(pc) =	sbr.rel @p1 .LBB2_2-.Ltmp0, $4  }
0x85: {  	[spmem:s3] =	stream.indirect.scatter.add.f32 [tilespmem:s21], [sflag:$0x4], $0x80, s16, s17, $0xb8;
	[tilespmem:$0x1E8C0] =	vst v63  }
0x86: {  	_ =	swait.ge [sflag:s14], $0x2000  }
0x87: {  	[sflag:s14] =	ssyncset.done $0x0  }
0x88: {  	s0 =	sadd.s32 $0x200, s0;
	[sflag:s14] =	ssyncadd.s32 $0xFFFFE000  }
0x89: {  	[tilespmem:s21], [sflag:$0x3] =	stream.indirect.gather [hbm4b:s1+s17], $0x80, s0, s17, $0xb8;
	[tilespmem:$0x1E8C0] =	vst v63  }
0x8a: {  	_ =	swait.ge [sflag:s22], $0x2000  }
0x8b: {  	[sflag:s22] =	ssyncset.done $0x0  }
0x8c: {  	[sflag:s22] =	ssyncadd.s32 $0xFFFFE000  }
0x8d: {  	[spmem:s3] =	stream.indirect.scatter.add.f32 [tilespmem:s18], [sflag:$0x4], $0x80, s25, s17, $0xb8;
	[tilespmem:$0x1E8C0] =	vst v63  }
0x8e: {  	_ =	swait.ge [sflag:s14], $0x2000  }
0x8f: {  	[sflag:s14] =	ssyncset.done $0x0  }
0x90: {  	[sflag:s14] =	ssyncadd.s32 $0xFFFFE000  }
0x91: {  	[tilespmem:s18], [sflag:$0x1] =	stream.indirect.gather [hbm4b:s1+s17], $0x80, s26, s17, $0xb8;
	[tilespmem:$0x1E8C0] =	vst v63  }
0x92: {  	_ =	swait.ge [sflag:s23], $0x2000  }
0x93: {  	[sflag:s23] =	ssyncset.done $0x0  }
0x94: {  	[sflag:s23] =	ssyncadd.s32 $0xFFFFE000  }
0x95: {  	[spmem:s3] =	stream.indirect.scatter.add.f32 [tilespmem:s19], [sflag:$0x4], $0x80, s28, s17, $0xb8;
	[tilespmem:$0x1E8C0] =	vst v63  }
0x96: {  	_ =	swait.ge [sflag:s14], $0x2000  }
0x97: {  	[sflag:s14] =	ssyncset.done $0x0  }
0x98: {  	[sflag:s14] =	ssyncadd.s32 $0xFFFFE000  }
0x99: {  	_ =	swait.ge [sflag:s24], $0x2000  }
0x9a: {  	[sflag:s24] =	ssyncset.done $0x0  }
0x9b: {  	[sflag:s24] =	ssyncadd.s32 $0xFFFFE000  }
0x9c: {  	[spmem:s3] =	stream.indirect.scatter.add.f32 [tilespmem:s21], [sflag:$0x4], $0x80, s29, s17, $0xb8;
	[tilespmem:$0x1E8C0] =	vst v63  }
0x9d: {  	_ =	swait.ge [sflag:s14], $0x2000  }
0x9e: {  	[sflag:s14] =	ssyncset.done $0x0  }
0x9f: {  	[sflag:s14] =	ssyncadd.s32 $0xFFFFE000  }
0xa0: {  	_ =	swait.ge [sflag:s22], $0x2000  }
0xa1: {  	[sflag:s22] =	ssyncset.done $0x0  }
0xa2: {  	[sflag:s22] =	ssyncadd.s32 $0xFFFFE000  }
0xa3: {  	[spmem:s3] =	stream.indirect.scatter.add.f32 [tilespmem:s18], [sflag:$0x4], $0x80, s30, s17, $0xb8;
	[tilespmem:$0x1E8C0] =	vst v63  }
0xa4: {  	_ =	swait.ge [sflag:s14], $0x2000  }
0xa5: {  	[sflag:s14] =	ssyncset.done $0x0  }
0xa6: {  	[sflag:s14] =	ssyncadd.s32 $0xFFFFE000  }
0xa7: {  	s16 =	sadd.s32 s5, s11;
	[bflag:$0x0] =	sbarrier.arrive $0xFFFF  }
0xa8: {  	[hbm:s16], [sflag:s7] =	dma.local [spmem:s13], $0x2700  }
0xa9: {  	_ =	swait.ge [sflag:s14], $0x2700  }
0xaa: {  	s31 =	sadd.s32 $0x1, s31;
	[sflag:s14] =	ssyncset.done $0x0  }
0xab: {  	s0 =	sadd.s32 @!p0 $0x27000, s11;
	p1 =	sne.s32 s31, s12;
	[sflag:s14] =	ssyncadd.s32 $0xFFFFD900  }
0xac: {  	[hbm:s0], [sflag:s7] =	dma.local @!p0 [spmem:s15], $0x100  }
.Ltmp1:
0xad: {  	_ = 	snop;
	(pc) =	sbr.rel @p1 .LBB2_1-.Ltmp1, $4  }
0xae: {  	s0 =	simm.s32 @!p0 $0x4  }
0xaf: {  	_ =	swait.ge @!p0 [sflag:s0], $0x100  }
0xb0: {  	[sflag:s0] =	ssyncset.done @!p0 $0x0  }
0xb1: {  	[sflag:s0] =	ssyncadd.s32 @!p0 $0xFFFFFF00  }
0xb2: {  	_ =	sfence.sel $0x180000  }
0xb3: {  	[bflag:$0x0] =	sbarrier.arrive $0xFFFF  }
0xb4: {  	_ =	strace $0x9000004A  }
0xb5: {  	s0 =	stileid.u32;
	[bflag:$0x2] =	sbarrier.arrive $0xFFFF  }
0xb6: {  	p0 =	sne.s32 s0, $0x0;
	s0 =	rddreg [dreg:$0x3]  }
0xb7: {  	s0 =	sadd.s32 @!p0 $0x100000, s0  }
0xb8: {  	[sflag:s0] =	ssyncadd.tile.s32 @!p0 $0x1;
	_ =	shalt  }
.Lfunc_end2:
_tile_overlayer_lowered:
.L_overlay_start_2:
0xb9: {  	(tag) =	ssettag $0x2  }
0xba: {  	s0 =	rddreg [dreg:$0x0];
	s2 =	stileid.u32  }
0xbb: {  	s1 =	rddreg [dreg:$0x1];
	p0 =	sne.s32 s2, $0x0  }
0xbc: {  	s3 =	rddreg [dreg:$0x2];
	[bflag:$0x3] =	sbarrier.arrive $0xFFFF;
	s2 =	simm.s32 @!p0 $0x1C04  }
0xbd: {  	[timem:s3], [sflag:s2] =	dma.local @!p0 [hbm:s0], s1  }
0xbe: {  	s0 =	simm.s32 @!p0 $0x4  }
0xbf: {  	_ =	swait.ge @!p0 [sflag:s0], s1  }
0xc0: {  	s1 =	ssub.s32 @!p0 $0x0, s1;
	[sflag:s0] =	ssyncset.done @!p0 $0x0  }
0xc1: {  	[sflag:s0] =	ssyncadd.s32 @!p0 s1  }
0xc2: {  	[bflag:$0x3] =	sbarrier.arrive $0xFFFF  }
0xc3: {  	_ =	shalt  }

</sc_bundles>
